<compile_context>
chip_gen: v7x
topology: tpu7x:2x2x1
jax: 0.10.2.dev20260603
libtpu: 0.0.44.dev20260713+nightly
codegen_flags: <defaults>
</compile_context>

<pallas_src>
import functools

import jax
import jax.numpy as jnp
from jax import lax
from jax.experimental import pallas as pl
from jax.experimental.pallas import tpu as pltpu
from jax.experimental.pallas import tpu_sc as plsc

_B, _T, _P = 32, 4096, 128
_ROWS = _B * _T
_NC, _NS = 2, 16
_NW = _NC * _NS
_RPW = _ROWS // _NW
_C = 128
_CHUNK = _C * _P
_NCHUNK = _RPW // _C
_GROUPS = _C // 16
_NCHAIN = 8
_CLEN = _P // _NCHAIN


def _argmax_group(in_b, rowoff):
    iota = lax.iota(jnp.int32, 16)
    bases = [rowoff + _CLEN * t for t in range(_NCHAIN)]
    ms = []
    bis = []
    for t in range(_NCHAIN):
        idx = bases[t] + iota
        ms.append(plsc.load_gather(in_b, [idx]))
        bis.append(idx)

    def col_step(j, carry):
        cv = (carry[0] + 1) & (_CLEN - 1)
        out = [cv]
        for t in range(_NCHAIN):
            m, bi = carry[1 + 2 * t], carry[2 + 2 * t]
            idx = bases[t] + cv
            v = plsc.load_gather(in_b, [idx])
            gt = v > m
            out.append(jnp.where(gt, v, m))
            out.append(jnp.where(gt, idx, bi))
        return tuple(out)

    init = [iota]
    for t in range(_NCHAIN):
        init.append(ms[t])
        init.append(bis[t])
    res = plsc.parallel_loop(1, _CLEN, unroll=5, carry=tuple(init))(col_step)
    ms = [res[1 + 2 * t] for t in range(_NCHAIN)]
    bis = [res[2 + 2 * t] for t in range(_NCHAIN)]
    while len(ms) > 1:
        nm, nb = [], []
        for i in range(0, len(ms), 2):
            ge = ms[i] >= ms[i + 1]
            nm.append(jnp.where(ge, ms[i], ms[i + 1]))
            nb.append(jnp.where(ge, bis[i], bis[i + 1]))
        ms, bis = nm, nb
    return bis[0]


def _sc_body(x_hbm, o_hbm, in0, in1, in2, out0, out1, out2, pos0, pos1,
             pos2, isem0, isem1, isem2, osem0, osem1, osem2):
    wid = lax.axis_index("s") * _NC + lax.axis_index("c")
    base = wid * (_RPW * _P)

    iota = lax.iota(jnp.int32, 16)
    rowoff0 = iota * _P
    zero16 = jnp.zeros((16,), jnp.float32)
    one16 = jnp.ones((16,), jnp.float32)

    ins = (in0, in1, in2)
    outs = (out0, out1, out2)
    poss = (pos0, pos1, pos2)
    isems = (isem0, isem1, isem2)
    osems = (osem0, osem1, osem2)

    def zinit(i, carry):
        out0[pl.ds(i * 16, 16)] = zero16
        out1[pl.ds(i * 16, 16)] = zero16
        out2[pl.ds(i * 16, 16)] = zero16
        return carry
    lax.fori_loop(0, _CHUNK // 16, zinit, 0)
    for g in range(_GROUPS):
        pos0[pl.ds(g * 16, 16)] = rowoff0 + g * (16 * _P)
        pos1[pl.ds(g * 16, 16)] = rowoff0 + g * (16 * _P)
        pos2[pl.ds(g * 16, 16)] = rowoff0 + g * (16 * _P)

    pltpu.async_copy(x_hbm.at[pl.ds(base, _CHUNK)], in0, isem0)
    pltpu.async_copy(x_hbm.at[pl.ds(base + _CHUNK, _CHUNK)], in1, isem1)
    pltpu.async_copy(x_hbm.at[pl.ds(base + 2 * _CHUNK, _CHUNK)], in2, isem2)

    def do_chunk(chunk, b3, last):
        off = base + chunk * _CHUNK
        in_b, out_b, pos_b = ins[b3], outs[b3], poss[b3]
        isem, osem = isems[b3], osems[b3]

        pltpu.make_async_copy(
            x_hbm.at[pl.ds(off, _CHUNK)], in_b, isem).wait()

        @pl.when(chunk >= 3)
        def _wait_prev_out():
            poff = base + (chunk - 3) * _CHUNK
            pltpu.make_async_copy(
                out_b, o_hbm.at[pl.ds(poff, _CHUNK)], osem).wait()

        def group_fn(g, gcarry):
            rowoff = rowoff0 + g * (16 * _P)
            bi = _argmax_group(in_b, rowoff)
            prev = pos_b[pl.ds(g * 16, 16)]
            plsc.store_scatter(out_b, [prev], zero16, mask=prev != bi)
            plsc.store_scatter(out_b, [bi], one16)
            pos_b[pl.ds(g * 16, 16)] = bi
            return gcarry
        lax.fori_loop(0, _GROUPS, group_fn, 0)

        pltpu.async_copy(out_b, o_hbm.at[pl.ds(off, _CHUNK)], osem)

        if not last:
            @pl.when(chunk + 3 < _NCHUNK)
            def _fetch_next():
                noff = base + (chunk + 3) * _CHUNK
                pltpu.async_copy(x_hbm.at[pl.ds(noff, _CHUNK)], in_b, isem)


    def super_step(s, carry):
        c0 = s * 3
        for k in range(3):
            do_chunk(c0 + k, k, False)
        return carry

    lax.fori_loop(0, (_NCHUNK - 2) // 3, super_step, 0)
    do_chunk(_NCHUNK - 2, (_NCHUNK - 2) % 3, True)
    do_chunk(_NCHUNK - 1, (_NCHUNK - 1) % 3, True)

    for chunk in range(_NCHUNK - 3, _NCHUNK):
        off = base + chunk * _CHUNK
        pltpu.make_async_copy(
            outs[chunk % 3], o_hbm.at[pl.ds(off, _CHUNK)],
            osems[chunk % 3]).wait()


@functools.partial(jax.jit, static_argnums=())
def _sc_onehot_argmax(xf):
    mesh = plsc.VectorSubcoreMesh(
        core_axis_name="c", subcore_axis_name="s",
        num_cores=_NC, num_subcores=_NS)
    f = pl.kernel(
        _sc_body,
        out_type=jax.ShapeDtypeStruct((_ROWS * _P,), jnp.float32),
        mesh=mesh,
        scratch_types=[
            pltpu.VMEM((_CHUNK,), jnp.float32),
            pltpu.VMEM((_CHUNK,), jnp.float32),
            pltpu.VMEM((_CHUNK,), jnp.float32),
            pltpu.VMEM((_CHUNK,), jnp.float32),
            pltpu.VMEM((_CHUNK,), jnp.float32),
            pltpu.VMEM((_CHUNK,), jnp.float32),
            pltpu.VMEM((_C,), jnp.int32),
            pltpu.VMEM((_C,), jnp.int32),
            pltpu.VMEM((_C,), jnp.int32),
            pltpu.SemaphoreType.DMA,
            pltpu.SemaphoreType.DMA,
            pltpu.SemaphoreType.DMA,
            pltpu.SemaphoreType.DMA,
            pltpu.SemaphoreType.DMA,
            pltpu.SemaphoreType.DMA,
        ],
        compiler_params=pltpu.CompilerParams(needs_layout_passes=False),
    )
    return f(xf)


def kernel(x):
    b, t, p = x.shape
    y = _sc_onehot_argmax(x.reshape(-1))
    return y.reshape(b, t, p)

# --- scband reference (transcript-rebuilt; emitter-appended) ---
"""Pipeline reference for scband-monophonic-layer-206158430931 (READ-ONLY COPY).

The authoritative reference and input builder live on the scoring server;
editing this copy changes nothing except your own understanding.
"""

import jax, jax.numpy as jnp
import numpy as np


def setup_inputs(seed: int = 0) -> dict:
    key = jax.random.key(seed)
    x = jax.random.normal(key, (32, 4096, 128), dtype=jnp.float32)
    return {"x": x}


def reference(x):
    # MonophonicSTE forward: hard one-hot of the argmax along dim=2
    max_idx = jnp.argmax(x, axis=2)
    y_hard = jax.nn.one_hot(max_idx, x.shape[2], dtype=x.dtype)
    return y_hard

if __name__ == "__main__":
    import jax
    _d = setup_inputs()
    print(jax.jit(kernel)(*tuple(_d.values())))

</pallas_src>

<mosaic_0001>
#map = affine_map<(d0, d1) -> (0)>
module attributes {stable_mosaic.version = 14 : i64} {
  func.func @_sc_body(%arg0: i32, %arg1: i32, %arg2: memref<16777216xf32, #tpu.memory_space<hbm>>, %arg3: memref<16777216xf32, #tpu.memory_space<hbm>>, %arg4: memref<16384xf32, #tpu.memory_space<vmem>>, %arg5: memref<16384xf32, #tpu.memory_space<vmem>>, %arg6: memref<16384xf32, #tpu.memory_space<vmem>>, %arg7: memref<16384xf32, #tpu.memory_space<vmem>>, %arg8: memref<16384xf32, #tpu.memory_space<vmem>>, %arg9: memref<16384xf32, #tpu.memory_space<vmem>>, %arg10: memref<128xi32, #tpu.memory_space<vmem>>, %arg11: memref<128xi32, #tpu.memory_space<vmem>>, %arg12: memref<128xi32, #tpu.memory_space<vmem>>, %arg13: memref<!tpu.dma_semaphore, #tpu.memory_space<semaphore_mem>>, %arg14: memref<!tpu.dma_semaphore, #tpu.memory_space<semaphore_mem>>, %arg15: memref<!tpu.dma_semaphore, #tpu.memory_space<semaphore_mem>>, %arg16: memref<!tpu.dma_semaphore, #tpu.memory_space<semaphore_mem>>, %arg17: memref<!tpu.dma_semaphore, #tpu.memory_space<semaphore_mem>>, %arg18: memref<!tpu.dma_semaphore, #tpu.memory_space<semaphore_mem>>) attributes {dimension_semantics = [#tpu.dimension_semantics<core_parallel>, #tpu.dimension_semantics<subcore_parallel>], iteration_bounds = array<i64: 2, 16>, scalar_prefetch = 0 : i64, scratch_operands = 15 : i64, tpu.core_type = #tpu.core_type<sc_vector_subcore>, window_params = [{transform_indices = #map}, {transform_indices = #map}]} {
    %mul3A = arith.constant 2 : i32
    %mul3A_0 = arith.muli %arg1, %mul3A : i32
    %add3A = arith.addi %mul3A_0, %arg0 : i32
    %mul3A_1 = arith.constant 524288 : i32
    %mul3A_2 = arith.muli %add3A, %mul3A_1 : i32
    %iota3A = tpu.iota {dimensions = array<i32: 0>} : vector<16xi32>
    %mul3A_3 = arith.constant 128 : i32
    %mul3A_4 = vector.broadcast %mul3A_3 : i32 to vector<16xi32>
    %mul3A_5 = arith.muli %iota3A, %mul3A_4 : vector<16xi32>
    %broadcast_in_dim3A = arith.constant 0.000000e+00 : f32
    %broadcast_in_dim3A_6 = vector.broadcast %broadcast_in_dim3A : f32 to vector<16xf32>
    %broadcast_in_dim3A_7 = arith.constant 1.000000e+00 : f32
    %broadcast_in_dim3A_8 = vector.broadcast %broadcast_in_dim3A_7 : f32 to vector<16xf32>
    %scan3A = arith.constant 0 : i32
    %scan3A_9 = arith.constant 0 : i32
    %scan3A_10 = arith.constant 1024 : i32
    %scan3A_11 = arith.addi %scan3A_9, %scan3A_10 : i32
    %scan3A_12 = arith.constant 1 : i32
    scf.for %scan3A_191 = %scan3A_9 to %scan3A_11 step %scan3A_12  : i32 {
      %mul3A_192 = arith.constant 16 : i32
      %mul3A_193 = arith.muli %scan3A_191, %mul3A_192 : i32
      %swap3A_194 = arith.index_cast %mul3A_193 : i32 to index
      %swap3A_195 = tpu.vector_load %arg7[%swap3A_194] {strides = array<i32>} : memref<16384xf32, #tpu.memory_space<vmem>>, vector<16xf32>,
      tpu.vector_store %arg7[%swap3A_194], %broadcast_in_dim3A_6 {strides = array<i32>} : memref<16384xf32, #tpu.memory_space<vmem>>, vector<16xf32>,
      %mul3A_196 = arith.constant 16 : i32
      %mul3A_197 = arith.muli %scan3A_191, %mul3A_196 : i32
      %swap3A_198 = arith.index_cast %mul3A_197 : i32 to index
      %swap3A_199 = tpu.vector_load %arg8[%swap3A_198] {strides = array<i32>} : memref<16384xf32, #tpu.memory_space<vmem>>, vector<16xf32>,
      tpu.vector_store %arg8[%swap3A_198], %broadcast_in_dim3A_6 {strides = array<i32>} : memref<16384xf32, #tpu.memory_space<vmem>>, vector<16xf32>,
      %mul3A_200 = arith.constant 16 : i32
      %mul3A_201 = arith.muli %scan3A_191, %mul3A_200 : i32
      %swap3A_202 = arith.index_cast %mul3A_201 : i32 to index
      %swap3A_203 = tpu.vector_load %arg9[%swap3A_202] {strides = array<i32>} : memref<16384xf32, #tpu.memory_space<vmem>>, vector<16xf32>,
      tpu.vector_store %arg9[%swap3A_202], %broadcast_in_dim3A_6 {strides = array<i32>} : memref<16384xf32, #tpu.memory_space<vmem>>, vector<16xf32>,
    }
    %scan3A_13 = arith.constant 1024 : i32
    %add3A_14 = arith.constant 0 : i32
    %add3A_15 = vector.broadcast %add3A_14 : i32 to vector<16xi32>
    %add3A_16 = arith.addi %mul3A_5, %add3A_15 : vector<16xi32>
    %swap3A = arith.constant 0 : index
    %swap3A_17 = tpu.vector_load %arg10[%swap3A] {strides = array<i32>} : memref<128xi32, #tpu.memory_space<vmem>>, vector<16xi32>,
    tpu.vector_store %arg10[%swap3A], %add3A_16 {strides = array<i32>} : memref<128xi32, #tpu.memory_space<vmem>>, vector<16xi32>,
    %add3A_18 = arith.constant 0 : i32
    %add3A_19 = vector.broadcast %add3A_18 : i32 to vector<16xi32>
    %add3A_20 = arith.addi %mul3A_5, %add3A_19 : vector<16xi32>
    %swap3A_21 = arith.constant 0 : index
    %swap3A_22 = tpu.vector_load %arg11[%swap3A_21] {strides = array<i32>} : memref<128xi32, #tpu.memory_space<vmem>>, vector<16xi32>,
    tpu.vector_store %arg11[%swap3A_21], %add3A_20 {strides = array<i32>} : memref<128xi32, #tpu.memory_space<vmem>>, vector<16xi32>,
    %add3A_23 = arith.constant 0 : i32
    %add3A_24 = vector.broadcast %add3A_23 : i32 to vector<16xi32>
    %add3A_25 = arith.addi %mul3A_5, %add3A_24 : vector<16xi32>
    %swap3A_26 = arith.constant 0 : index
    %swap3A_27 = tpu.vector_load %arg12[%swap3A_26] {strides = array<i32>} : memref<128xi32, #tpu.memory_space<vmem>>, vector<16xi32>,
    tpu.vector_store %arg12[%swap3A_26], %add3A_25 {strides = array<i32>} : memref<128xi32, #tpu.memory_space<vmem>>, vector<16xi32>,
    %add3A_28 = arith.constant 2048 : i32
    %add3A_29 = vector.broadcast %add3A_28 : i32 to vector<16xi32>
    %add3A_30 = arith.addi %mul3A_5, %add3A_29 : vector<16xi32>
    %swap3A_31 = arith.constant 16 : index
    %swap3A_32 = tpu.vector_load %arg10[%swap3A_31] {strides = array<i32>} : memref<128xi32, #tpu.memory_space<vmem>>, vector<16xi32>,
    tpu.vector_store %arg10[%swap3A_31], %add3A_30 {strides = array<i32>} : memref<128xi32, #tpu.memory_space<vmem>>, vector<16xi32>,
    %add3A_33 = arith.constant 2048 : i32
    %add3A_34 = vector.broadcast %add3A_33 : i32 to vector<16xi32>
    %add3A_35 = arith.addi %mul3A_5, %add3A_34 : vector<16xi32>
    %swap3A_36 = arith.constant 16 : index
    %swap3A_37 = tpu.vector_load %arg11[%swap3A_36] {strides = array<i32>} : memref<128xi32, #tpu.memory_space<vmem>>, vector<16xi32>,
    tpu.vector_store %arg11[%swap3A_36], %add3A_35 {strides = array<i32>} : memref<128xi32, #tpu.memory_space<vmem>>, vector<16xi32>,
    %add3A_38 = arith.constant 2048 : i32
    %add3A_39 = vector.broadcast %add3A_38 : i32 to vector<16xi32>
    %add3A_40 = arith.addi %mul3A_5, %add3A_39 : vector<16xi32>
    %swap3A_41 = arith.constant 16 : index
    %swap3A_42 = tpu.vector_load %arg12[%swap3A_41] {strides = array<i32>} : memref<128xi32, #tpu.memory_space<vmem>>, vector<16xi32>,
    tpu.vector_store %arg12[%swap3A_41], %add3A_40 {strides = array<i32>} : memref<128xi32, #tpu.memory_space<vmem>>, vector<16xi32>,
    %add3A_43 = arith.constant 4096 : i32
    %add3A_44 = vector.broadcast %add3A_43 : i32 to vector<16xi32>
    %add3A_45 = arith.addi %mul3A_5, %add3A_44 : vector<16xi32>
    %swap3A_46 = arith.constant 32 : index
    %swap3A_47 = tpu.vector_load %arg10[%swap3A_46] {strides = array<i32>} : memref<128xi32, #tpu.memory_space<vmem>>, vector<16xi32>,
    tpu.vector_store %arg10[%swap3A_46], %add3A_45 {strides = array<i32>} : memref<128xi32, #tpu.memory_space<vmem>>, vector<16xi32>,
    %add3A_48 = arith.constant 4096 : i32
    %add3A_49 = vector.broadcast %add3A_48 : i32 to vector<16xi32>
    %add3A_50 = arith.addi %mul3A_5, %add3A_49 : vector<16xi32>
    %swap3A_51 = arith.constant 32 : index
    %swap3A_52 = tpu.vector_load %arg11[%swap3A_51] {strides = array<i32>} : memref<128xi32, #tpu.memory_space<vmem>>, vector<16xi32>,
    tpu.vector_store %arg11[%swap3A_51], %add3A_50 {strides = array<i32>} : memref<128xi32, #tpu.memory_space<vmem>>, vector<16xi32>,
    %add3A_53 = arith.constant 4096 : i32
    %add3A_54 = vector.broadcast %add3A_53 : i32 to vector<16xi32>
    %add3A_55 = arith.addi %mul3A_5, %add3A_54 : vector<16xi32>
    %swap3A_56 = arith.constant 32 : index
    %swap3A_57 = tpu.vector_load %arg12[%swap3A_56] {strides = array<i32>} : memref<128xi32, #tpu.memory_space<vmem>>, vector<16xi32>,
    tpu.vector_store %arg12[%swap3A_56], %add3A_55 {strides = array<i32>} : memref<128xi32, #tpu.memory_space<vmem>>, vector<16xi32>,
    %add3A_58 = arith.constant 6144 : i32
    %add3A_59 = vector.broadcast %add3A_58 : i32 to vector<16xi32>
    %add3A_60 = arith.addi %mul3A_5, %add3A_59 : vector<16xi32>
    %swap3A_61 = arith.constant 48 : index
    %swap3A_62 = tpu.vector_load %arg10[%swap3A_61] {strides = array<i32>} : memref<128xi32, #tpu.memory_space<vmem>>, vector<16xi32>,
    tpu.vector_store %arg10[%swap3A_61], %add3A_60 {strides = array<i32>} : memref<128xi32, #tpu.memory_space<vmem>>, vector<16xi32>,
    %add3A_63 = arith.constant 6144 : i32
    %add3A_64 = vector.broadcast %add3A_63 : i32 to vector<16xi32>
    %add3A_65 = arith.addi %mul3A_5, %add3A_64 : vector<16xi32>
    %swap3A_66 = arith.constant 48 : index
    %swap3A_67 = tpu.vector_load %arg11[%swap3A_66] {strides = array<i32>} : memref<128xi32, #tpu.memory_space<vmem>>, vector<16xi32>,
    tpu.vector_store %arg11[%swap3A_66], %add3A_65 {strides = array<i32>} : memref<128xi32, #tpu.memory_space<vmem>>, vector<16xi32>,
    %add3A_68 = arith.constant 6144 : i32
    %add3A_69 = vector.broadcast %add3A_68 : i32 to vector<16xi32>
    %add3A_70 = arith.addi %mul3A_5, %add3A_69 : vector<16xi32>
    %swap3A_71 = arith.constant 48 : index
    %swap3A_72 = tpu.vector_load %arg12[%swap3A_71] {strides = array<i32>} : memref<128xi32, #tpu.memory_space<vmem>>, vector<16xi32>,
    tpu.vector_store %arg12[%swap3A_71], %add3A_70 {strides = array<i32>} : memref<128xi32, #tpu.memory_space<vmem>>, vector<16xi32>,
    %add3A_73 = arith.constant 8192 : i32
    %add3A_74 = vector.broadcast %add3A_73 : i32 to vector<16xi32>
    %add3A_75 = arith.addi %mul3A_5, %add3A_74 : vector<16xi32>
    %swap3A_76 = arith.constant 64 : index
    %swap3A_77 = tpu.vector_load %arg10[%swap3A_76] {strides = array<i32>} : memref<128xi32, #tpu.memory_space<vmem>>, vector<16xi32>,
    tpu.vector_store %arg10[%swap3A_76], %add3A_75 {strides = array<i32>} : memref<128xi32, #tpu.memory_space<vmem>>, vector<16xi32>,
    %add3A_78 = arith.constant 8192 : i32
    %add3A_79 = vector.broadcast %add3A_78 : i32 to vector<16xi32>
    %add3A_80 = arith.addi %mul3A_5, %add3A_79 : vector<16xi32>
    %swap3A_81 = arith.constant 64 : index
    %swap3A_82 = tpu.vector_load %arg11[%swap3A_81] {strides = array<i32>} : memref<128xi32, #tpu.memory_space<vmem>>, vector<16xi32>,
    tpu.vector_store %arg11[%swap3A_81], %add3A_80 {strides = array<i32>} : memref<128xi32, #tpu.memory_space<vmem>>, vector<16xi32>,
    %add3A_83 = arith.constant 8192 : i32
    %add3A_84 = vector.broadcast %add3A_83 : i32 to vector<16xi32>
    %add3A_85 = arith.addi %mul3A_5, %add3A_84 : vector<16xi32>
    %swap3A_86 = arith.constant 64 : index
    %swap3A_87 = tpu.vector_load %arg12[%swap3A_86] {strides = array<i32>} : memref<128xi32, #tpu.memory_space<vmem>>, vector<16xi32>,
    tpu.vector_store %arg12[%swap3A_86], %add3A_85 {strides = array<i32>} : memref<128xi32, #tpu.memory_space<vmem>>, vector<16xi32>,
    %add3A_88 = arith.constant 10240 : i32
    %add3A_89 = vector.broadcast %add3A_88 : i32 to vector<16xi32>
    %add3A_90 = arith.addi %mul3A_5, %add3A_89 : vector<16xi32>
    %swap3A_91 = arith.constant 80 : index
    %swap3A_92 = tpu.vector_load %arg10[%swap3A_91] {strides = array<i32>} : memref<128xi32, #tpu.memory_space<vmem>>, vector<16xi32>,
    tpu.vector_store %arg10[%swap3A_91], %add3A_90 {strides = array<i32>} : memref<128xi32, #tpu.memory_space<vmem>>, vector<16xi32>,
    %add3A_93 = arith.constant 10240 : i32
    %add3A_94 = vector.broadcast %add3A_93 : i32 to vector<16xi32>
    %add3A_95 = arith.addi %mul3A_5, %add3A_94 : vector<16xi32>
    %swap3A_96 = arith.constant 80 : index
    %swap3A_97 = tpu.vector_load %arg11[%swap3A_96] {strides = array<i32>} : memref<128xi32, #tpu.memory_space<vmem>>, vector<16xi32>,
    tpu.vector_store %arg11[%swap3A_96], %add3A_95 {strides = array<i32>} : memref<128xi32, #tpu.memory_space<vmem>>, vector<16xi32>,
    %add3A_98 = arith.constant 10240 : i32
    %add3A_99 = vector.broadcast %add3A_98 : i32 to vector<16xi32>
    %add3A_100 = arith.addi %mul3A_5, %add3A_99 : vector<16xi32>
    %swap3A_101 = arith.constant 80 : index
    %swap3A_102 = tpu.vector_load %arg12[%swap3A_101] {strides = array<i32>} : memref<128xi32, #tpu.memory_space<vmem>>, vector<16xi32>,
    tpu.vector_store %arg12[%swap3A_101], %add3A_100 {strides = array<i32>} : memref<128xi32, #tpu.memory_space<vmem>>, vector<16xi32>,
    %add3A_103 = arith.constant 12288 : i32
    %add3A_104 = vector.broadcast %add3A_103 : i32 to vector<16xi32>
    %add3A_105 = arith.addi %mul3A_5, %add3A_104 : vector<16xi32>
    %swap3A_106 = arith.constant 96 : index
    %swap3A_107 = tpu.vector_load %arg10[%swap3A_106] {strides = array<i32>} : memref<128xi32, #tpu.memory_space<vmem>>, vector<16xi32>,
    tpu.vector_store %arg10[%swap3A_106], %add3A_105 {strides = array<i32>} : memref<128xi32, #tpu.memory_space<vmem>>, vector<16xi32>,
    %add3A_108 = arith.constant 12288 : i32
    %add3A_109 = vector.broadcast %add3A_108 : i32 to vector<16xi32>
    %add3A_110 = arith.addi %mul3A_5, %add3A_109 : vector<16xi32>
    %swap3A_111 = arith.constant 96 : index
    %swap3A_112 = tpu.vector_load %arg11[%swap3A_111] {strides = array<i32>} : memref<128xi32, #tpu.memory_space<vmem>>, vector<16xi32>,
    tpu.vector_store %arg11[%swap3A_111], %add3A_110 {strides = array<i32>} : memref<128xi32, #tpu.memory_space<vmem>>, vector<16xi32>,
    %add3A_113 = arith.constant 12288 : i32
    %add3A_114 = vector.broadcast %add3A_113 : i32 to vector<16xi32>
    %add3A_115 = arith.addi %mul3A_5, %add3A_114 : vector<16xi32>
    %swap3A_116 = arith.constant 96 : index
    %swap3A_117 = tpu.vector_load %arg12[%swap3A_116] {strides = array<i32>} : memref<128xi32, #tpu.memory_space<vmem>>, vector<16xi32>,
    tpu.vector_store %arg12[%swap3A_116], %add3A_115 {strides = array<i32>} : memref<128xi32, #tpu.memory_space<vmem>>, vector<16xi32>,
    %add3A_118 = arith.constant 14336 : i32
    %add3A_119 = vector.broadcast %add3A_118 : i32 to vector<16xi32>
    %add3A_120 = arith.addi %mul3A_5, %add3A_119 : vector<16xi32>
    %swap3A_121 = arith.constant 112 : index
    %swap3A_122 = tpu.vector_load %arg10[%swap3A_121] {strides = array<i32>} : memref<128xi32, #tpu.memory_space<vmem>>, vector<16xi32>,
    tpu.vector_store %arg10[%swap3A_121], %add3A_120 {strides = array<i32>} : memref<128xi32, #tpu.memory_space<vmem>>, vector<16xi32>,
    %add3A_123 = arith.constant 14336 : i32
    %add3A_124 = vector.broadcast %add3A_123 : i32 to vector<16xi32>
    %add3A_125 = arith.addi %mul3A_5, %add3A_124 : vector<16xi32>
    %swap3A_126 = arith.constant 112 : index
    %swap3A_127 = tpu.vector_load %arg11[%swap3A_126] {strides = array<i32>} : memref<128xi32, #tpu.memory_space<vmem>>, vector<16xi32>,
    tpu.vector_store %arg11[%swap3A_126], %add3A_125 {strides = array<i32>} : memref<128xi32, #tpu.memory_space<vmem>>, vector<16xi32>,
    %add3A_128 = arith.constant 14336 : i32
    %add3A_129 = vector.broadcast %add3A_128 : i32 to vector<16xi32>
    %add3A_130 = arith.addi %mul3A_5, %add3A_129 : vector<16xi32>
    %swap3A_131 = arith.constant 112 : index
    %swap3A_132 = tpu.vector_load %arg12[%swap3A_131] {strides = array<i32>} : memref<128xi32, #tpu.memory_space<vmem>>, vector<16xi32>,
    tpu.vector_store %arg12[%swap3A_131], %add3A_130 {strides = array<i32>} : memref<128xi32, #tpu.memory_space<vmem>>, vector<16xi32>,
    %dma_start3A = tpu.memref_slice %arg2[%mul3A_2] : memref<16777216xf32, #tpu.memory_space<hbm>> -> memref<16384xf32, #tpu.memory_space<hbm>>
    %dma_start3A_133 = tpu.memref_slice %arg2[%mul3A_2] : memref<16777216xf32, #tpu.memory_space<hbm>> -> memref<16384xf32, #tpu.memory_space<hbm>>
    tpu.enqueue_dma source(%dma_start3A_133 : memref<16384xf32, #tpu.memory_space<hbm>>) target(%arg4 : memref<16384xf32, #tpu.memory_space<vmem>>) target_semaphore(%arg13 : memref<!tpu.dma_semaphore, #tpu.memory_space<semaphore_mem>>)
    %add3A_134 = arith.constant 16384 : i32
    %add3A_135 = arith.addi %mul3A_2, %add3A_134 : i32
    %dma_start3A_136 = tpu.memref_slice %arg2[%add3A_135] : memref<16777216xf32, #tpu.memory_space<hbm>> -> memref<16384xf32, #tpu.memory_space<hbm>>
    %dma_start3A_137 = tpu.memref_slice %arg2[%add3A_135] : memref<16777216xf32, #tpu.memory_space<hbm>> -> memref<16384xf32, #tpu.memory_space<hbm>>
    tpu.enqueue_dma source(%dma_start3A_137 : memref<16384xf32, #tpu.memory_space<hbm>>) target(%arg5 : memref<16384xf32, #tpu.memory_space<vmem>>) target_semaphore(%arg14 : memref<!tpu.dma_semaphore, #tpu.memory_space<semaphore_mem>>)
    %add3A_138 = arith.constant 32768 : i32
    %add3A_139 = arith.addi %mul3A_2, %add3A_138 : i32
    %dma_start3A_140 = tpu.memref_slice %arg2[%add3A_139] : memref<16777216xf32, #tpu.memory_space<hbm>> -> memref<16384xf32, #tpu.memory_space<hbm>>
    %dma_start3A_141 = tpu.memref_slice %arg2[%add3A_139] : memref<16777216xf32, #tpu.memory_space<hbm>> -> memref<16384xf32, #tpu.memory_space<hbm>>
    tpu.enqueue_dma source(%dma_start3A_141 : memref<16384xf32, #tpu.memory_space<hbm>>) target(%arg6 : memref<16384xf32, #tpu.memory_space<vmem>>) target_semaphore(%arg15 : memref<!tpu.dma_semaphore, #tpu.memory_space<semaphore_mem>>)
    %scan3A_142 = arith.constant 0 : i32
    %scan3A_143 = arith.constant 0 : i32
    %scan3A_144 = arith.constant 10 : i32
    %scan3A_145 = arith.addi %scan3A_143, %scan3A_144 : i32
    %scan3A_146 = arith.constant 1 : i32
    scf.for %scan3A_191 = %scan3A_143 to %scan3A_145 step %scan3A_146  : i32 {
      %mul3A_192 = arith.constant 3 : i32
      %mul3A_193 = arith.muli %scan3A_191, %mul3A_192 : i32
      %add3A_194 = arith.constant 0 : i32
      %add3A_195 = arith.addi %mul3A_193, %add3A_194 : i32
      %mul3A_196 = arith.constant 16384 : i32
      %mul3A_197 = arith.muli %add3A_195, %mul3A_196 : i32
      %add3A_198 = arith.addi %mul3A_2, %mul3A_197 : i32
      %dma_wait3A_199 = tpu.memref_slice %arg2[%add3A_198] : memref<16777216xf32, #tpu.memory_space<hbm>> -> memref<16384xf32, #tpu.memory_space<hbm>>
      %dma_wait3A_200 = tpu.memref_slice %arg2[%add3A_198] : memref<16777216xf32, #tpu.memory_space<hbm>> -> memref<16384xf32, #tpu.memory_space<hbm>>
      tpu.wait_dma2 semaphore(%arg13 : memref<!tpu.dma_semaphore, #tpu.memory_space<semaphore_mem>>) src(%dma_wait3A_200 : memref<16384xf32, #tpu.memory_space<hbm>>) dst(%arg4 : memref<16384xf32, #tpu.memory_space<vmem>>)
      %ge3A = arith.constant 3 : i32
      %ge3A_201 = arith.cmpi sge, %add3A_195, %ge3A : i32
      %convert_element_type3A = arith.extui %ge3A_201 : i1 to i32
      %cond3A = arith.constant 0 : i32
      %cond3A_202 = arith.cmpi ne, %convert_element_type3A, %cond3A : i32
      scf.if %cond3A_202 {
        %sub3A = arith.constant 3 : i32
        %sub3A_271 = arith.subi %add3A_195, %sub3A : i32
        %mul3A_272 = arith.constant 16384 : i32
        %mul3A_273 = arith.muli %sub3A_271, %mul3A_272 : i32
        %add3A_274 = arith.addi %mul3A_2, %mul3A_273 : i32
        %dma_wait3A_275 = tpu.memref_slice %arg3[%add3A_274] : memref<16777216xf32, #tpu.memory_space<hbm>> -> memref<16384xf32, #tpu.memory_space<hbm>>
        %dma_wait3A_276 = tpu.memref_slice %arg3[%add3A_274] : memref<16777216xf32, #tpu.memory_space<hbm>> -> memref<16384xf32, #tpu.memory_space<hbm>>
        tpu.wait_dma2 semaphore(%arg16 : memref<!tpu.dma_semaphore, #tpu.memory_space<semaphore_mem>>) src(%arg7 : memref<16384xf32, #tpu.memory_space<vmem>>) dst(%dma_wait3A_276 : memref<16384xf32, #tpu.memory_space<hbm>>)
      } else {
      }
      %scan3A_203 = arith.constant 0 : i32
      %scan3A_204 = arith.constant 0 : i32
      %scan3A_205 = arith.constant 8 : i32
      %scan3A_206 = arith.addi %scan3A_204, %scan3A_205 : i32
      %scan3A_207 = arith.constant 1 : i32
      scf.for %scan3A_271 = %scan3A_204 to %scan3A_206 step %scan3A_207  : i32 {
        %mul3A_272 = arith.constant 2048 : i32
        %mul3A_273 = arith.muli %scan3A_271, %mul3A_272 : i32
        %add3A_274 = vector.broadcast %mul3A_273 : i32 to vector<16xi32>
        %add3A_275 = arith.addi %mul3A_5, %add3A_274 : vector<16xi32>
        %iota3A_276 = tpu.iota {dimensions = array<i32: 0>} : vector<16xi32>
        %add3A_277 = arith.constant 0 : i32
        %add3A_278 = vector.broadcast %add3A_277 : i32 to vector<16xi32>
        %add3A_279 = arith.addi %add3A_275, %add3A_278 : vector<16xi32>
        %add3A_280 = arith.constant 16 : i32
        %add3A_281 = vector.broadcast %add3A_280 : i32 to vector<16xi32>
        %add3A_282 = arith.addi %add3A_275, %add3A_281 : vector<16xi32>
        %add3A_283 = arith.constant 32 : i32
        %add3A_284 = vector.broadcast %add3A_283 : i32 to vector<16xi32>
        %add3A_285 = arith.addi %add3A_275, %add3A_284 : vector<16xi32>
        %add3A_286 = arith.constant 48 : i32
        %add3A_287 = vector.broadcast %add3A_286 : i32 to vector<16xi32>
        %add3A_288 = arith.addi %add3A_275, %add3A_287 : vector<16xi32>
        %add3A_289 = arith.constant 64 : i32
        %add3A_290 = vector.broadcast %add3A_289 : i32 to vector<16xi32>
        %add3A_291 = arith.addi %add3A_275, %add3A_290 : vector<16xi32>
        %add3A_292 = arith.constant 80 : i32
        %add3A_293 = vector.broadcast %add3A_292 : i32 to vector<16xi32>
        %add3A_294 = arith.addi %add3A_275, %add3A_293 : vector<16xi32>
        %add3A_295 = arith.constant 96 : i32
        %add3A_296 = vector.broadcast %add3A_295 : i32 to vector<16xi32>
        %add3A_297 = arith.addi %add3A_275, %add3A_296 : vector<16xi32>
        %add3A_298 = arith.constant 112 : i32
        %add3A_299 = vector.broadcast %add3A_298 : i32 to vector<16xi32>
        %add3A_300 = arith.addi %add3A_275, %add3A_299 : vector<16xi32>
        %add3A_301 = arith.addi %add3A_279, %iota3A_276 : vector<16xi32>
        %gather3A = tpu.vector_load_idx %arg4[%add3A_301] : memref<16384xf32, #tpu.memory_space<vmem>>[vector<16xi32>], vector<16xf32>,
        %add3A_302 = arith.addi %add3A_282, %iota3A_276 : vector<16xi32>
        %gather3A_303 = tpu.vector_load_idx %arg4[%add3A_302] : memref<16384xf32, #tpu.memory_space<vmem>>[vector<16xi32>], vector<16xf32>,
        %add3A_304 = arith.addi %add3A_285, %iota3A_276 : vector<16xi32>
        %gather3A_305 = tpu.vector_load_idx %arg4[%add3A_304] : memref<16384xf32, #tpu.memory_space<vmem>>[vector<16xi32>], vector<16xf32>,
        %add3A_306 = arith.addi %add3A_288, %iota3A_276 : vector<16xi32>
        %gather3A_307 = tpu.vector_load_idx %arg4[%add3A_306] : memref<16384xf32, #tpu.memory_space<vmem>>[vector<16xi32>], vector<16xf32>,
        %add3A_308 = arith.addi %add3A_291, %iota3A_276 : vector<16xi32>
        %gather3A_309 = tpu.vector_load_idx %arg4[%add3A_308] : memref<16384xf32, #tpu.memory_space<vmem>>[vector<16xi32>], vector<16xf32>,
        %add3A_310 = arith.addi %add3A_294, %iota3A_276 : vector<16xi32>
        %gather3A_311 = tpu.vector_load_idx %arg4[%add3A_310] : memref<16384xf32, #tpu.memory_space<vmem>>[vector<16xi32>], vector<16xf32>,
        %add3A_312 = arith.addi %add3A_297, %iota3A_276 : vector<16xi32>
        %gather3A_313 = tpu.vector_load_idx %arg4[%add3A_312] : memref<16384xf32, #tpu.memory_space<vmem>>[vector<16xi32>], vector<16xf32>,
        %add3A_314 = arith.addi %add3A_300, %iota3A_276 : vector<16xi32>
        %gather3A_315 = tpu.vector_load_idx %arg4[%add3A_314] : memref<16384xf32, #tpu.memory_space<vmem>>[vector<16xi32>], vector<16xf32>,
        %parallel_loop3A = arith.constant 1 : i32
        %parallel_loop3A_316 = arith.constant 16 : i32
        %parallel_loop3A_317 = arith.constant 1 : i32
        %parallel_loop3A_318:17 = scf.for %parallel_loop3A_346 = %parallel_loop3A to %parallel_loop3A_316 step %parallel_loop3A_317 iter_args(%parallel_loop3A_347 = %iota3A_276, %parallel_loop3A_348 = %gather3A, %parallel_loop3A_349 = %add3A_301, %parallel_loop3A_350 = %gather3A_303, %parallel_loop3A_351 = %add3A_302, %parallel_loop3A_352 = %gather3A_305, %parallel_loop3A_353 = %add3A_304, %parallel_loop3A_354 = %gather3A_307, %parallel_loop3A_355 = %add3A_306, %parallel_loop3A_356 = %gather3A_309, %parallel_loop3A_357 = %add3A_308, %parallel_loop3A_358 = %gather3A_311, %parallel_loop3A_359 = %add3A_310, %parallel_loop3A_360 = %gather3A_313, %parallel_loop3A_361 = %add3A_312, %parallel_loop3A_362 = %gather3A_315, %parallel_loop3A_363 = %add3A_314) -> (vector<16xi32>, vector<16xf32>, vector<16xi32>, vector<16xf32>, vector<16xi32>, vector<16xf32>, vector<16xi32>, vector<16xf32>, vector<16xi32>, vector<16xf32>, vector<16xi32>, vector<16xf32>, vector<16xi32>, vector<16xf32>, vector<16xi32>, vector<16xf32>, vector<16xi32>)  : i32 {
          %parallel_loop3A_364 = arith.constant 1 : i32
          %parallel_loop3A_365 = vector.broadcast %parallel_loop3A_364 : i32 to vector<16xi32>
          %parallel_loop3A_366 = arith.addi %parallel_loop3A_347, %parallel_loop3A_365 : vector<16xi32>
          %parallel_loop3A_367 = arith.constant 15 : i32
          %parallel_loop3A_368 = vector.broadcast %parallel_loop3A_367 : i32 to vector<16xi32>
          %parallel_loop3A_369 = arith.andi %parallel_loop3A_366, %parallel_loop3A_368 : vector<16xi32>
          %parallel_loop3A_370 = arith.addi %add3A_279, %parallel_loop3A_369 : vector<16xi32>
          %parallel_loop3A_371 = tpu.vector_load_idx %arg4[%parallel_loop3A_370] : memref<16384xf32, #tpu.memory_space<vmem>>[vector<16xi32>], vector<16xf32>,
          %parallel_loop3A_372 = arith.cmpf ogt, %parallel_loop3A_371, %parallel_loop3A_348 : vector<16xf32>
          %parallel_loop3A_373 = arith.select %parallel_loop3A_372, %parallel_loop3A_371, %parallel_loop3A_348 : vector<16xi1>, vector<16xf32>
          %parallel_loop3A_374 = arith.select %parallel_loop3A_372, %parallel_loop3A_370, %parallel_loop3A_349 : vector<16xi1>, vector<16xi32>
          %parallel_loop3A_375 = arith.addi %add3A_282, %parallel_loop3A_369 : vector<16xi32>
          %parallel_loop3A_376 = tpu.vector_load_idx %arg4[%parallel_loop3A_375] : memref<16384xf32, #tpu.memory_space<vmem>>[vector<16xi32>], vector<16xf32>,
          %parallel_loop3A_377 = arith.cmpf ogt, %parallel_loop3A_376, %parallel_loop3A_350 : vector<16xf32>
          %parallel_loop3A_378 = arith.select %parallel_loop3A_377, %parallel_loop3A_376, %parallel_loop3A_350 : vector<16xi1>, vector<16xf32>
          %parallel_loop3A_379 = arith.select %parallel_loop3A_377, %parallel_loop3A_375, %parallel_loop3A_351 : vector<16xi1>, vector<16xi32>
          %parallel_loop3A_380 = arith.addi %add3A_285, %parallel_loop3A_369 : vector<16xi32>
          %parallel_loop3A_381 = tpu.vector_load_idx %arg4[%parallel_loop3A_380] : memref<16384xf32, #tpu.memory_space<vmem>>[vector<16xi32>], vector<16xf32>,
          %parallel_loop3A_382 = arith.cmpf ogt, %parallel_loop3A_381, %parallel_loop3A_352 : vector<16xf32>
          %parallel_loop3A_383 = arith.select %parallel_loop3A_382, %parallel_loop3A_381, %parallel_loop3A_352 : vector<16xi1>, vector<16xf32>
          %parallel_loop3A_384 = arith.select %parallel_loop3A_382, %parallel_loop3A_380, %parallel_loop3A_353 : vector<16xi1>, vector<16xi32>
          %parallel_loop3A_385 = arith.addi %add3A_288, %parallel_loop3A_369 : vector<16xi32>
          %parallel_loop3A_386 = tpu.vector_load_idx %arg4[%parallel_loop3A_385] : memref<16384xf32, #tpu.memory_space<vmem>>[vector<16xi32>], vector<16xf32>,
          %parallel_loop3A_387 = arith.cmpf ogt, %parallel_loop3A_386, %parallel_loop3A_354 : vector<16xf32>
          %parallel_loop3A_388 = arith.select %parallel_loop3A_387, %parallel_loop3A_386, %parallel_loop3A_354 : vector<16xi1>, vector<16xf32>
          %parallel_loop3A_389 = arith.select %parallel_loop3A_387, %parallel_loop3A_385, %parallel_loop3A_355 : vector<16xi1>, vector<16xi32>
          %parallel_loop3A_390 = arith.addi %add3A_291, %parallel_loop3A_369 : vector<16xi32>
          %parallel_loop3A_391 = tpu.vector_load_idx %arg4[%parallel_loop3A_390] : memref<16384xf32, #tpu.memory_space<vmem>>[vector<16xi32>], vector<16xf32>,
          %parallel_loop3A_392 = arith.cmpf ogt, %parallel_loop3A_391, %parallel_loop3A_356 : vector<16xf32>
          %parallel_loop3A_393 = arith.select %parallel_loop3A_392, %parallel_loop3A_391, %parallel_loop3A_356 : vector<16xi1>, vector<16xf32>
          %parallel_loop3A_394 = arith.select %parallel_loop3A_392, %parallel_loop3A_390, %parallel_loop3A_357 : vector<16xi1>, vector<16xi32>
          %parallel_loop3A_395 = arith.addi %add3A_294, %parallel_loop3A_369 : vector<16xi32>
          %parallel_loop3A_396 = tpu.vector_load_idx %arg4[%parallel_loop3A_395] : memref<16384xf32, #tpu.memory_space<vmem>>[vector<16xi32>], vector<16xf32>,
          %parallel_loop3A_397 = arith.cmpf ogt, %parallel_loop3A_396, %parallel_loop3A_358 : vector<16xf32>
          %parallel_loop3A_398 = arith.select %parallel_loop3A_397, %parallel_loop3A_396, %parallel_loop3A_358 : vector<16xi1>, vector<16xf32>
          %parallel_loop3A_399 = arith.select %parallel_loop3A_397, %parallel_loop3A_395, %parallel_loop3A_359 : vector<16xi1>, vector<16xi32>
          %parallel_loop3A_400 = arith.addi %add3A_297, %parallel_loop3A_369 : vector<16xi32>
          %parallel_loop3A_401 = tpu.vector_load_idx %arg4[%parallel_loop3A_400] : memref<16384xf32, #tpu.memory_space<vmem>>[vector<16xi32>], vector<16xf32>,
          %parallel_loop3A_402 = arith.cmpf ogt, %parallel_loop3A_401, %parallel_loop3A_360 : vector<16xf32>
          %parallel_loop3A_403 = arith.select %parallel_loop3A_402, %parallel_loop3A_401, %parallel_loop3A_360 : vector<16xi1>, vector<16xf32>
          %parallel_loop3A_404 = arith.select %parallel_loop3A_402, %parallel_loop3A_400, %parallel_loop3A_361 : vector<16xi1>, vector<16xi32>
          %parallel_loop3A_405 = arith.addi %add3A_300, %parallel_loop3A_369 : vector<16xi32>
          %parallel_loop3A_406 = tpu.vector_load_idx %arg4[%parallel_loop3A_405] : memref<16384xf32, #tpu.memory_space<vmem>>[vector<16xi32>], vector<16xf32>,
          %parallel_loop3A_407 = arith.cmpf ogt, %parallel_loop3A_406, %parallel_loop3A_362 : vector<16xf32>
          %parallel_loop3A_408 = arith.select %parallel_loop3A_407, %parallel_loop3A_406, %parallel_loop3A_362 : vector<16xi1>, vector<16xf32>
          %parallel_loop3A_409 = arith.select %parallel_loop3A_407, %parallel_loop3A_405, %parallel_loop3A_363 : vector<16xi1>, vector<16xi32>
          scf.yield %parallel_loop3A_369, %parallel_loop3A_373, %parallel_loop3A_374, %parallel_loop3A_378, %parallel_loop3A_379, %parallel_loop3A_383, %parallel_loop3A_384, %parallel_loop3A_388, %parallel_loop3A_389, %parallel_loop3A_393, %parallel_loop3A_394, %parallel_loop3A_398, %parallel_loop3A_399, %parallel_loop3A_403, %parallel_loop3A_404, %parallel_loop3A_408, %parallel_loop3A_409 : vector<16xi32>, vector<16xf32>, vector<16xi32>, vector<16xf32>, vector<16xi32>, vector<16xf32>, vector<16xi32>, vector<16xf32>, vector<16xi32>, vector<16xf32>, vector<16xi32>, vector<16xf32>, vector<16xi32>, vector<16xf32>, vector<16xi32>, vector<16xf32>, vector<16xi32>
        } {sc.loop_unroll_factor = 5 : i64, sc.parallel_access}
        %ge3A_319 = arith.cmpf oge, %parallel_loop3A_318#1, %parallel_loop3A_318#3 : vector<16xf32>
        %select_n3A = arith.select %ge3A_319, %parallel_loop3A_318#1, %parallel_loop3A_318#3 : vector<16xi1>, vector<16xf32>
        %select_n3A_320 = arith.select %ge3A_319, %parallel_loop3A_318#2, %parallel_loop3A_318#4 : vector<16xi1>, vector<16xi32>
        %ge3A_321 = arith.cmpf oge, %parallel_loop3A_318#5, %parallel_loop3A_318#7 : vector<16xf32>
        %select_n3A_322 = arith.select %ge3A_321, %parallel_loop3A_318#5, %parallel_loop3A_318#7 : vector<16xi1>, vector<16xf32>
        %select_n3A_323 = arith.select %ge3A_321, %parallel_loop3A_318#6, %parallel_loop3A_318#8 : vector<16xi1>, vector<16xi32>
        %ge3A_324 = arith.cmpf oge, %parallel_loop3A_318#9, %parallel_loop3A_318#11 : vector<16xf32>
        %select_n3A_325 = arith.select %ge3A_324, %parallel_loop3A_318#9, %parallel_loop3A_318#11 : vector<16xi1>, vector<16xf32>
        %select_n3A_326 = arith.select %ge3A_324, %parallel_loop3A_318#10, %parallel_loop3A_318#12 : vector<16xi1>, vector<16xi32>
        %ge3A_327 = arith.cmpf oge, %parallel_loop3A_318#13, %parallel_loop3A_318#15 : vector<16xf32>
        %select_n3A_328 = arith.select %ge3A_327, %parallel_loop3A_318#13, %parallel_loop3A_318#15 : vector<16xi1>, vector<16xf32>
        %select_n3A_329 = arith.select %ge3A_327, %parallel_loop3A_318#14, %parallel_loop3A_318#16 : vector<16xi1>, vector<16xi32>
        %ge3A_330 = arith.cmpf oge, %select_n3A, %select_n3A_322 : vector<16xf32>
        %select_n3A_331 = arith.select %ge3A_330, %select_n3A, %select_n3A_322 : vector<16xi1>, vector<16xf32>
        %select_n3A_332 = arith.select %ge3A_330, %select_n3A_320, %select_n3A_323 : vector<16xi1>, vector<16xi32>
        %ge3A_333 = arith.cmpf oge, %select_n3A_325, %select_n3A_328 : vector<16xf32>
        %select_n3A_334 = arith.select %ge3A_333, %select_n3A_325, %select_n3A_328 : vector<16xi1>, vector<16xf32>
        %select_n3A_335 = arith.select %ge3A_333, %select_n3A_326, %select_n3A_329 : vector<16xi1>, vector<16xi32>
        %ge3A_336 = arith.cmpf oge, %select_n3A_331, %select_n3A_334 : vector<16xf32>
        %select_n3A_337 = arith.select %ge3A_336, %select_n3A_331, %select_n3A_334 : vector<16xi1>, vector<16xf32>
        %select_n3A_338 = arith.select %ge3A_336, %select_n3A_332, %select_n3A_335 : vector<16xi1>, vector<16xi32>
        %mul3A_339 = arith.constant 16 : i32
        %mul3A_340 = arith.muli %scan3A_271, %mul3A_339 : i32
        %get3A = arith.index_cast %mul3A_340 : i32 to index
        %get3A_341 = tpu.vector_load %arg10[%get3A] {strides = array<i32>} : memref<128xi32, #tpu.memory_space<vmem>>, vector<16xi32>,
        %ne3A = arith.cmpi ne, %get3A_341, %select_n3A_338 : vector<16xi32>
        tpu.vector_store_idx %arg7[%get3A_341], %broadcast_in_dim3A_6 masked %ne3A : memref<16384xf32, #tpu.memory_space<vmem>>[vector<16xi32>], vector<16xf32>, vector<16xi1>
        tpu.vector_store_idx %arg7[%select_n3A_338], %broadcast_in_dim3A_8 : memref<16384xf32, #tpu.memory_space<vmem>>[vector<16xi32>], vector<16xf32>,
        %mul3A_342 = arith.constant 16 : i32
        %mul3A_343 = arith.muli %scan3A_271, %mul3A_342 : i32
        %swap3A_344 = arith.index_cast %mul3A_343 : i32 to index
        %swap3A_345 = tpu.vector_load %arg10[%swap3A_344] {strides = array<i32>} : memref<128xi32, #tpu.memory_space<vmem>>, vector<16xi32>,
        tpu.vector_store %arg10[%swap3A_344], %select_n3A_338 {strides = array<i32>} : memref<128xi32, #tpu.memory_space<vmem>>, vector<16xi32>,
      }
      %scan3A_208 = arith.constant 8 : i32
      %dma_start3A_209 = tpu.memref_slice %arg3[%add3A_198] : memref<16777216xf32, #tpu.memory_space<hbm>> -> memref<16384xf32, #tpu.memory_space<hbm>>
      %dma_start3A_210 = tpu.memref_slice %arg3[%add3A_198] : memref<16777216xf32, #tpu.memory_space<hbm>> -> memref<16384xf32, #tpu.memory_space<hbm>>
      tpu.enqueue_dma source(%arg7 : memref<16384xf32, #tpu.memory_space<vmem>>) target(%dma_start3A_210 : memref<16384xf32, #tpu.memory_space<hbm>>) target_semaphore(%arg16 : memref<!tpu.dma_semaphore, #tpu.memory_space<semaphore_mem>>)
      %add3A_211 = arith.constant 3 : i32
      %add3A_212 = arith.addi %add3A_195, %add3A_211 : i32
      %lt3A = arith.constant 32 : i32
      %lt3A_213 = arith.cmpi slt, %add3A_212, %lt3A : i32
      %convert_element_type3A_214 = arith.extui %lt3A_213 : i1 to i32
      %cond3A_215 = arith.constant 0 : i32
      %cond3A_216 = arith.cmpi ne, %convert_element_type3A_214, %cond3A_215 : i32
      scf.if %cond3A_216 {
        %add3A_271 = arith.constant 3 : i32
        %add3A_272 = arith.addi %add3A_195, %add3A_271 : i32
        %mul3A_273 = arith.constant 16384 : i32
        %mul3A_274 = arith.muli %add3A_272, %mul3A_273 : i32
        %add3A_275 = arith.addi %mul3A_2, %mul3A_274 : i32
        %dma_start3A_276 = tpu.memref_slice %arg2[%add3A_275] : memref<16777216xf32, #tpu.memory_space<hbm>> -> memref<16384xf32, #tpu.memory_space<hbm>>
        %dma_start3A_277 = tpu.memref_slice %arg2[%add3A_275] : memref<16777216xf32, #tpu.memory_space<hbm>> -> memref<16384xf32, #tpu.memory_space<hbm>>
        tpu.enqueue_dma source(%dma_start3A_277 : memref<16384xf32, #tpu.memory_space<hbm>>) target(%arg4 : memref<16384xf32, #tpu.memory_space<vmem>>) target_semaphore(%arg13 : memref<!tpu.dma_semaphore, #tpu.memory_space<semaphore_mem>>)
      } else {
      }
      %add3A_217 = arith.constant 1 : i32
      %add3A_218 = arith.addi %mul3A_193, %add3A_217 : i32
      %mul3A_219 = arith.constant 16384 : i32
      %mul3A_220 = arith.muli %add3A_218, %mul3A_219 : i32
      %add3A_221 = arith.addi %mul3A_2, %mul3A_220 : i32
      %dma_wait3A_222 = tpu.memref_slice %arg2[%add3A_221] : memref<16777216xf32, #tpu.memory_space<hbm>> -> memref<16384xf32, #tpu.memory_space<hbm>>
      %dma_wait3A_223 = tpu.memref_slice %arg2[%add3A_221] : memref<16777216xf32, #tpu.memory_space<hbm>> -> memref<16384xf32, #tpu.memory_space<hbm>>
      tpu.wait_dma2 semaphore(%arg14 : memref<!tpu.dma_semaphore, #tpu.memory_space<semaphore_mem>>) src(%dma_wait3A_223 : memref<16384xf32, #tpu.memory_space<hbm>>) dst(%arg5 : memref<16384xf32, #tpu.memory_space<vmem>>)
      %ge3A_224 = arith.constant 3 : i32
      %ge3A_225 = arith.cmpi sge, %add3A_218, %ge3A_224 : i32
      %convert_element_type3A_226 = arith.extui %ge3A_225 : i1 to i32
      %cond3A_227 = arith.constant 0 : i32
      %cond3A_228 = arith.cmpi ne, %convert_element_type3A_226, %cond3A_227 : i32
      scf.if %cond3A_228 {
        %sub3A = arith.constant 3 : i32
        %sub3A_271 = arith.subi %add3A_218, %sub3A : i32
        %mul3A_272 = arith.constant 16384 : i32
        %mul3A_273 = arith.muli %sub3A_271, %mul3A_272 : i32
        %add3A_274 = arith.addi %mul3A_2, %mul3A_273 : i32
        %dma_wait3A_275 = tpu.memref_slice %arg3[%add3A_274] : memref<16777216xf32, #tpu.memory_space<hbm>> -> memref<16384xf32, #tpu.memory_space<hbm>>
        %dma_wait3A_276 = tpu.memref_slice %arg3[%add3A_274] : memref<16777216xf32, #tpu.memory_space<hbm>> -> memref<16384xf32, #tpu.memory_space<hbm>>
        tpu.wait_dma2 semaphore(%arg17 : memref<!tpu.dma_semaphore, #tpu.memory_space<semaphore_mem>>) src(%arg8 : memref<16384xf32, #tpu.memory_space<vmem>>) dst(%dma_wait3A_276 : memref<16384xf32, #tpu.memory_space<hbm>>)
      } else {
      }
      %scan3A_229 = arith.constant 0 : i32
      %scan3A_230 = arith.constant 0 : i32
      %scan3A_231 = arith.constant 8 : i32
      %scan3A_232 = arith.addi %scan3A_230, %scan3A_231 : i32
      %scan3A_233 = arith.constant 1 : i32
      scf.for %scan3A_271 = %scan3A_230 to %scan3A_232 step %scan3A_233  : i32 {
        %mul3A_272 = arith.constant 2048 : i32
        %mul3A_273 = arith.muli %scan3A_271, %mul3A_272 : i32
        %add3A_274 = vector.broadcast %mul3A_273 : i32 to vector<16xi32>
        %add3A_275 = arith.addi %mul3A_5, %add3A_274 : vector<16xi32>
        %iota3A_276 = tpu.iota {dimensions = array<i32: 0>} : vector<16xi32>
        %add3A_277 = arith.constant 0 : i32
        %add3A_278 = vector.broadcast %add3A_277 : i32 to vector<16xi32>
        %add3A_279 = arith.addi %add3A_275, %add3A_278 : vector<16xi32>
        %add3A_280 = arith.constant 16 : i32
        %add3A_281 = vector.broadcast %add3A_280 : i32 to vector<16xi32>
        %add3A_282 = arith.addi %add3A_275, %add3A_281 : vector<16xi32>
        %add3A_283 = arith.constant 32 : i32
        %add3A_284 = vector.broadcast %add3A_283 : i32 to vector<16xi32>
        %add3A_285 = arith.addi %add3A_275, %add3A_284 : vector<16xi32>
        %add3A_286 = arith.constant 48 : i32
        %add3A_287 = vector.broadcast %add3A_286 : i32 to vector<16xi32>
        %add3A_288 = arith.addi %add3A_275, %add3A_287 : vector<16xi32>
        %add3A_289 = arith.constant 64 : i32
        %add3A_290 = vector.broadcast %add3A_289 : i32 to vector<16xi32>
        %add3A_291 = arith.addi %add3A_275, %add3A_290 : vector<16xi32>
        %add3A_292 = arith.constant 80 : i32
        %add3A_293 = vector.broadcast %add3A_292 : i32 to vector<16xi32>
        %add3A_294 = arith.addi %add3A_275, %add3A_293 : vector<16xi32>
        %add3A_295 = arith.constant 96 : i32
        %add3A_296 = vector.broadcast %add3A_295 : i32 to vector<16xi32>
        %add3A_297 = arith.addi %add3A_275, %add3A_296 : vector<16xi32>
        %add3A_298 = arith.constant 112 : i32
        %add3A_299 = vector.broadcast %add3A_298 : i32 to vector<16xi32>
        %add3A_300 = arith.addi %add3A_275, %add3A_299 : vector<16xi32>
        %add3A_301 = arith.addi %add3A_279, %iota3A_276 : vector<16xi32>
        %gather3A = tpu.vector_load_idx %arg5[%add3A_301] : memref<16384xf32, #tpu.memory_space<vmem>>[vector<16xi32>], vector<16xf32>,
        %add3A_302 = arith.addi %add3A_282, %iota3A_276 : vector<16xi32>
        %gather3A_303 = tpu.vector_load_idx %arg5[%add3A_302] : memref<16384xf32, #tpu.memory_space<vmem>>[vector<16xi32>], vector<16xf32>,
        %add3A_304 = arith.addi %add3A_285, %iota3A_276 : vector<16xi32>
        %gather3A_305 = tpu.vector_load_idx %arg5[%add3A_304] : memref<16384xf32, #tpu.memory_space<vmem>>[vector<16xi32>], vector<16xf32>,
        %add3A_306 = arith.addi %add3A_288, %iota3A_276 : vector<16xi32>
        %gather3A_307 = tpu.vector_load_idx %arg5[%add3A_306] : memref<16384xf32, #tpu.memory_space<vmem>>[vector<16xi32>], vector<16xf32>,
        %add3A_308 = arith.addi %add3A_291, %iota3A_276 : vector<16xi32>
        %gather3A_309 = tpu.vector_load_idx %arg5[%add3A_308] : memref<16384xf32, #tpu.memory_space<vmem>>[vector<16xi32>], vector<16xf32>,
        %add3A_310 = arith.addi %add3A_294, %iota3A_276 : vector<16xi32>
        %gather3A_311 = tpu.vector_load_idx %arg5[%add3A_310] : memref<16384xf32, #tpu.memory_space<vmem>>[vector<16xi32>], vector<16xf32>,
        %add3A_312 = arith.addi %add3A_297, %iota3A_276 : vector<16xi32>
        %gather3A_313 = tpu.vector_load_idx %arg5[%add3A_312] : memref<16384xf32, #tpu.memory_space<vmem>>[vector<16xi32>], vector<16xf32>,
        %add3A_314 = arith.addi %add3A_300, %iota3A_276 : vector<16xi32>
        %gather3A_315 = tpu.vector_load_idx %arg5[%add3A_314] : memref<16384xf32, #tpu.memory_space<vmem>>[vector<16xi32>], vector<16xf32>,
        %parallel_loop3A = arith.constant 1 : i32
        %parallel_loop3A_316 = arith.constant 16 : i32
        %parallel_loop3A_317 = arith.constant 1 : i32
        %parallel_loop3A_318:17 = scf.for %parallel_loop3A_346 = %parallel_loop3A to %parallel_loop3A_316 step %parallel_loop3A_317 iter_args(%parallel_loop3A_347 = %iota3A_276, %parallel_loop3A_348 = %gather3A, %parallel_loop3A_349 = %add3A_301, %parallel_loop3A_350 = %gather3A_303, %parallel_loop3A_351 = %add3A_302, %parallel_loop3A_352 = %gather3A_305, %parallel_loop3A_353 = %add3A_304, %parallel_loop3A_354 = %gather3A_307, %parallel_loop3A_355 = %add3A_306, %parallel_loop3A_356 = %gather3A_309, %parallel_loop3A_357 = %add3A_308, %parallel_loop3A_358 = %gather3A_311, %parallel_loop3A_359 = %add3A_310, %parallel_loop3A_360 = %gather3A_313, %parallel_loop3A_361 = %add3A_312, %parallel_loop3A_362 = %gather3A_315, %parallel_loop3A_363 = %add3A_314) -> (vector<16xi32>, vector<16xf32>, vector<16xi32>, vector<16xf32>, vector<16xi32>, vector<16xf32>, vector<16xi32>, vector<16xf32>, vector<16xi32>, vector<16xf32>, vector<16xi32>, vector<16xf32>, vector<16xi32>, vector<16xf32>, vector<16xi32>, vector<16xf32>, vector<16xi32>)  : i32 {
          %parallel_loop3A_364 = arith.constant 1 : i32
          %parallel_loop3A_365 = vector.broadcast %parallel_loop3A_364 : i32 to vector<16xi32>
          %parallel_loop3A_366 = arith.addi %parallel_loop3A_347, %parallel_loop3A_365 : vector<16xi32>
          %parallel_loop3A_367 = arith.constant 15 : i32
          %parallel_loop3A_368 = vector.broadcast %parallel_loop3A_367 : i32 to vector<16xi32>
          %parallel_loop3A_369 = arith.andi %parallel_loop3A_366, %parallel_loop3A_368 : vector<16xi32>
          %parallel_loop3A_370 = arith.addi %add3A_279, %parallel_loop3A_369 : vector<16xi32>
          %parallel_loop3A_371 = tpu.vector_load_idx %arg5[%parallel_loop3A_370] : memref<16384xf32, #tpu.memory_space<vmem>>[vector<16xi32>], vector<16xf32>,
          %parallel_loop3A_372 = arith.cmpf ogt, %parallel_loop3A_371, %parallel_loop3A_348 : vector<16xf32>
          %parallel_loop3A_373 = arith.select %parallel_loop3A_372, %parallel_loop3A_371, %parallel_loop3A_348 : vector<16xi1>, vector<16xf32>
          %parallel_loop3A_374 = arith.select %parallel_loop3A_372, %parallel_loop3A_370, %parallel_loop3A_349 : vector<16xi1>, vector<16xi32>
          %parallel_loop3A_375 = arith.addi %add3A_282, %parallel_loop3A_369 : vector<16xi32>
          %parallel_loop3A_376 = tpu.vector_load_idx %arg5[%parallel_loop3A_375] : memref<16384xf32, #tpu.memory_space<vmem>>[vector<16xi32>], vector<16xf32>,
          %parallel_loop3A_377 = arith.cmpf ogt, %parallel_loop3A_376, %parallel_loop3A_350 : vector<16xf32>
          %parallel_loop3A_378 = arith.select %parallel_loop3A_377, %parallel_loop3A_376, %parallel_loop3A_350 : vector<16xi1>, vector<16xf32>
          %parallel_loop3A_379 = arith.select %parallel_loop3A_377, %parallel_loop3A_375, %parallel_loop3A_351 : vector<16xi1>, vector<16xi32>
          %parallel_loop3A_380 = arith.addi %add3A_285, %parallel_loop3A_369 : vector<16xi32>
          %parallel_loop3A_381 = tpu.vector_load_idx %arg5[%parallel_loop3A_380] : memref<16384xf32, #tpu.memory_space<vmem>>[vector<16xi32>], vector<16xf32>,
          %parallel_loop3A_382 = arith.cmpf ogt, %parallel_loop3A_381, %parallel_loop3A_352 : vector<16xf32>
          %parallel_loop3A_383 = arith.select %parallel_loop3A_382, %parallel_loop3A_381, %parallel_loop3A_352 : vector<16xi1>, vector<16xf32>
          %parallel_loop3A_384 = arith.select %parallel_loop3A_382, %parallel_loop3A_380, %parallel_loop3A_353 : vector<16xi1>, vector<16xi32>
          %parallel_loop3A_385 = arith.addi %add3A_288, %parallel_loop3A_369 : vector<16xi32>
          %parallel_loop3A_386 = tpu.vector_load_idx %arg5[%parallel_loop3A_385] : memref<16384xf32, #tpu.memory_space<vmem>>[vector<16xi32>], vector<16xf32>,
          %parallel_loop3A_387 = arith.cmpf ogt, %parallel_loop3A_386, %parallel_loop3A_354 : vector<16xf32>
          %parallel_loop3A_388 = arith.select %parallel_loop3A_387, %parallel_loop3A_386, %parallel_loop3A_354 : vector<16xi1>, vector<16xf32>
          %parallel_loop3A_389 = arith.select %parallel_loop3A_387, %parallel_loop3A_385, %parallel_loop3A_355 : vector<16xi1>, vector<16xi32>
          %parallel_loop3A_390 = arith.addi %add3A_291, %parallel_loop3A_369 : vector<16xi32>
          %parallel_loop3A_391 = tpu.vector_load_idx %arg5[%parallel_loop3A_390] : memref<16384xf32, #tpu.memory_space<vmem>>[vector<16xi32>], vector<16xf32>,
          %parallel_loop3A_392 = arith.cmpf ogt, %parallel_loop3A_391, %parallel_loop3A_356 : vector<16xf32>
          %parallel_loop3A_393 = arith.select %parallel_loop3A_392, %parallel_loop3A_391, %parallel_loop3A_356 : vector<16xi1>, vector<16xf32>
          %parallel_loop3A_394 = arith.select %parallel_loop3A_392, %parallel_loop3A_390, %parallel_loop3A_357 : vector<16xi1>, vector<16xi32>
          %parallel_loop3A_395 = arith.addi %add3A_294, %parallel_loop3A_369 : vector<16xi32>
          %parallel_loop3A_396 = tpu.vector_load_idx %arg5[%parallel_loop3A_395] : memref<16384xf32, #tpu.memory_space<vmem>>[vector<16xi32>], vector<16xf32>,
          %parallel_loop3A_397 = arith.cmpf ogt, %parallel_loop3A_396, %parallel_loop3A_358 : vector<16xf32>
          %parallel_loop3A_398 = arith.select %parallel_loop3A_397, %parallel_loop3A_396, %parallel_loop3A_358 : vector<16xi1>, vector<16xf32>
          %parallel_loop3A_399 = arith.select %parallel_loop3A_397, %parallel_loop3A_395, %parallel_loop3A_359 : vector<16xi1>, vector<16xi32>
          %parallel_loop3A_400 = arith.addi %add3A_297, %parallel_loop3A_369 : vector<16xi32>
          %parallel_loop3A_401 = tpu.vector_load_idx %arg5[%parallel_loop3A_400] : memref<16384xf32, #tpu.memory_space<vmem>>[vector<16xi32>], vector<16xf32>,
          %parallel_loop3A_402 = arith.cmpf ogt, %parallel_loop3A_401, %parallel_loop3A_360 : vector<16xf32>
          %parallel_loop3A_403 = arith.select %parallel_loop3A_402, %parallel_loop3A_401, %parallel_loop3A_360 : vector<16xi1>, vector<16xf32>
          %parallel_loop3A_404 = arith.select %parallel_loop3A_402, %parallel_loop3A_400, %parallel_loop3A_361 : vector<16xi1>, vector<16xi32>
          %parallel_loop3A_405 = arith.addi %add3A_300, %parallel_loop3A_369 : vector<16xi32>
          %parallel_loop3A_406 = tpu.vector_load_idx %arg5[%parallel_loop3A_405] : memref<16384xf32, #tpu.memory_space<vmem>>[vector<16xi32>], vector<16xf32>,
          %parallel_loop3A_407 = arith.cmpf ogt, %parallel_loop3A_406, %parallel_loop3A_362 : vector<16xf32>
          %parallel_loop3A_408 = arith.select %parallel_loop3A_407, %parallel_loop3A_406, %parallel_loop3A_362 : vector<16xi1>, vector<16xf32>
          %parallel_loop3A_409 = arith.select %parallel_loop3A_407, %parallel_loop3A_405, %parallel_loop3A_363 : vector<16xi1>, vector<16xi32>
          scf.yield %parallel_loop3A_369, %parallel_loop3A_373, %parallel_loop3A_374, %parallel_loop3A_378, %parallel_loop3A_379, %parallel_loop3A_383, %parallel_loop3A_384, %parallel_loop3A_388, %parallel_loop3A_389, %parallel_loop3A_393, %parallel_loop3A_394, %parallel_loop3A_398, %parallel_loop3A_399, %parallel_loop3A_403, %parallel_loop3A_404, %parallel_loop3A_408, %parallel_loop3A_409 : vector<16xi32>, vector<16xf32>, vector<16xi32>, vector<16xf32>, vector<16xi32>, vector<16xf32>, vector<16xi32>, vector<16xf32>, vector<16xi32>, vector<16xf32>, vector<16xi32>, vector<16xf32>, vector<16xi32>, vector<16xf32>, vector<16xi32>, vector<16xf32>, vector<16xi32>
        } {sc.loop_unroll_factor = 5 : i64, sc.parallel_access}
        %ge3A_319 = arith.cmpf oge, %parallel_loop3A_318#1, %parallel_loop3A_318#3 : vector<16xf32>
        %select_n3A = arith.select %ge3A_319, %parallel_loop3A_318#1, %parallel_loop3A_318#3 : vector<16xi1>, vector<16xf32>
        %select_n3A_320 = arith.select %ge3A_319, %parallel_loop3A_318#2, %parallel_loop3A_318#4 : vector<16xi1>, vector<16xi32>
        %ge3A_321 = arith.cmpf oge, %parallel_loop3A_318#5, %parallel_loop3A_318#7 : vector<16xf32>
        %select_n3A_322 = arith.select %ge3A_321, %parallel_loop3A_318#5, %parallel_loop3A_318#7 : vector<16xi1>, vector<16xf32>
        %select_n3A_323 = arith.select %ge3A_321, %parallel_loop3A_318#6, %parallel_loop3A_318#8 : vector<16xi1>, vector<16xi32>
        %ge3A_324 = arith.cmpf oge, %parallel_loop3A_318#9, %parallel_loop3A_318#11 : vector<16xf32>
        %select_n3A_325 = arith.select %ge3A_324, %parallel_loop3A_318#9, %parallel_loop3A_318#11 : vector<16xi1>, vector<16xf32>
        %select_n3A_326 = arith.select %ge3A_324, %parallel_loop3A_318#10, %parallel_loop3A_318#12 : vector<16xi1>, vector<16xi32>
        %ge3A_327 = arith.cmpf oge, %parallel_loop3A_318#13, %parallel_loop3A_318#15 : vector<16xf32>
        %select_n3A_328 = arith.select %ge3A_327, %parallel_loop3A_318#13, %parallel_loop3A_318#15 : vector<16xi1>, vector<16xf32>
        %select_n3A_329 = arith.select %ge3A_327, %parallel_loop3A_318#14, %parallel_loop3A_318#16 : vector<16xi1>, vector<16xi32>
        %ge3A_330 = arith.cmpf oge, %select_n3A, %select_n3A_322 : vector<16xf32>
        %select_n3A_331 = arith.select %ge3A_330, %select_n3A, %select_n3A_322 : vector<16xi1>, vector<16xf32>
        %select_n3A_332 = arith.select %ge3A_330, %select_n3A_320, %select_n3A_323 : vector<16xi1>, vector<16xi32>
        %ge3A_333 = arith.cmpf oge, %select_n3A_325, %select_n3A_328 : vector<16xf32>
        %select_n3A_334 = arith.select %ge3A_333, %select_n3A_325, %select_n3A_328 : vector<16xi1>, vector<16xf32>
        %select_n3A_335 = arith.select %ge3A_333, %select_n3A_326, %select_n3A_329 : vector<16xi1>, vector<16xi32>
        %ge3A_336 = arith.cmpf oge, %select_n3A_331, %select_n3A_334 : vector<16xf32>
        %select_n3A_337 = arith.select %ge3A_336, %select_n3A_331, %select_n3A_334 : vector<16xi1>, vector<16xf32>
        %select_n3A_338 = arith.select %ge3A_336, %select_n3A_332, %select_n3A_335 : vector<16xi1>, vector<16xi32>
        %mul3A_339 = arith.constant 16 : i32
        %mul3A_340 = arith.muli %scan3A_271, %mul3A_339 : i32
        %get3A = arith.index_cast %mul3A_340 : i32 to index
        %get3A_341 = tpu.vector_load %arg11[%get3A] {strides = array<i32>} : memref<128xi32, #tpu.memory_space<vmem>>, vector<16xi32>,
        %ne3A = arith.cmpi ne, %get3A_341, %select_n3A_338 : vector<16xi32>
        tpu.vector_store_idx %arg8[%get3A_341], %broadcast_in_dim3A_6 masked %ne3A : memref<16384xf32, #tpu.memory_space<vmem>>[vector<16xi32>], vector<16xf32>, vector<16xi1>
        tpu.vector_store_idx %arg8[%select_n3A_338], %broadcast_in_dim3A_8 : memref<16384xf32, #tpu.memory_space<vmem>>[vector<16xi32>], vector<16xf32>,
        %mul3A_342 = arith.constant 16 : i32
        %mul3A_343 = arith.muli %scan3A_271, %mul3A_342 : i32
        %swap3A_344 = arith.index_cast %mul3A_343 : i32 to index
        %swap3A_345 = tpu.vector_load %arg11[%swap3A_344] {strides = array<i32>} : memref<128xi32, #tpu.memory_space<vmem>>, vector<16xi32>,
        tpu.vector_store %arg11[%swap3A_344], %select_n3A_338 {strides = array<i32>} : memref<128xi32, #tpu.memory_space<vmem>>, vector<16xi32>,
      }
      %scan3A_234 = arith.constant 8 : i32
      %dma_start3A_235 = tpu.memref_slice %arg3[%add3A_221] : memref<16777216xf32, #tpu.memory_space<hbm>> -> memref<16384xf32, #tpu.memory_space<hbm>>
      %dma_start3A_236 = tpu.memref_slice %arg3[%add3A_221] : memref<16777216xf32, #tpu.memory_space<hbm>> -> memref<16384xf32, #tpu.memory_space<hbm>>
      tpu.enqueue_dma source(%arg8 : memref<16384xf32, #tpu.memory_space<vmem>>) target(%dma_start3A_236 : memref<16384xf32, #tpu.memory_space<hbm>>) target_semaphore(%arg17 : memref<!tpu.dma_semaphore, #tpu.memory_space<semaphore_mem>>)
      %add3A_237 = arith.constant 3 : i32
      %add3A_238 = arith.addi %add3A_218, %add3A_237 : i32
      %lt3A_239 = arith.constant 32 : i32
      %lt3A_240 = arith.cmpi slt, %add3A_238, %lt3A_239 : i32
      %convert_element_type3A_241 = arith.extui %lt3A_240 : i1 to i32
      %cond3A_242 = arith.constant 0 : i32
      %cond3A_243 = arith.cmpi ne, %convert_element_type3A_241, %cond3A_242 : i32
      scf.if %cond3A_243 {
        %add3A_271 = arith.constant 3 : i32
        %add3A_272 = arith.addi %add3A_218, %add3A_271 : i32
        %mul3A_273 = arith.constant 16384 : i32
        %mul3A_274 = arith.muli %add3A_272, %mul3A_273 : i32
        %add3A_275 = arith.addi %mul3A_2, %mul3A_274 : i32
        %dma_start3A_276 = tpu.memref_slice %arg2[%add3A_275] : memref<16777216xf32, #tpu.memory_space<hbm>> -> memref<16384xf32, #tpu.memory_space<hbm>>
        %dma_start3A_277 = tpu.memref_slice %arg2[%add3A_275] : memref<16777216xf32, #tpu.memory_space<hbm>> -> memref<16384xf32, #tpu.memory_space<hbm>>
        tpu.enqueue_dma source(%dma_start3A_277 : memref<16384xf32, #tpu.memory_space<hbm>>) target(%arg5 : memref<16384xf32, #tpu.memory_space<vmem>>) target_semaphore(%arg14 : memref<!tpu.dma_semaphore, #tpu.memory_space<semaphore_mem>>)
      } else {
      }
      %add3A_244 = arith.constant 2 : i32
      %add3A_245 = arith.addi %mul3A_193, %add3A_244 : i32
      %mul3A_246 = arith.constant 16384 : i32
      %mul3A_247 = arith.muli %add3A_245, %mul3A_246 : i32
      %add3A_248 = arith.addi %mul3A_2, %mul3A_247 : i32
      %dma_wait3A_249 = tpu.memref_slice %arg2[%add3A_248] : memref<16777216xf32, #tpu.memory_space<hbm>> -> memref<16384xf32, #tpu.memory_space<hbm>>
      %dma_wait3A_250 = tpu.memref_slice %arg2[%add3A_248] : memref<16777216xf32, #tpu.memory_space<hbm>> -> memref<16384xf32, #tpu.memory_space<hbm>>
      tpu.wait_dma2 semaphore(%arg15 : memref<!tpu.dma_semaphore, #tpu.memory_space<semaphore_mem>>) src(%dma_wait3A_250 : memref<16384xf32, #tpu.memory_space<hbm>>) dst(%arg6 : memref<16384xf32, #tpu.memory_space<vmem>>)
      %ge3A_251 = arith.constant 3 : i32
      %ge3A_252 = arith.cmpi sge, %add3A_245, %ge3A_251 : i32
      %convert_element_type3A_253 = arith.extui %ge3A_252 : i1 to i32
      %cond3A_254 = arith.constant 0 : i32
      %cond3A_255 = arith.cmpi ne, %convert_element_type3A_253, %cond3A_254 : i32
      scf.if %cond3A_255 {
        %sub3A = arith.constant 3 : i32
        %sub3A_271 = arith.subi %add3A_245, %sub3A : i32
        %mul3A_272 = arith.constant 16384 : i32
        %mul3A_273 = arith.muli %sub3A_271, %mul3A_272 : i32
        %add3A_274 = arith.addi %mul3A_2, %mul3A_273 : i32
        %dma_wait3A_275 = tpu.memref_slice %arg3[%add3A_274] : memref<16777216xf32, #tpu.memory_space<hbm>> -> memref<16384xf32, #tpu.memory_space<hbm>>
        %dma_wait3A_276 = tpu.memref_slice %arg3[%add3A_274] : memref<16777216xf32, #tpu.memory_space<hbm>> -> memref<16384xf32, #tpu.memory_space<hbm>>
        tpu.wait_dma2 semaphore(%arg18 : memref<!tpu.dma_semaphore, #tpu.memory_space<semaphore_mem>>) src(%arg9 : memref<16384xf32, #tpu.memory_space<vmem>>) dst(%dma_wait3A_276 : memref<16384xf32, #tpu.memory_space<hbm>>)
      } else {
      }
      %scan3A_256 = arith.constant 0 : i32
      %scan3A_257 = arith.constant 0 : i32
      %scan3A_258 = arith.constant 8 : i32
      %scan3A_259 = arith.addi %scan3A_257, %scan3A_258 : i32
      %scan3A_260 = arith.constant 1 : i32
      scf.for %scan3A_271 = %scan3A_257 to %scan3A_259 step %scan3A_260  : i32 {
        %mul3A_272 = arith.constant 2048 : i32
        %mul3A_273 = arith.muli %scan3A_271, %mul3A_272 : i32
        %add3A_274 = vector.broadcast %mul3A_273 : i32 to vector<16xi32>
        %add3A_275 = arith.addi %mul3A_5, %add3A_274 : vector<16xi32>
        %iota3A_276 = tpu.iota {dimensions = array<i32: 0>} : vector<16xi32>
        %add3A_277 = arith.constant 0 : i32
        %add3A_278 = vector.broadcast %add3A_277 : i32 to vector<16xi32>
        %add3A_279 = arith.addi %add3A_275, %add3A_278 : vector<16xi32>
        %add3A_280 = arith.constant 16 : i32
        %add3A_281 = vector.broadcast %add3A_280 : i32 to vector<16xi32>
        %add3A_282 = arith.addi %add3A_275, %add3A_281 : vector<16xi32>
        %add3A_283 = arith.constant 32 : i32
        %add3A_284 = vector.broadcast %add3A_283 : i32 to vector<16xi32>
        %add3A_285 = arith.addi %add3A_275, %add3A_284 : vector<16xi32>
        %add3A_286 = arith.constant 48 : i32
        %add3A_287 = vector.broadcast %add3A_286 : i32 to vector<16xi32>
        %add3A_288 = arith.addi %add3A_275, %add3A_287 : vector<16xi32>
        %add3A_289 = arith.constant 64 : i32
        %add3A_290 = vector.broadcast %add3A_289 : i32 to vector<16xi32>
        %add3A_291 = arith.addi %add3A_275, %add3A_290 : vector<16xi32>
        %add3A_292 = arith.constant 80 : i32
        %add3A_293 = vector.broadcast %add3A_292 : i32 to vector<16xi32>
        %add3A_294 = arith.addi %add3A_275, %add3A_293 : vector<16xi32>
        %add3A_295 = arith.constant 96 : i32
        %add3A_296 = vector.broadcast %add3A_295 : i32 to vector<16xi32>
        %add3A_297 = arith.addi %add3A_275, %add3A_296 : vector<16xi32>
        %add3A_298 = arith.constant 112 : i32
        %add3A_299 = vector.broadcast %add3A_298 : i32 to vector<16xi32>
        %add3A_300 = arith.addi %add3A_275, %add3A_299 : vector<16xi32>
        %add3A_301 = arith.addi %add3A_279, %iota3A_276 : vector<16xi32>
        %gather3A = tpu.vector_load_idx %arg6[%add3A_301] : memref<16384xf32, #tpu.memory_space<vmem>>[vector<16xi32>], vector<16xf32>,
        %add3A_302 = arith.addi %add3A_282, %iota3A_276 : vector<16xi32>
        %gather3A_303 = tpu.vector_load_idx %arg6[%add3A_302] : memref<16384xf32, #tpu.memory_space<vmem>>[vector<16xi32>], vector<16xf32>,
        %add3A_304 = arith.addi %add3A_285, %iota3A_276 : vector<16xi32>
        %gather3A_305 = tpu.vector_load_idx %arg6[%add3A_304] : memref<16384xf32, #tpu.memory_space<vmem>>[vector<16xi32>], vector<16xf32>,
        %add3A_306 = arith.addi %add3A_288, %iota3A_276 : vector<16xi32>
        %gather3A_307 = tpu.vector_load_idx %arg6[%add3A_306] : memref<16384xf32, #tpu.memory_space<vmem>>[vector<16xi32>], vector<16xf32>,
        %add3A_308 = arith.addi %add3A_291, %iota3A_276 : vector<16xi32>
        %gather3A_309 = tpu.vector_load_idx %arg6[%add3A_308] : memref<16384xf32, #tpu.memory_space<vmem>>[vector<16xi32>], vector<16xf32>,
        %add3A_310 = arith.addi %add3A_294, %iota3A_276 : vector<16xi32>
        %gather3A_311 = tpu.vector_load_idx %arg6[%add3A_310] : memref<16384xf32, #tpu.memory_space<vmem>>[vector<16xi32>], vector<16xf32>,
        %add3A_312 = arith.addi %add3A_297, %iota3A_276 : vector<16xi32>
        %gather3A_313 = tpu.vector_load_idx %arg6[%add3A_312] : memref<16384xf32, #tpu.memory_space<vmem>>[vector<16xi32>], vector<16xf32>,
        %add3A_314 = arith.addi %add3A_300, %iota3A_276 : vector<16xi32>
        %gather3A_315 = tpu.vector_load_idx %arg6[%add3A_314] : memref<16384xf32, #tpu.memory_space<vmem>>[vector<16xi32>], vector<16xf32>,
        %parallel_loop3A = arith.constant 1 : i32
        %parallel_loop3A_316 = arith.constant 16 : i32
        %parallel_loop3A_317 = arith.constant 1 : i32
        %parallel_loop3A_318:17 = scf.for %parallel_loop3A_346 = %parallel_loop3A to %parallel_loop3A_316 step %parallel_loop3A_317 iter_args(%parallel_loop3A_347 = %iota3A_276, %parallel_loop3A_348 = %gather3A, %parallel_loop3A_349 = %add3A_301, %parallel_loop3A_350 = %gather3A_303, %parallel_loop3A_351 = %add3A_302, %parallel_loop3A_352 = %gather3A_305, %parallel_loop3A_353 = %add3A_304, %parallel_loop3A_354 = %gather3A_307, %parallel_loop3A_355 = %add3A_306, %parallel_loop3A_356 = %gather3A_309, %parallel_loop3A_357 = %add3A_308, %parallel_loop3A_358 = %gather3A_311, %parallel_loop3A_359 = %add3A_310, %parallel_loop3A_360 = %gather3A_313, %parallel_loop3A_361 = %add3A_312, %parallel_loop3A_362 = %gather3A_315, %parallel_loop3A_363 = %add3A_314) -> (vector<16xi32>, vector<16xf32>, vector<16xi32>, vector<16xf32>, vector<16xi32>, vector<16xf32>, vector<16xi32>, vector<16xf32>, vector<16xi32>, vector<16xf32>, vector<16xi32>, vector<16xf32>, vector<16xi32>, vector<16xf32>, vector<16xi32>, vector<16xf32>, vector<16xi32>)  : i32 {
          %parallel_loop3A_364 = arith.constant 1 : i32
          %parallel_loop3A_365 = vector.broadcast %parallel_loop3A_364 : i32 to vector<16xi32>
          %parallel_loop3A_366 = arith.addi %parallel_loop3A_347, %parallel_loop3A_365 : vector<16xi32>
          %parallel_loop3A_367 = arith.constant 15 : i32
          %parallel_loop3A_368 = vector.broadcast %parallel_loop3A_367 : i32 to vector<16xi32>
          %parallel_loop3A_369 = arith.andi %parallel_loop3A_366, %parallel_loop3A_368 : vector<16xi32>
          %parallel_loop3A_370 = arith.addi %add3A_279, %parallel_loop3A_369 : vector<16xi32>
          %parallel_loop3A_371 = tpu.vector_load_idx %arg6[%parallel_loop3A_370] : memref<16384xf32, #tpu.memory_space<vmem>>[vector<16xi32>], vector<16xf32>,
          %parallel_loop3A_372 = arith.cmpf ogt, %parallel_loop3A_371, %parallel_loop3A_348 : vector<16xf32>
          %parallel_loop3A_373 = arith.select %parallel_loop3A_372, %parallel_loop3A_371, %parallel_loop3A_348 : vector<16xi1>, vector<16xf32>
          %parallel_loop3A_374 = arith.select %parallel_loop3A_372, %parallel_loop3A_370, %parallel_loop3A_349 : vector<16xi1>, vector<16xi32>
          %parallel_loop3A_375 = arith.addi %add3A_282, %parallel_loop3A_369 : vector<16xi32>
          %parallel_loop3A_376 = tpu.vector_load_idx %arg6[%parallel_loop3A_375] : memref<16384xf32, #tpu.memory_space<vmem>>[vector<16xi32>], vector<16xf32>,
          %parallel_loop3A_377 = arith.cmpf ogt, %parallel_loop3A_376, %parallel_loop3A_350 : vector<16xf32>
          %parallel_loop3A_378 = arith.select %parallel_loop3A_377, %parallel_loop3A_376, %parallel_loop3A_350 : vector<16xi1>, vector<16xf32>
          %parallel_loop3A_379 = arith.select %parallel_loop3A_377, %parallel_loop3A_375, %parallel_loop3A_351 : vector<16xi1>, vector<16xi32>
          %parallel_loop3A_380 = arith.addi %add3A_285, %parallel_loop3A_369 : vector<16xi32>
          %parallel_loop3A_381 = tpu.vector_load_idx %arg6[%parallel_loop3A_380] : memref<16384xf32, #tpu.memory_space<vmem>>[vector<16xi32>], vector<16xf32>,
          %parallel_loop3A_382 = arith.cmpf ogt, %parallel_loop3A_381, %parallel_loop3A_352 : vector<16xf32>
          %parallel_loop3A_383 = arith.select %parallel_loop3A_382, %parallel_loop3A_381, %parallel_loop3A_352 : vector<16xi1>, vector<16xf32>
          %parallel_loop3A_384 = arith.select %parallel_loop3A_382, %parallel_loop3A_380, %parallel_loop3A_353 : vector<16xi1>, vector<16xi32>
          %parallel_loop3A_385 = arith.addi %add3A_288, %parallel_loop3A_369 : vector<16xi32>
          %parallel_loop3A_386 = tpu.vector_load_idx %arg6[%parallel_loop3A_385] : memref<16384xf32, #tpu.memory_space<vmem>>[vector<16xi32>], vector<16xf32>,
          %parallel_loop3A_387 = arith.cmpf ogt, %parallel_loop3A_386, %parallel_loop3A_354 : vector<16xf32>
          %parallel_loop3A_388 = arith.select %parallel_loop3A_387, %parallel_loop3A_386, %parallel_loop3A_354 : vector<16xi1>, vector<16xf32>
          %parallel_loop3A_389 = arith.select %parallel_loop3A_387, %parallel_loop3A_385, %parallel_loop3A_355 : vector<16xi1>, vector<16xi32>
          %parallel_loop3A_390 = arith.addi %add3A_291, %parallel_loop3A_369 : vector<16xi32>
          %parallel_loop3A_391 = tpu.vector_load_idx %arg6[%parallel_loop3A_390] : memref<16384xf32, #tpu.memory_space<vmem>>[vector<16xi32>], vector<16xf32>,
          %parallel_loop3A_392 = arith.cmpf ogt, %parallel_loop3A_391, %parallel_loop3A_356 : vector<16xf32>
          %parallel_loop3A_393 = arith.select %parallel_loop3A_392, %parallel_loop3A_391, %parallel_loop3A_356 : vector<16xi1>, vector<16xf32>
          %parallel_loop3A_394 = arith.select %parallel_loop3A_392, %parallel_loop3A_390, %parallel_loop3A_357 : vector<16xi1>, vector<16xi32>
          %parallel_loop3A_395 = arith.addi %add3A_294, %parallel_loop3A_369 : vector<16xi32>
          %parallel_loop3A_396 = tpu.vector_load_idx %arg6[%parallel_loop3A_395] : memref<16384xf32, #tpu.memory_space<vmem>>[vector<16xi32>], vector<16xf32>,
          %parallel_loop3A_397 = arith.cmpf ogt, %parallel_loop3A_396, %parallel_loop3A_358 : vector<16xf32>
          %parallel_loop3A_398 = arith.select %parallel_loop3A_397, %parallel_loop3A_396, %parallel_loop3A_358 : vector<16xi1>, vector<16xf32>
          %parallel_loop3A_399 = arith.select %parallel_loop3A_397, %parallel_loop3A_395, %parallel_loop3A_359 : vector<16xi1>, vector<16xi32>
          %parallel_loop3A_400 = arith.addi %add3A_297, %parallel_loop3A_369 : vector<16xi32>
          %parallel_loop3A_401 = tpu.vector_load_idx %arg6[%parallel_loop3A_400] : memref<16384xf32, #tpu.memory_space<vmem>>[vector<16xi32>], vector<16xf32>,
          %parallel_loop3A_402 = arith.cmpf ogt, %parallel_loop3A_401, %parallel_loop3A_360 : vector<16xf32>
          %parallel_loop3A_403 = arith.select %parallel_loop3A_402, %parallel_loop3A_401, %parallel_loop3A_360 : vector<16xi1>, vector<16xf32>
          %parallel_loop3A_404 = arith.select %parallel_loop3A_402, %parallel_loop3A_400, %parallel_loop3A_361 : vector<16xi1>, vector<16xi32>
          %parallel_loop3A_405 = arith.addi %add3A_300, %parallel_loop3A_369 : vector<16xi32>
          %parallel_loop3A_406 = tpu.vector_load_idx %arg6[%parallel_loop3A_405] : memref<16384xf32, #tpu.memory_space<vmem>>[vector<16xi32>], vector<16xf32>,
          %parallel_loop3A_407 = arith.cmpf ogt, %parallel_loop3A_406, %parallel_loop3A_362 : vector<16xf32>
          %parallel_loop3A_408 = arith.select %parallel_loop3A_407, %parallel_loop3A_406, %parallel_loop3A_362 : vector<16xi1>, vector<16xf32>
          %parallel_loop3A_409 = arith.select %parallel_loop3A_407, %parallel_loop3A_405, %parallel_loop3A_363 : vector<16xi1>, vector<16xi32>
          scf.yield %parallel_loop3A_369, %parallel_loop3A_373, %parallel_loop3A_374, %parallel_loop3A_378, %parallel_loop3A_379, %parallel_loop3A_383, %parallel_loop3A_384, %parallel_loop3A_388, %parallel_loop3A_389, %parallel_loop3A_393, %parallel_loop3A_394, %parallel_loop3A_398, %parallel_loop3A_399, %parallel_loop3A_403, %parallel_loop3A_404, %parallel_loop3A_408, %parallel_loop3A_409 : vector<16xi32>, vector<16xf32>, vector<16xi32>, vector<16xf32>, vector<16xi32>, vector<16xf32>, vector<16xi32>, vector<16xf32>, vector<16xi32>, vector<16xf32>, vector<16xi32>, vector<16xf32>, vector<16xi32>, vector<16xf32>, vector<16xi32>, vector<16xf32>, vector<16xi32>
        } {sc.loop_unroll_factor = 5 : i64, sc.parallel_access}
        %ge3A_319 = arith.cmpf oge, %parallel_loop3A_318#1, %parallel_loop3A_318#3 : vector<16xf32>
        %select_n3A = arith.select %ge3A_319, %parallel_loop3A_318#1, %parallel_loop3A_318#3 : vector<16xi1>, vector<16xf32>
        %select_n3A_320 = arith.select %ge3A_319, %parallel_loop3A_318#2, %parallel_loop3A_318#4 : vector<16xi1>, vector<16xi32>
        %ge3A_321 = arith.cmpf oge, %parallel_loop3A_318#5, %parallel_loop3A_318#7 : vector<16xf32>
        %select_n3A_322 = arith.select %ge3A_321, %parallel_loop3A_318#5, %parallel_loop3A_318#7 : vector<16xi1>, vector<16xf32>
        %select_n3A_323 = arith.select %ge3A_321, %parallel_loop3A_318#6, %parallel_loop3A_318#8 : vector<16xi1>, vector<16xi32>
        %ge3A_324 = arith.cmpf oge, %parallel_loop3A_318#9, %parallel_loop3A_318#11 : vector<16xf32>
        %select_n3A_325 = arith.select %ge3A_324, %parallel_loop3A_318#9, %parallel_loop3A_318#11 : vector<16xi1>, vector<16xf32>
        %select_n3A_326 = arith.select %ge3A_324, %parallel_loop3A_318#10, %parallel_loop3A_318#12 : vector<16xi1>, vector<16xi32>
        %ge3A_327 = arith.cmpf oge, %parallel_loop3A_318#13, %parallel_loop3A_318#15 : vector<16xf32>
        %select_n3A_328 = arith.select %ge3A_327, %parallel_loop3A_318#13, %parallel_loop3A_318#15 : vector<16xi1>, vector<16xf32>
        %select_n3A_329 = arith.select %ge3A_327, %parallel_loop3A_318#14, %parallel_loop3A_318#16 : vector<16xi1>, vector<16xi32>
        %ge3A_330 = arith.cmpf oge, %select_n3A, %select_n3A_322 : vector<16xf32>
        %select_n3A_331 = arith.select %ge3A_330, %select_n3A, %select_n3A_322 : vector<16xi1>, vector<16xf32>
        %select_n3A_332 = arith.select %ge3A_330, %select_n3A_320, %select_n3A_323 : vector<16xi1>, vector<16xi32>
        %ge3A_333 = arith.cmpf oge, %select_n3A_325, %select_n3A_328 : vector<16xf32>
        %select_n3A_334 = arith.select %ge3A_333, %select_n3A_325, %select_n3A_328 : vector<16xi1>, vector<16xf32>
        %select_n3A_335 = arith.select %ge3A_333, %select_n3A_326, %select_n3A_329 : vector<16xi1>, vector<16xi32>
        %ge3A_336 = arith.cmpf oge, %select_n3A_331, %select_n3A_334 : vector<16xf32>
        %select_n3A_337 = arith.select %ge3A_336, %select_n3A_331, %select_n3A_334 : vector<16xi1>, vector<16xf32>
        %select_n3A_338 = arith.select %ge3A_336, %select_n3A_332, %select_n3A_335 : vector<16xi1>, vector<16xi32>
        %mul3A_339 = arith.constant 16 : i32
        %mul3A_340 = arith.muli %scan3A_271, %mul3A_339 : i32
        %get3A = arith.index_cast %mul3A_340 : i32 to index
        %get3A_341 = tpu.vector_load %arg12[%get3A] {strides = array<i32>} : memref<128xi32, #tpu.memory_space<vmem>>, vector<16xi32>,
        %ne3A = arith.cmpi ne, %get3A_341, %select_n3A_338 : vector<16xi32>
        tpu.vector_store_idx %arg9[%get3A_341], %broadcast_in_dim3A_6 masked %ne3A : memref<16384xf32, #tpu.memory_space<vmem>>[vector<16xi32>], vector<16xf32>, vector<16xi1>
        tpu.vector_store_idx %arg9[%select_n3A_338], %broadcast_in_dim3A_8 : memref<16384xf32, #tpu.memory_space<vmem>>[vector<16xi32>], vector<16xf32>,
        %mul3A_342 = arith.constant 16 : i32
        %mul3A_343 = arith.muli %scan3A_271, %mul3A_342 : i32
        %swap3A_344 = arith.index_cast %mul3A_343 : i32 to index
        %swap3A_345 = tpu.vector_load %arg12[%swap3A_344] {strides = array<i32>} : memref<128xi32, #tpu.memory_space<vmem>>, vector<16xi32>,
        tpu.vector_store %arg12[%swap3A_344], %select_n3A_338 {strides = array<i32>} : memref<128xi32, #tpu.memory_space<vmem>>, vector<16xi32>,
      }
      %scan3A_261 = arith.constant 8 : i32
      %dma_start3A_262 = tpu.memref_slice %arg3[%add3A_248] : memref<16777216xf32, #tpu.memory_space<hbm>> -> memref<16384xf32, #tpu.memory_space<hbm>>
      %dma_start3A_263 = tpu.memref_slice %arg3[%add3A_248] : memref<16777216xf32, #tpu.memory_space<hbm>> -> memref<16384xf32, #tpu.memory_space<hbm>>
      tpu.enqueue_dma source(%arg9 : memref<16384xf32, #tpu.memory_space<vmem>>) target(%dma_start3A_263 : memref<16384xf32, #tpu.memory_space<hbm>>) target_semaphore(%arg18 : memref<!tpu.dma_semaphore, #tpu.memory_space<semaphore_mem>>)
      %add3A_264 = arith.constant 3 : i32
      %add3A_265 = arith.addi %add3A_245, %add3A_264 : i32
      %lt3A_266 = arith.constant 32 : i32
      %lt3A_267 = arith.cmpi slt, %add3A_265, %lt3A_266 : i32
      %convert_element_type3A_268 = arith.extui %lt3A_267 : i1 to i32
      %cond3A_269 = arith.constant 0 : i32
      %cond3A_270 = arith.cmpi ne, %convert_element_type3A_268, %cond3A_269 : i32
      scf.if %cond3A_270 {
        %add3A_271 = arith.constant 3 : i32
        %add3A_272 = arith.addi %add3A_245, %add3A_271 : i32
        %mul3A_273 = arith.constant 16384 : i32
        %mul3A_274 = arith.muli %add3A_272, %mul3A_273 : i32
        %add3A_275 = arith.addi %mul3A_2, %mul3A_274 : i32
        %dma_start3A_276 = tpu.memref_slice %arg2[%add3A_275] : memref<16777216xf32, #tpu.memory_space<hbm>> -> memref<16384xf32, #tpu.memory_space<hbm>>
        %dma_start3A_277 = tpu.memref_slice %arg2[%add3A_275] : memref<16777216xf32, #tpu.memory_space<hbm>> -> memref<16384xf32, #tpu.memory_space<hbm>>
        tpu.enqueue_dma source(%dma_start3A_277 : memref<16384xf32, #tpu.memory_space<hbm>>) target(%arg6 : memref<16384xf32, #tpu.memory_space<vmem>>) target_semaphore(%arg15 : memref<!tpu.dma_semaphore, #tpu.memory_space<semaphore_mem>>)
      } else {
      }
    }
    %scan3A_147 = arith.constant 10 : i32
    %add3A_148 = arith.constant 491520 : i32
    %add3A_149 = arith.addi %mul3A_2, %add3A_148 : i32
    %dma_wait3A = tpu.memref_slice %arg2[%add3A_149] : memref<16777216xf32, #tpu.memory_space<hbm>> -> memref<16384xf32, #tpu.memory_space<hbm>>
    %dma_wait3A_150 = tpu.memref_slice %arg2[%add3A_149] : memref<16777216xf32, #tpu.memory_space<hbm>> -> memref<16384xf32, #tpu.memory_space<hbm>>
    tpu.wait_dma2 semaphore(%arg13 : memref<!tpu.dma_semaphore, #tpu.memory_space<semaphore_mem>>) src(%dma_wait3A_150 : memref<16384xf32, #tpu.memory_space<hbm>>) dst(%arg4 : memref<16384xf32, #tpu.memory_space<vmem>>)
    %add3A_151 = arith.constant 442368 : i32
    %add3A_152 = arith.addi %mul3A_2, %add3A_151 : i32
    %dma_wait3A_153 = tpu.memref_slice %arg3[%add3A_152] : memref<16777216xf32, #tpu.memory_space<hbm>> -> memref<16384xf32, #tpu.memory_space<hbm>>
    %dma_wait3A_154 = tpu.memref_slice %arg3[%add3A_152] : memref<16777216xf32, #tpu.memory_space<hbm>> -> memref<16384xf32, #tpu.memory_space<hbm>>
    tpu.wait_dma2 semaphore(%arg16 : memref<!tpu.dma_semaphore, #tpu.memory_space<semaphore_mem>>) src(%arg7 : memref<16384xf32, #tpu.memory_space<vmem>>) dst(%dma_wait3A_154 : memref<16384xf32, #tpu.memory_space<hbm>>)
    %scan3A_155 = arith.constant 0 : i32
    %scan3A_156 = arith.constant 0 : i32
    %scan3A_157 = arith.constant 8 : i32
    %scan3A_158 = arith.addi %scan3A_156, %scan3A_157 : i32
    %scan3A_159 = arith.constant 1 : i32
    scf.for %scan3A_191 = %scan3A_156 to %scan3A_158 step %scan3A_159  : i32 {
      %mul3A_192 = arith.constant 2048 : i32
      %mul3A_193 = arith.muli %scan3A_191, %mul3A_192 : i32
      %add3A_194 = vector.broadcast %mul3A_193 : i32 to vector<16xi32>
      %add3A_195 = arith.addi %mul3A_5, %add3A_194 : vector<16xi32>
      %iota3A_196 = tpu.iota {dimensions = array<i32: 0>} : vector<16xi32>
      %add3A_197 = arith.constant 0 : i32
      %add3A_198 = vector.broadcast %add3A_197 : i32 to vector<16xi32>
      %add3A_199 = arith.addi %add3A_195, %add3A_198 : vector<16xi32>
      %add3A_200 = arith.constant 16 : i32
      %add3A_201 = vector.broadcast %add3A_200 : i32 to vector<16xi32>
      %add3A_202 = arith.addi %add3A_195, %add3A_201 : vector<16xi32>
      %add3A_203 = arith.constant 32 : i32
      %add3A_204 = vector.broadcast %add3A_203 : i32 to vector<16xi32>
      %add3A_205 = arith.addi %add3A_195, %add3A_204 : vector<16xi32>
      %add3A_206 = arith.constant 48 : i32
      %add3A_207 = vector.broadcast %add3A_206 : i32 to vector<16xi32>
      %add3A_208 = arith.addi %add3A_195, %add3A_207 : vector<16xi32>
      %add3A_209 = arith.constant 64 : i32
      %add3A_210 = vector.broadcast %add3A_209 : i32 to vector<16xi32>
      %add3A_211 = arith.addi %add3A_195, %add3A_210 : vector<16xi32>
      %add3A_212 = arith.constant 80 : i32
      %add3A_213 = vector.broadcast %add3A_212 : i32 to vector<16xi32>
      %add3A_214 = arith.addi %add3A_195, %add3A_213 : vector<16xi32>
      %add3A_215 = arith.constant 96 : i32
      %add3A_216 = vector.broadcast %add3A_215 : i32 to vector<16xi32>
      %add3A_217 = arith.addi %add3A_195, %add3A_216 : vector<16xi32>
      %add3A_218 = arith.constant 112 : i32
      %add3A_219 = vector.broadcast %add3A_218 : i32 to vector<16xi32>
      %add3A_220 = arith.addi %add3A_195, %add3A_219 : vector<16xi32>
      %add3A_221 = arith.addi %add3A_199, %iota3A_196 : vector<16xi32>
      %gather3A = tpu.vector_load_idx %arg4[%add3A_221] : memref<16384xf32, #tpu.memory_space<vmem>>[vector<16xi32>], vector<16xf32>,
      %add3A_222 = arith.addi %add3A_202, %iota3A_196 : vector<16xi32>
      %gather3A_223 = tpu.vector_load_idx %arg4[%add3A_222] : memref<16384xf32, #tpu.memory_space<vmem>>[vector<16xi32>], vector<16xf32>,
      %add3A_224 = arith.addi %add3A_205, %iota3A_196 : vector<16xi32>
      %gather3A_225 = tpu.vector_load_idx %arg4[%add3A_224] : memref<16384xf32, #tpu.memory_space<vmem>>[vector<16xi32>], vector<16xf32>,
      %add3A_226 = arith.addi %add3A_208, %iota3A_196 : vector<16xi32>
      %gather3A_227 = tpu.vector_load_idx %arg4[%add3A_226] : memref<16384xf32, #tpu.memory_space<vmem>>[vector<16xi32>], vector<16xf32>,
      %add3A_228 = arith.addi %add3A_211, %iota3A_196 : vector<16xi32>
      %gather3A_229 = tpu.vector_load_idx %arg4[%add3A_228] : memref<16384xf32, #tpu.memory_space<vmem>>[vector<16xi32>], vector<16xf32>,
      %add3A_230 = arith.addi %add3A_214, %iota3A_196 : vector<16xi32>
      %gather3A_231 = tpu.vector_load_idx %arg4[%add3A_230] : memref<16384xf32, #tpu.memory_space<vmem>>[vector<16xi32>], vector<16xf32>,
      %add3A_232 = arith.addi %add3A_217, %iota3A_196 : vector<16xi32>
      %gather3A_233 = tpu.vector_load_idx %arg4[%add3A_232] : memref<16384xf32, #tpu.memory_space<vmem>>[vector<16xi32>], vector<16xf32>,
      %add3A_234 = arith.addi %add3A_220, %iota3A_196 : vector<16xi32>
      %gather3A_235 = tpu.vector_load_idx %arg4[%add3A_234] : memref<16384xf32, #tpu.memory_space<vmem>>[vector<16xi32>], vector<16xf32>,
      %parallel_loop3A = arith.constant 1 : i32
      %parallel_loop3A_236 = arith.constant 16 : i32
      %parallel_loop3A_237 = arith.constant 1 : i32
      %parallel_loop3A_238:17 = scf.for %parallel_loop3A_265 = %parallel_loop3A to %parallel_loop3A_236 step %parallel_loop3A_237 iter_args(%parallel_loop3A_266 = %iota3A_196, %parallel_loop3A_267 = %gather3A, %parallel_loop3A_268 = %add3A_221, %parallel_loop3A_269 = %gather3A_223, %parallel_loop3A_270 = %add3A_222, %parallel_loop3A_271 = %gather3A_225, %parallel_loop3A_272 = %add3A_224, %parallel_loop3A_273 = %gather3A_227, %parallel_loop3A_274 = %add3A_226, %parallel_loop3A_275 = %gather3A_229, %parallel_loop3A_276 = %add3A_228, %parallel_loop3A_277 = %gather3A_231, %parallel_loop3A_278 = %add3A_230, %parallel_loop3A_279 = %gather3A_233, %parallel_loop3A_280 = %add3A_232, %parallel_loop3A_281 = %gather3A_235, %parallel_loop3A_282 = %add3A_234) -> (vector<16xi32>, vector<16xf32>, vector<16xi32>, vector<16xf32>, vector<16xi32>, vector<16xf32>, vector<16xi32>, vector<16xf32>, vector<16xi32>, vector<16xf32>, vector<16xi32>, vector<16xf32>, vector<16xi32>, vector<16xf32>, vector<16xi32>, vector<16xf32>, vector<16xi32>)  : i32 {
        %parallel_loop3A_283 = arith.constant 1 : i32
        %parallel_loop3A_284 = vector.broadcast %parallel_loop3A_283 : i32 to vector<16xi32>
        %parallel_loop3A_285 = arith.addi %parallel_loop3A_266, %parallel_loop3A_284 : vector<16xi32>
        %parallel_loop3A_286 = arith.constant 15 : i32
        %parallel_loop3A_287 = vector.broadcast %parallel_loop3A_286 : i32 to vector<16xi32>
        %parallel_loop3A_288 = arith.andi %parallel_loop3A_285, %parallel_loop3A_287 : vector<16xi32>
        %parallel_loop3A_289 = arith.addi %add3A_199, %parallel_loop3A_288 : vector<16xi32>
        %parallel_loop3A_290 = tpu.vector_load_idx %arg4[%parallel_loop3A_289] : memref<16384xf32, #tpu.memory_space<vmem>>[vector<16xi32>], vector<16xf32>,
        %parallel_loop3A_291 = arith.cmpf ogt, %parallel_loop3A_290, %parallel_loop3A_267 : vector<16xf32>
        %parallel_loop3A_292 = arith.select %parallel_loop3A_291, %parallel_loop3A_290, %parallel_loop3A_267 : vector<16xi1>, vector<16xf32>
        %parallel_loop3A_293 = arith.select %parallel_loop3A_291, %parallel_loop3A_289, %parallel_loop3A_268 : vector<16xi1>, vector<16xi32>
        %parallel_loop3A_294 = arith.addi %add3A_202, %parallel_loop3A_288 : vector<16xi32>
        %parallel_loop3A_295 = tpu.vector_load_idx %arg4[%parallel_loop3A_294] : memref<16384xf32, #tpu.memory_space<vmem>>[vector<16xi32>], vector<16xf32>,
        %parallel_loop3A_296 = arith.cmpf ogt, %parallel_loop3A_295, %parallel_loop3A_269 : vector<16xf32>
        %parallel_loop3A_297 = arith.select %parallel_loop3A_296, %parallel_loop3A_295, %parallel_loop3A_269 : vector<16xi1>, vector<16xf32>
        %parallel_loop3A_298 = arith.select %parallel_loop3A_296, %parallel_loop3A_294, %parallel_loop3A_270 : vector<16xi1>, vector<16xi32>
        %parallel_loop3A_299 = arith.addi %add3A_205, %parallel_loop3A_288 : vector<16xi32>
        %parallel_loop3A_300 = tpu.vector_load_idx %arg4[%parallel_loop3A_299] : memref<16384xf32, #tpu.memory_space<vmem>>[vector<16xi32>], vector<16xf32>,
        %parallel_loop3A_301 = arith.cmpf ogt, %parallel_loop3A_300, %parallel_loop3A_271 : vector<16xf32>
        %parallel_loop3A_302 = arith.select %parallel_loop3A_301, %parallel_loop3A_300, %parallel_loop3A_271 : vector<16xi1>, vector<16xf32>
        %parallel_loop3A_303 = arith.select %parallel_loop3A_301, %parallel_loop3A_299, %parallel_loop3A_272 : vector<16xi1>, vector<16xi32>
        %parallel_loop3A_304 = arith.addi %add3A_208, %parallel_loop3A_288 : vector<16xi32>
        %parallel_loop3A_305 = tpu.vector_load_idx %arg4[%parallel_loop3A_304] : memref<16384xf32, #tpu.memory_space<vmem>>[vector<16xi32>], vector<16xf32>,
        %parallel_loop3A_306 = arith.cmpf ogt, %parallel_loop3A_305, %parallel_loop3A_273 : vector<16xf32>
        %parallel_loop3A_307 = arith.select %parallel_loop3A_306, %parallel_loop3A_305, %parallel_loop3A_273 : vector<16xi1>, vector<16xf32>
        %parallel_loop3A_308 = arith.select %parallel_loop3A_306, %parallel_loop3A_304, %parallel_loop3A_274 : vector<16xi1>, vector<16xi32>
        %parallel_loop3A_309 = arith.addi %add3A_211, %parallel_loop3A_288 : vector<16xi32>
        %parallel_loop3A_310 = tpu.vector_load_idx %arg4[%parallel_loop3A_309] : memref<16384xf32, #tpu.memory_space<vmem>>[vector<16xi32>], vector<16xf32>,
        %parallel_loop3A_311 = arith.cmpf ogt, %parallel_loop3A_310, %parallel_loop3A_275 : vector<16xf32>
        %parallel_loop3A_312 = arith.select %parallel_loop3A_311, %parallel_loop3A_310, %parallel_loop3A_275 : vector<16xi1>, vector<16xf32>
        %parallel_loop3A_313 = arith.select %parallel_loop3A_311, %parallel_loop3A_309, %parallel_loop3A_276 : vector<16xi1>, vector<16xi32>
        %parallel_loop3A_314 = arith.addi %add3A_214, %parallel_loop3A_288 : vector<16xi32>
        %parallel_loop3A_315 = tpu.vector_load_idx %arg4[%parallel_loop3A_314] : memref<16384xf32, #tpu.memory_space<vmem>>[vector<16xi32>], vector<16xf32>,
        %parallel_loop3A_316 = arith.cmpf ogt, %parallel_loop3A_315, %parallel_loop3A_277 : vector<16xf32>
        %parallel_loop3A_317 = arith.select %parallel_loop3A_316, %parallel_loop3A_315, %parallel_loop3A_277 : vector<16xi1>, vector<16xf32>
        %parallel_loop3A_318 = arith.select %parallel_loop3A_316, %parallel_loop3A_314, %parallel_loop3A_278 : vector<16xi1>, vector<16xi32>
        %parallel_loop3A_319 = arith.addi %add3A_217, %parallel_loop3A_288 : vector<16xi32>
        %parallel_loop3A_320 = tpu.vector_load_idx %arg4[%parallel_loop3A_319] : memref<16384xf32, #tpu.memory_space<vmem>>[vector<16xi32>], vector<16xf32>,
        %parallel_loop3A_321 = arith.cmpf ogt, %parallel_loop3A_320, %parallel_loop3A_279 : vector<16xf32>
        %parallel_loop3A_322 = arith.select %parallel_loop3A_321, %parallel_loop3A_320, %parallel_loop3A_279 : vector<16xi1>, vector<16xf32>
        %parallel_loop3A_323 = arith.select %parallel_loop3A_321, %parallel_loop3A_319, %parallel_loop3A_280 : vector<16xi1>, vector<16xi32>
        %parallel_loop3A_324 = arith.addi %add3A_220, %parallel_loop3A_288 : vector<16xi32>
        %parallel_loop3A_325 = tpu.vector_load_idx %arg4[%parallel_loop3A_324] : memref<16384xf32, #tpu.memory_space<vmem>>[vector<16xi32>], vector<16xf32>,
        %parallel_loop3A_326 = arith.cmpf ogt, %parallel_loop3A_325, %parallel_loop3A_281 : vector<16xf32>
        %parallel_loop3A_327 = arith.select %parallel_loop3A_326, %parallel_loop3A_325, %parallel_loop3A_281 : vector<16xi1>, vector<16xf32>
        %parallel_loop3A_328 = arith.select %parallel_loop3A_326, %parallel_loop3A_324, %parallel_loop3A_282 : vector<16xi1>, vector<16xi32>
        scf.yield %parallel_loop3A_288, %parallel_loop3A_292, %parallel_loop3A_293, %parallel_loop3A_297, %parallel_loop3A_298, %parallel_loop3A_302, %parallel_loop3A_303, %parallel_loop3A_307, %parallel_loop3A_308, %parallel_loop3A_312, %parallel_loop3A_313, %parallel_loop3A_317, %parallel_loop3A_318, %parallel_loop3A_322, %parallel_loop3A_323, %parallel_loop3A_327, %parallel_loop3A_328 : vector<16xi32>, vector<16xf32>, vector<16xi32>, vector<16xf32>, vector<16xi32>, vector<16xf32>, vector<16xi32>, vector<16xf32>, vector<16xi32>, vector<16xf32>, vector<16xi32>, vector<16xf32>, vector<16xi32>, vector<16xf32>, vector<16xi32>, vector<16xf32>, vector<16xi32>
      } {sc.loop_unroll_factor = 5 : i64, sc.parallel_access}
      %ge3A = arith.cmpf oge, %parallel_loop3A_238#1, %parallel_loop3A_238#3 : vector<16xf32>
      %select_n3A = arith.select %ge3A, %parallel_loop3A_238#1, %parallel_loop3A_238#3 : vector<16xi1>, vector<16xf32>
      %select_n3A_239 = arith.select %ge3A, %parallel_loop3A_238#2, %parallel_loop3A_238#4 : vector<16xi1>, vector<16xi32>
      %ge3A_240 = arith.cmpf oge, %parallel_loop3A_238#5, %parallel_loop3A_238#7 : vector<16xf32>
      %select_n3A_241 = arith.select %ge3A_240, %parallel_loop3A_238#5, %parallel_loop3A_238#7 : vector<16xi1>, vector<16xf32>
      %select_n3A_242 = arith.select %ge3A_240, %parallel_loop3A_238#6, %parallel_loop3A_238#8 : vector<16xi1>, vector<16xi32>
      %ge3A_243 = arith.cmpf oge, %parallel_loop3A_238#9, %parallel_loop3A_238#11 : vector<16xf32>
      %select_n3A_244 = arith.select %ge3A_243, %parallel_loop3A_238#9, %parallel_loop3A_238#11 : vector<16xi1>, vector<16xf32>
      %select_n3A_245 = arith.select %ge3A_243, %parallel_loop3A_238#10, %parallel_loop3A_238#12 : vector<16xi1>, vector<16xi32>
      %ge3A_246 = arith.cmpf oge, %parallel_loop3A_238#13, %parallel_loop3A_238#15 : vector<16xf32>
      %select_n3A_247 = arith.select %ge3A_246, %parallel_loop3A_238#13, %parallel_loop3A_238#15 : vector<16xi1>, vector<16xf32>
      %select_n3A_248 = arith.select %ge3A_246, %parallel_loop3A_238#14, %parallel_loop3A_238#16 : vector<16xi1>, vector<16xi32>
      %ge3A_249 = arith.cmpf oge, %select_n3A, %select_n3A_241 : vector<16xf32>
      %select_n3A_250 = arith.select %ge3A_249, %select_n3A, %select_n3A_241 : vector<16xi1>, vector<16xf32>
      %select_n3A_251 = arith.select %ge3A_249, %select_n3A_239, %select_n3A_242 : vector<16xi1>, vector<16xi32>
      %ge3A_252 = arith.cmpf oge, %select_n3A_244, %select_n3A_247 : vector<16xf32>
      %select_n3A_253 = arith.select %ge3A_252, %select_n3A_244, %select_n3A_247 : vector<16xi1>, vector<16xf32>
      %select_n3A_254 = arith.select %ge3A_252, %select_n3A_245, %select_n3A_248 : vector<16xi1>, vector<16xi32>
      %ge3A_255 = arith.cmpf oge, %select_n3A_250, %select_n3A_253 : vector<16xf32>
      %select_n3A_256 = arith.select %ge3A_255, %select_n3A_250, %select_n3A_253 : vector<16xi1>, vector<16xf32>
      %select_n3A_257 = arith.select %ge3A_255, %select_n3A_251, %select_n3A_254 : vector<16xi1>, vector<16xi32>
      %mul3A_258 = arith.constant 16 : i32
      %mul3A_259 = arith.muli %scan3A_191, %mul3A_258 : i32
      %get3A = arith.index_cast %mul3A_259 : i32 to index
      %get3A_260 = tpu.vector_load %arg10[%get3A] {strides = array<i32>} : memref<128xi32, #tpu.memory_space<vmem>>, vector<16xi32>,
      %ne3A = arith.cmpi ne, %get3A_260, %select_n3A_257 : vector<16xi32>
      tpu.vector_store_idx %arg7[%get3A_260], %broadcast_in_dim3A_6 masked %ne3A : memref<16384xf32, #tpu.memory_space<vmem>>[vector<16xi32>], vector<16xf32>, vector<16xi1>
      tpu.vector_store_idx %arg7[%select_n3A_257], %broadcast_in_dim3A_8 : memref<16384xf32, #tpu.memory_space<vmem>>[vector<16xi32>], vector<16xf32>,
      %mul3A_261 = arith.constant 16 : i32
      %mul3A_262 = arith.muli %scan3A_191, %mul3A_261 : i32
      %swap3A_263 = arith.index_cast %mul3A_262 : i32 to index
      %swap3A_264 = tpu.vector_load %arg10[%swap3A_263] {strides = array<i32>} : memref<128xi32, #tpu.memory_space<vmem>>, vector<16xi32>,
      tpu.vector_store %arg10[%swap3A_263], %select_n3A_257 {strides = array<i32>} : memref<128xi32, #tpu.memory_space<vmem>>, vector<16xi32>,
    }
    %scan3A_160 = arith.constant 8 : i32
    %dma_start3A_161 = tpu.memref_slice %arg3[%add3A_149] : memref<16777216xf32, #tpu.memory_space<hbm>> -> memref<16384xf32, #tpu.memory_space<hbm>>
    %dma_start3A_162 = tpu.memref_slice %arg3[%add3A_149] : memref<16777216xf32, #tpu.memory_space<hbm>> -> memref<16384xf32, #tpu.memory_space<hbm>>
    tpu.enqueue_dma source(%arg7 : memref<16384xf32, #tpu.memory_space<vmem>>) target(%dma_start3A_162 : memref<16384xf32, #tpu.memory_space<hbm>>) target_semaphore(%arg16 : memref<!tpu.dma_semaphore, #tpu.memory_space<semaphore_mem>>)
    %add3A_163 = arith.constant 507904 : i32
    %add3A_164 = arith.addi %mul3A_2, %add3A_163 : i32
    %dma_wait3A_165 = tpu.memref_slice %arg2[%add3A_164] : memref<16777216xf32, #tpu.memory_space<hbm>> -> memref<16384xf32, #tpu.memory_space<hbm>>
    %dma_wait3A_166 = tpu.memref_slice %arg2[%add3A_164] : memref<16777216xf32, #tpu.memory_space<hbm>> -> memref<16384xf32, #tpu.memory_space<hbm>>
    tpu.wait_dma2 semaphore(%arg14 : memref<!tpu.dma_semaphore, #tpu.memory_space<semaphore_mem>>) src(%dma_wait3A_166 : memref<16384xf32, #tpu.memory_space<hbm>>) dst(%arg5 : memref<16384xf32, #tpu.memory_space<vmem>>)
    %add3A_167 = arith.constant 458752 : i32
    %add3A_168 = arith.addi %mul3A_2, %add3A_167 : i32
    %dma_wait3A_169 = tpu.memref_slice %arg3[%add3A_168] : memref<16777216xf32, #tpu.memory_space<hbm>> -> memref<16384xf32, #tpu.memory_space<hbm>>
    %dma_wait3A_170 = tpu.memref_slice %arg3[%add3A_168] : memref<16777216xf32, #tpu.memory_space<hbm>> -> memref<16384xf32, #tpu.memory_space<hbm>>
    tpu.wait_dma2 semaphore(%arg17 : memref<!tpu.dma_semaphore, #tpu.memory_space<semaphore_mem>>) src(%arg8 : memref<16384xf32, #tpu.memory_space<vmem>>) dst(%dma_wait3A_170 : memref<16384xf32, #tpu.memory_space<hbm>>)
    %scan3A_171 = arith.constant 0 : i32
    %scan3A_172 = arith.constant 0 : i32
    %scan3A_173 = arith.constant 8 : i32
    %scan3A_174 = arith.addi %scan3A_172, %scan3A_173 : i32
    %scan3A_175 = arith.constant 1 : i32
    scf.for %scan3A_191 = %scan3A_172 to %scan3A_174 step %scan3A_175  : i32 {
      %mul3A_192 = arith.constant 2048 : i32
      %mul3A_193 = arith.muli %scan3A_191, %mul3A_192 : i32
      %add3A_194 = vector.broadcast %mul3A_193 : i32 to vector<16xi32>
      %add3A_195 = arith.addi %mul3A_5, %add3A_194 : vector<16xi32>
      %iota3A_196 = tpu.iota {dimensions = array<i32: 0>} : vector<16xi32>
      %add3A_197 = arith.constant 0 : i32
      %add3A_198 = vector.broadcast %add3A_197 : i32 to vector<16xi32>
      %add3A_199 = arith.addi %add3A_195, %add3A_198 : vector<16xi32>
      %add3A_200 = arith.constant 16 : i32
      %add3A_201 = vector.broadcast %add3A_200 : i32 to vector<16xi32>
      %add3A_202 = arith.addi %add3A_195, %add3A_201 : vector<16xi32>
      %add3A_203 = arith.constant 32 : i32
      %add3A_204 = vector.broadcast %add3A_203 : i32 to vector<16xi32>
      %add3A_205 = arith.addi %add3A_195, %add3A_204 : vector<16xi32>
      %add3A_206 = arith.constant 48 : i32
      %add3A_207 = vector.broadcast %add3A_206 : i32 to vector<16xi32>
      %add3A_208 = arith.addi %add3A_195, %add3A_207 : vector<16xi32>
      %add3A_209 = arith.constant 64 : i32
      %add3A_210 = vector.broadcast %add3A_209 : i32 to vector<16xi32>
      %add3A_211 = arith.addi %add3A_195, %add3A_210 : vector<16xi32>
      %add3A_212 = arith.constant 80 : i32
      %add3A_213 = vector.broadcast %add3A_212 : i32 to vector<16xi32>
      %add3A_214 = arith.addi %add3A_195, %add3A_213 : vector<16xi32>
      %add3A_215 = arith.constant 96 : i32
      %add3A_216 = vector.broadcast %add3A_215 : i32 to vector<16xi32>
      %add3A_217 = arith.addi %add3A_195, %add3A_216 : vector<16xi32>
      %add3A_218 = arith.constant 112 : i32
      %add3A_219 = vector.broadcast %add3A_218 : i32 to vector<16xi32>
      %add3A_220 = arith.addi %add3A_195, %add3A_219 : vector<16xi32>
      %add3A_221 = arith.addi %add3A_199, %iota3A_196 : vector<16xi32>
      %gather3A = tpu.vector_load_idx %arg5[%add3A_221] : memref<16384xf32, #tpu.memory_space<vmem>>[vector<16xi32>], vector<16xf32>,
      %add3A_222 = arith.addi %add3A_202, %iota3A_196 : vector<16xi32>
      %gather3A_223 = tpu.vector_load_idx %arg5[%add3A_222] : memref<16384xf32, #tpu.memory_space<vmem>>[vector<16xi32>], vector<16xf32>,
      %add3A_224 = arith.addi %add3A_205, %iota3A_196 : vector<16xi32>
      %gather3A_225 = tpu.vector_load_idx %arg5[%add3A_224] : memref<16384xf32, #tpu.memory_space<vmem>>[vector<16xi32>], vector<16xf32>,
      %add3A_226 = arith.addi %add3A_208, %iota3A_196 : vector<16xi32>
      %gather3A_227 = tpu.vector_load_idx %arg5[%add3A_226] : memref<16384xf32, #tpu.memory_space<vmem>>[vector<16xi32>], vector<16xf32>,
      %add3A_228 = arith.addi %add3A_211, %iota3A_196 : vector<16xi32>
      %gather3A_229 = tpu.vector_load_idx %arg5[%add3A_228] : memref<16384xf32, #tpu.memory_space<vmem>>[vector<16xi32>], vector<16xf32>,
      %add3A_230 = arith.addi %add3A_214, %iota3A_196 : vector<16xi32>
      %gather3A_231 = tpu.vector_load_idx %arg5[%add3A_230] : memref<16384xf32, #tpu.memory_space<vmem>>[vector<16xi32>], vector<16xf32>,
      %add3A_232 = arith.addi %add3A_217, %iota3A_196 : vector<16xi32>
      %gather3A_233 = tpu.vector_load_idx %arg5[%add3A_232] : memref<16384xf32, #tpu.memory_space<vmem>>[vector<16xi32>], vector<16xf32>,
      %add3A_234 = arith.addi %add3A_220, %iota3A_196 : vector<16xi32>
      %gather3A_235 = tpu.vector_load_idx %arg5[%add3A_234] : memref<16384xf32, #tpu.memory_space<vmem>>[vector<16xi32>], vector<16xf32>,
      %parallel_loop3A = arith.constant 1 : i32
      %parallel_loop3A_236 = arith.constant 16 : i32
      %parallel_loop3A_237 = arith.constant 1 : i32
      %parallel_loop3A_238:17 = scf.for %parallel_loop3A_265 = %parallel_loop3A to %parallel_loop3A_236 step %parallel_loop3A_237 iter_args(%parallel_loop3A_266 = %iota3A_196, %parallel_loop3A_267 = %gather3A, %parallel_loop3A_268 = %add3A_221, %parallel_loop3A_269 = %gather3A_223, %parallel_loop3A_270 = %add3A_222, %parallel_loop3A_271 = %gather3A_225, %parallel_loop3A_272 = %add3A_224, %parallel_loop3A_273 = %gather3A_227, %parallel_loop3A_274 = %add3A_226, %parallel_loop3A_275 = %gather3A_229, %parallel_loop3A_276 = %add3A_228, %parallel_loop3A_277 = %gather3A_231, %parallel_loop3A_278 = %add3A_230, %parallel_loop3A_279 = %gather3A_233, %parallel_loop3A_280 = %add3A_232, %parallel_loop3A_281 = %gather3A_235, %parallel_loop3A_282 = %add3A_234) -> (vector<16xi32>, vector<16xf32>, vector<16xi32>, vector<16xf32>, vector<16xi32>, vector<16xf32>, vector<16xi32>, vector<16xf32>, vector<16xi32>, vector<16xf32>, vector<16xi32>, vector<16xf32>, vector<16xi32>, vector<16xf32>, vector<16xi32>, vector<16xf32>, vector<16xi32>)  : i32 {
        %parallel_loop3A_283 = arith.constant 1 : i32
        %parallel_loop3A_284 = vector.broadcast %parallel_loop3A_283 : i32 to vector<16xi32>
        %parallel_loop3A_285 = arith.addi %parallel_loop3A_266, %parallel_loop3A_284 : vector<16xi32>
        %parallel_loop3A_286 = arith.constant 15 : i32
        %parallel_loop3A_287 = vector.broadcast %parallel_loop3A_286 : i32 to vector<16xi32>
        %parallel_loop3A_288 = arith.andi %parallel_loop3A_285, %parallel_loop3A_287 : vector<16xi32>
        %parallel_loop3A_289 = arith.addi %add3A_199, %parallel_loop3A_288 : vector<16xi32>
        %parallel_loop3A_290 = tpu.vector_load_idx %arg5[%parallel_loop3A_289] : memref<16384xf32, #tpu.memory_space<vmem>>[vector<16xi32>], vector<16xf32>,
        %parallel_loop3A_291 = arith.cmpf ogt, %parallel_loop3A_290, %parallel_loop3A_267 : vector<16xf32>
        %parallel_loop3A_292 = arith.select %parallel_loop3A_291, %parallel_loop3A_290, %parallel_loop3A_267 : vector<16xi1>, vector<16xf32>
        %parallel_loop3A_293 = arith.select %parallel_loop3A_291, %parallel_loop3A_289, %parallel_loop3A_268 : vector<16xi1>, vector<16xi32>
        %parallel_loop3A_294 = arith.addi %add3A_202, %parallel_loop3A_288 : vector<16xi32>
        %parallel_loop3A_295 = tpu.vector_load_idx %arg5[%parallel_loop3A_294] : memref<16384xf32, #tpu.memory_space<vmem>>[vector<16xi32>], vector<16xf32>,
        %parallel_loop3A_296 = arith.cmpf ogt, %parallel_loop3A_295, %parallel_loop3A_269 : vector<16xf32>
        %parallel_loop3A_297 = arith.select %parallel_loop3A_296, %parallel_loop3A_295, %parallel_loop3A_269 : vector<16xi1>, vector<16xf32>
        %parallel_loop3A_298 = arith.select %parallel_loop3A_296, %parallel_loop3A_294, %parallel_loop3A_270 : vector<16xi1>, vector<16xi32>
        %parallel_loop3A_299 = arith.addi %add3A_205, %parallel_loop3A_288 : vector<16xi32>
        %parallel_loop3A_300 = tpu.vector_load_idx %arg5[%parallel_loop3A_299] : memref<16384xf32, #tpu.memory_space<vmem>>[vector<16xi32>], vector<16xf32>,
        %parallel_loop3A_301 = arith.cmpf ogt, %parallel_loop3A_300, %parallel_loop3A_271 : vector<16xf32>
        %parallel_loop3A_302 = arith.select %parallel_loop3A_301, %parallel_loop3A_300, %parallel_loop3A_271 : vector<16xi1>, vector<16xf32>
        %parallel_loop3A_303 = arith.select %parallel_loop3A_301, %parallel_loop3A_299, %parallel_loop3A_272 : vector<16xi1>, vector<16xi32>
        %parallel_loop3A_304 = arith.addi %add3A_208, %parallel_loop3A_288 : vector<16xi32>
        %parallel_loop3A_305 = tpu.vector_load_idx %arg5[%parallel_loop3A_304] : memref<16384xf32, #tpu.memory_space<vmem>>[vector<16xi32>], vector<16xf32>,
        %parallel_loop3A_306 = arith.cmpf ogt, %parallel_loop3A_305, %parallel_loop3A_273 : vector<16xf32>
        %parallel_loop3A_307 = arith.select %parallel_loop3A_306, %parallel_loop3A_305, %parallel_loop3A_273 : vector<16xi1>, vector<16xf32>
        %parallel_loop3A_308 = arith.select %parallel_loop3A_306, %parallel_loop3A_304, %parallel_loop3A_274 : vector<16xi1>, vector<16xi32>
        %parallel_loop3A_309 = arith.addi %add3A_211, %parallel_loop3A_288 : vector<16xi32>
        %parallel_loop3A_310 = tpu.vector_load_idx %arg5[%parallel_loop3A_309] : memref<16384xf32, #tpu.memory_space<vmem>>[vector<16xi32>], vector<16xf32>,
        %parallel_loop3A_311 = arith.cmpf ogt, %parallel_loop3A_310, %parallel_loop3A_275 : vector<16xf32>
        %parallel_loop3A_312 = arith.select %parallel_loop3A_311, %parallel_loop3A_310, %parallel_loop3A_275 : vector<16xi1>, vector<16xf32>
        %parallel_loop3A_313 = arith.select %parallel_loop3A_311, %parallel_loop3A_309, %parallel_loop3A_276 : vector<16xi1>, vector<16xi32>
        %parallel_loop3A_314 = arith.addi %add3A_214, %parallel_loop3A_288 : vector<16xi32>
        %parallel_loop3A_315 = tpu.vector_load_idx %arg5[%parallel_loop3A_314] : memref<16384xf32, #tpu.memory_space<vmem>>[vector<16xi32>], vector<16xf32>,
        %parallel_loop3A_316 = arith.cmpf ogt, %parallel_loop3A_315, %parallel_loop3A_277 : vector<16xf32>
        %parallel_loop3A_317 = arith.select %parallel_loop3A_316, %parallel_loop3A_315, %parallel_loop3A_277 : vector<16xi1>, vector<16xf32>
        %parallel_loop3A_318 = arith.select %parallel_loop3A_316, %parallel_loop3A_314, %parallel_loop3A_278 : vector<16xi1>, vector<16xi32>
        %parallel_loop3A_319 = arith.addi %add3A_217, %parallel_loop3A_288 : vector<16xi32>
        %parallel_loop3A_320 = tpu.vector_load_idx %arg5[%parallel_loop3A_319] : memref<16384xf32, #tpu.memory_space<vmem>>[vector<16xi32>], vector<16xf32>,
        %parallel_loop3A_321 = arith.cmpf ogt, %parallel_loop3A_320, %parallel_loop3A_279 : vector<16xf32>
        %parallel_loop3A_322 = arith.select %parallel_loop3A_321, %parallel_loop3A_320, %parallel_loop3A_279 : vector<16xi1>, vector<16xf32>
        %parallel_loop3A_323 = arith.select %parallel_loop3A_321, %parallel_loop3A_319, %parallel_loop3A_280 : vector<16xi1>, vector<16xi32>
        %parallel_loop3A_324 = arith.addi %add3A_220, %parallel_loop3A_288 : vector<16xi32>
        %parallel_loop3A_325 = tpu.vector_load_idx %arg5[%parallel_loop3A_324] : memref<16384xf32, #tpu.memory_space<vmem>>[vector<16xi32>], vector<16xf32>,
        %parallel_loop3A_326 = arith.cmpf ogt, %parallel_loop3A_325, %parallel_loop3A_281 : vector<16xf32>
        %parallel_loop3A_327 = arith.select %parallel_loop3A_326, %parallel_loop3A_325, %parallel_loop3A_281 : vector<16xi1>, vector<16xf32>
        %parallel_loop3A_328 = arith.select %parallel_loop3A_326, %parallel_loop3A_324, %parallel_loop3A_282 : vector<16xi1>, vector<16xi32>
        scf.yield %parallel_loop3A_288, %parallel_loop3A_292, %parallel_loop3A_293, %parallel_loop3A_297, %parallel_loop3A_298, %parallel_loop3A_302, %parallel_loop3A_303, %parallel_loop3A_307, %parallel_loop3A_308, %parallel_loop3A_312, %parallel_loop3A_313, %parallel_loop3A_317, %parallel_loop3A_318, %parallel_loop3A_322, %parallel_loop3A_323, %parallel_loop3A_327, %parallel_loop3A_328 : vector<16xi32>, vector<16xf32>, vector<16xi32>, vector<16xf32>, vector<16xi32>, vector<16xf32>, vector<16xi32>, vector<16xf32>, vector<16xi32>, vector<16xf32>, vector<16xi32>, vector<16xf32>, vector<16xi32>, vector<16xf32>, vector<16xi32>, vector<16xf32>, vector<16xi32>
      } {sc.loop_unroll_factor = 5 : i64, sc.parallel_access}
      %ge3A = arith.cmpf oge, %parallel_loop3A_238#1, %parallel_loop3A_238#3 : vector<16xf32>
      %select_n3A = arith.select %ge3A, %parallel_loop3A_238#1, %parallel_loop3A_238#3 : vector<16xi1>, vector<16xf32>
      %select_n3A_239 = arith.select %ge3A, %parallel_loop3A_238#2, %parallel_loop3A_238#4 : vector<16xi1>, vector<16xi32>
      %ge3A_240 = arith.cmpf oge, %parallel_loop3A_238#5, %parallel_loop3A_238#7 : vector<16xf32>
      %select_n3A_241 = arith.select %ge3A_240, %parallel_loop3A_238#5, %parallel_loop3A_238#7 : vector<16xi1>, vector<16xf32>
      %select_n3A_242 = arith.select %ge3A_240, %parallel_loop3A_238#6, %parallel_loop3A_238#8 : vector<16xi1>, vector<16xi32>
      %ge3A_243 = arith.cmpf oge, %parallel_loop3A_238#9, %parallel_loop3A_238#11 : vector<16xf32>
      %select_n3A_244 = arith.select %ge3A_243, %parallel_loop3A_238#9, %parallel_loop3A_238#11 : vector<16xi1>, vector<16xf32>
      %select_n3A_245 = arith.select %ge3A_243, %parallel_loop3A_238#10, %parallel_loop3A_238#12 : vector<16xi1>, vector<16xi32>
      %ge3A_246 = arith.cmpf oge, %parallel_loop3A_238#13, %parallel_loop3A_238#15 : vector<16xf32>
      %select_n3A_247 = arith.select %ge3A_246, %parallel_loop3A_238#13, %parallel_loop3A_238#15 : vector<16xi1>, vector<16xf32>
      %select_n3A_248 = arith.select %ge3A_246, %parallel_loop3A_238#14, %parallel_loop3A_238#16 : vector<16xi1>, vector<16xi32>
      %ge3A_249 = arith.cmpf oge, %select_n3A, %select_n3A_241 : vector<16xf32>
      %select_n3A_250 = arith.select %ge3A_249, %select_n3A, %select_n3A_241 : vector<16xi1>, vector<16xf32>
      %select_n3A_251 = arith.select %ge3A_249, %select_n3A_239, %select_n3A_242 : vector<16xi1>, vector<16xi32>
      %ge3A_252 = arith.cmpf oge, %select_n3A_244, %select_n3A_247 : vector<16xf32>
      %select_n3A_253 = arith.select %ge3A_252, %select_n3A_244, %select_n3A_247 : vector<16xi1>, vector<16xf32>
      %select_n3A_254 = arith.select %ge3A_252, %select_n3A_245, %select_n3A_248 : vector<16xi1>, vector<16xi32>
      %ge3A_255 = arith.cmpf oge, %select_n3A_250, %select_n3A_253 : vector<16xf32>
      %select_n3A_256 = arith.select %ge3A_255, %select_n3A_250, %select_n3A_253 : vector<16xi1>, vector<16xf32>
      %select_n3A_257 = arith.select %ge3A_255, %select_n3A_251, %select_n3A_254 : vector<16xi1>, vector<16xi32>
      %mul3A_258 = arith.constant 16 : i32
      %mul3A_259 = arith.muli %scan3A_191, %mul3A_258 : i32
      %get3A = arith.index_cast %mul3A_259 : i32 to index
      %get3A_260 = tpu.vector_load %arg11[%get3A] {strides = array<i32>} : memref<128xi32, #tpu.memory_space<vmem>>, vector<16xi32>,
      %ne3A = arith.cmpi ne, %get3A_260, %select_n3A_257 : vector<16xi32>
      tpu.vector_store_idx %arg8[%get3A_260], %broadcast_in_dim3A_6 masked %ne3A : memref<16384xf32, #tpu.memory_space<vmem>>[vector<16xi32>], vector<16xf32>, vector<16xi1>
      tpu.vector_store_idx %arg8[%select_n3A_257], %broadcast_in_dim3A_8 : memref<16384xf32, #tpu.memory_space<vmem>>[vector<16xi32>], vector<16xf32>,
      %mul3A_261 = arith.constant 16 : i32
      %mul3A_262 = arith.muli %scan3A_191, %mul3A_261 : i32
      %swap3A_263 = arith.index_cast %mul3A_262 : i32 to index
      %swap3A_264 = tpu.vector_load %arg11[%swap3A_263] {strides = array<i32>} : memref<128xi32, #tpu.memory_space<vmem>>, vector<16xi32>,
      tpu.vector_store %arg11[%swap3A_263], %select_n3A_257 {strides = array<i32>} : memref<128xi32, #tpu.memory_space<vmem>>, vector<16xi32>,
    }
    %scan3A_176 = arith.constant 8 : i32
    %dma_start3A_177 = tpu.memref_slice %arg3[%add3A_164] : memref<16777216xf32, #tpu.memory_space<hbm>> -> memref<16384xf32, #tpu.memory_space<hbm>>
    %dma_start3A_178 = tpu.memref_slice %arg3[%add3A_164] : memref<16777216xf32, #tpu.memory_space<hbm>> -> memref<16384xf32, #tpu.memory_space<hbm>>
    tpu.enqueue_dma source(%arg8 : memref<16384xf32, #tpu.memory_space<vmem>>) target(%dma_start3A_178 : memref<16384xf32, #tpu.memory_space<hbm>>) target_semaphore(%arg17 : memref<!tpu.dma_semaphore, #tpu.memory_space<semaphore_mem>>)
    %add3A_179 = arith.constant 475136 : i32
    %add3A_180 = arith.addi %mul3A_2, %add3A_179 : i32
    %dma_wait3A_181 = tpu.memref_slice %arg3[%add3A_180] : memref<16777216xf32, #tpu.memory_space<hbm>> -> memref<16384xf32, #tpu.memory_space<hbm>>
    %dma_wait3A_182 = tpu.memref_slice %arg3[%add3A_180] : memref<16777216xf32, #tpu.memory_space<hbm>> -> memref<16384xf32, #tpu.memory_space<hbm>>
    tpu.wait_dma2 semaphore(%arg18 : memref<!tpu.dma_semaphore, #tpu.memory_space<semaphore_mem>>) src(%arg9 : memref<16384xf32, #tpu.memory_space<vmem>>) dst(%dma_wait3A_182 : memref<16384xf32, #tpu.memory_space<hbm>>)
    %add3A_183 = arith.constant 491520 : i32
    %add3A_184 = arith.addi %mul3A_2, %add3A_183 : i32
    %dma_wait3A_185 = tpu.memref_slice %arg3[%add3A_184] : memref<16777216xf32, #tpu.memory_space<hbm>> -> memref<16384xf32, #tpu.memory_space<hbm>>
    %dma_wait3A_186 = tpu.memref_slice %arg3[%add3A_184] : memref<16777216xf32, #tpu.memory_space<hbm>> -> memref<16384xf32, #tpu.memory_space<hbm>>
    tpu.wait_dma2 semaphore(%arg16 : memref<!tpu.dma_semaphore, #tpu.memory_space<semaphore_mem>>) src(%arg7 : memref<16384xf32, #tpu.memory_space<vmem>>) dst(%dma_wait3A_186 : memref<16384xf32, #tpu.memory_space<hbm>>)
    %add3A_187 = arith.constant 507904 : i32
    %add3A_188 = arith.addi %mul3A_2, %add3A_187 : i32
    %dma_wait3A_189 = tpu.memref_slice %arg3[%add3A_188] : memref<16777216xf32, #tpu.memory_space<hbm>> -> memref<16384xf32, #tpu.memory_space<hbm>>
    %dma_wait3A_190 = tpu.memref_slice %arg3[%add3A_188] : memref<16777216xf32, #tpu.memory_space<hbm>> -> memref<16384xf32, #tpu.memory_space<hbm>>
    tpu.wait_dma2 semaphore(%arg17 : memref<!tpu.dma_semaphore, #tpu.memory_space<semaphore_mem>>) src(%arg8 : memref<16384xf32, #tpu.memory_space<vmem>>) dst(%dma_wait3A_190 : memref<16384xf32, #tpu.memory_space<hbm>>)
    return
  }
}

</mosaic_0001>

<sc_bundles>
// kernel: _sc_onehot_argmax.3.cloned.1.call-start
scs
__scs_entry_jumppad:
0x0: {  	(pc) =	sbr.rel $0x88, $3  }
0x1: {  	(tag) =	ssettag $0x0;
	lr =	simm.s32 $0x1  }
0x2: {  	[smem:$0x3FA0] =	sst lr;
	_ =	strace $0xD0000000  }
0x3: {  	_ = 	snop  }
0x4: {  	_ = 	snop  }
0x5: {  	_ = 	snop  }
0x6: {  	_ = 	snop  }
0x7: {  	_ = 	snop  }
__scs_overlays_trampoline_lowered:
0x8: {  	[smem:$0x3FAF] =	sst s0  }
0x9: {  	[smem:$0x3FB0] =	sst s1  }
0xa: {  	[smem:$0x3FB1] =	sst s2  }
0xb: {  	[smem:$0x3FB2] =	sst s3  }
0xc: {  	[smem:$0x3FB3] =	sst s4  }
0xd: {  	[smem:$0x3FB4] =	sst s5  }
0xe: {  	[smem:$0x3FB5] =	sst s6  }
0xf: {  	[smem:$0x3FB6] =	sst s7  }
0x10: {  	[smem:$0x3FB7] =	sst s8  }
0x11: {  	[smem:$0x3FB8] =	sst s9;
	s0 =	simm.s32 @!p0 $0x0  }
0x12: {  	s1 =	sld [smem:$0x3F9E];
	s0 =	simm.s32 @p0 $0x1  }
0x13: {  	[smem:$0x3FB9] =	sst s0;
	s0 =	simm.s32 @!p1 $0x0  }
0x14: {  	s2 =	sld [smem:$0x3F9D];
	s0 =	simm.s32 @p1 $0x1  }
0x15: {  	[smem:$0x3FBA] =	sst s0;
	s0 =	simm.s32 @!p2 $0x0  }
0x16: {  	s3 =	sld [smem:$0x3FDB];
	s0 =	simm.s32 @p2 $0x1  }
0x17: {  	s4 =	simm.s32 $0x1BF5;
	[smem:$0x3FBC] =	sst s0  }
0x18: {  	s0 =	sld [smem:$0x3F9F];
	_ =	swait.ge [sflag:s4], $0x0  }
0x19: {  	s7 =	sld [smem:$0x3FA0]  }
0x1a: {  	s8 =	sadd.s32 $0xFFFFE003, lr  }
0x1b: {  	s9 =	sadd.s32 $0xFFFFFEF7, lr;
	s5 =	simm.s32 $0xFFFFFFFF;
	p2 =	slt.u32 s8, $0xFFFFF086  }
0x1c: {  	p1 =	slt.u32 s9, $0xF7A;
	s5 =	simm.s32 @!p2 $0x0  }
0x1d: {  	s5 =	simm.s32 @p1 $0x1;
	p0 =	seq.s32 s7, s2  }
0x1e: {  	s7 =	smul.u32 @!p0 $0xF7A, s2;
	p2 =	seq.s32 @!p0 s5, $0x0  }
0x1f: {  	s9 =	smul.u32 $0xF7A, s1;
	s8 =	simm.s32 @!p0 $0x1BF5;
	p2 =	por !p2, p0  }
0x20: {  	[sflag:s8] =	ssyncset.s32 @!p0 $0xFFFFF086;
	s6 =	sadd.s32 @!p0 s3, s7;
	s7 =	simm.s32 @!p0 $0x108  }
0x21: {  	s3 =	sadd.s32 s3, s9;
	s6 =	sadd.s32 @!p0 $0x88, s6;
	s7 =	simm.s32 @p2 $0x1082  }
0x22: {  	[simem:s7], [sflag:s8] =	dma.local @!p0 [hbm:s6], $0xF7A  }
0x23: {  	s9 =	sor.u32 $0xD0000000, s2;
	s6 =	simm.s32 $0x108;
	_ =	swait.ge @!p0 [sflag:s8], $0x0  }
0x24: {  	s3 =	sadd.s32 $0x88, s3;
	s6 =	simm.s32 @!p1 $0x1082;
	[sflag:s4] =	ssyncset.s32 $0xFFFFF086  }
0x25: {  	[simem:s6], [sflag:s4] =	dma.local [hbm:s3], $0xF7A  }
0x26: {  	[smem:$0x3FA0] =	sst s1;
	(tag) =	ssettag s2;
	_ =	strace s9  }
0x27: {  	s1 =	sld [smem:$0x3FB0]  }
0x28: {  	s2 =	sld [smem:$0x3FB1]  }
0x29: {  	s4 =	sld [smem:$0x3FB3]  }
0x2a: {  	p0 =	seq.s32 s5, $0x0;
	s5 =	sld [smem:$0x3FB4]  }
0x2b: {  	s6 =	sld [smem:$0x3FB5]  }
0x2c: {  	s7 =	sld [smem:$0x3FB6]  }
0x2d: {  	s3 =	simm.s32 $0x108;
	s8 =	sld [smem:$0x3FB7]  }
0x2e: {  	s3 =	simm.s32 @!p0 $0x1082;
	s9 =	sld [smem:$0x3FB8]  }
0x2f: {  	lr =	sadd.s32 s0, s3;
	s0 =	sld [smem:$0x3FAF]  }
0x30: {  	s3 =	sld [smem:$0x3FB2]  }
0x31: {  	[smem:$0x3FBB] =	sst s10  }
0x32: {  	s10 =	sld [smem:$0x3FB9];
	_ =	sdelay $0x3  }
0x33: {  	p0 =	seq.s32 s10, $0x1;
	s10 =	sld [smem:$0x3FBB];
	_ =	sdelay $0x3  }
0x34: {  	[smem:$0x3FBB] =	sst s10  }
0x35: {  	s10 =	sld [smem:$0x3FBA];
	_ =	sdelay $0x3  }
0x36: {  	p1 =	seq.s32 s10, $0x1;
	s10 =	sld [smem:$0x3FBB];
	_ =	sdelay $0x3  }
0x37: {  	[smem:$0x3FBB] =	sst s10  }
0x38: {  	s10 =	sld [smem:$0x3FBC]  }
0x39: {  	_ = 	snop;
	(pc) =	sbr.ind lr, $3  }
0x3a: {  	_ = 	snop  }
0x3b: {  	_ = 	snop  }
0x3c: {  	p2 =	seq.s32 s10, $0x1;
	s10 =	sld [smem:$0x3FBB]  }
0x3d: {  	_ =	shalt  }
0x3e: {  	_ =	shalt  }
0x3f: {  	_ =	shalt  }
0x40: {  	_ =	shalt  }
0x41: {  	_ =	shalt  }
0x42: {  	_ =	shalt  }
0x43: {  	_ =	shalt  }
0x44: {  	_ =	shalt  }
0x45: {  	_ =	shalt  }
0x46: {  	_ =	shalt  }
0x47: {  	_ =	shalt  }
0x48: {  	_ =	shalt  }
0x49: {  	_ =	shalt  }
0x4a: {  	_ =	shalt  }
0x4b: {  	_ =	shalt  }
0x4c: {  	_ =	shalt  }
0x4d: {  	_ =	shalt  }
0x4e: {  	_ =	shalt  }
0x4f: {  	_ =	shalt  }
0x50: {  	_ =	shalt  }
0x51: {  	_ =	shalt  }
0x52: {  	_ =	shalt  }
0x53: {  	_ =	shalt  }
0x54: {  	_ =	shalt  }
0x55: {  	_ =	shalt  }
0x56: {  	_ =	shalt  }
0x57: {  	_ =	shalt  }
0x58: {  	_ =	shalt  }
0x59: {  	_ =	shalt  }
0x5a: {  	_ =	shalt  }
0x5b: {  	_ =	shalt  }
0x5c: {  	_ =	shalt  }
0x5d: {  	_ =	shalt  }
0x5e: {  	_ =	shalt  }
0x5f: {  	_ =	shalt  }
0x60: {  	_ =	shalt  }
0x61: {  	_ =	shalt  }
0x62: {  	_ =	shalt  }
0x63: {  	_ =	shalt  }
0x64: {  	_ =	shalt  }
0x65: {  	_ =	shalt  }
0x66: {  	_ =	shalt  }
0x67: {  	_ =	shalt  }
0x68: {  	_ =	shalt  }
0x69: {  	_ =	shalt  }
0x6a: {  	_ =	shalt  }
0x6b: {  	_ =	shalt  }
0x6c: {  	_ =	shalt  }
0x6d: {  	_ =	shalt  }
0x6e: {  	_ =	shalt  }
0x6f: {  	_ =	shalt  }
0x70: {  	_ =	shalt  }
0x71: {  	_ =	shalt  }
0x72: {  	_ =	shalt  }
0x73: {  	_ =	shalt  }
0x74: {  	_ =	shalt  }
0x75: {  	_ =	shalt  }
0x76: {  	_ =	shalt  }
0x77: {  	_ =	shalt  }
0x78: {  	_ =	shalt  }
0x79: {  	_ =	shalt  }
0x7a: {  	_ =	shalt  }
0x7b: {  	_ =	shalt  }
0x7c: {  	_ =	shalt  }
0x7d: {  	_ =	shalt  }
0x7e: {  	_ =	shalt  }
0x7f: {  	_ =	shalt  }
0x80: {  	_ =	shalt  }
0x81: {  	_ =	shalt  }
0x82: {  	_ =	shalt  }
0x83: {  	_ =	shalt  }
0x84: {  	_ =	shalt  }
0x85: {  	_ =	shalt  }
0x86: {  	_ =	shalt  }
0x87: {  	_ =	shalt  }
.Lfunc_end0:
.L_simem_size_0:
called_computation_lowered:
.L_overlay_start_0:
0x88: {  	s2 =	sld [smem:$0x3FD9]  }
0x89: {  	s3 =	sld [smem:$0x3FFE];
	_ =	sdelay $0x1  }
0x8a: {  	s1 =	srdreg.scid  }
0x8b: {  	s0 =	sand.u32 $0x1, s1  }
0x8c: {  	s18 =	sshll.u32 s0, $0xA;
	s2 =	sadd.s32 s3, s2  }
0x8d: {  	s2 =	sadd.s32 s2, s18  }
0x8e: {  	[smem:$0x3FC7] =	sst s2  }
0x8f: {  	_ = 	snop  }
0x90: {  	s2 =	sld [smem:$0x3FC9]  }
0x91: {  	s19 =	sld [smem:$0x3FD0];
	(tm) =	ssettm $0x1  }
0x92: {  	s4 =	sld [smem:$0x3FFB];
	_ =	sdelay $0x3  }
0x93: {  	_ =	strace s4  }
0x94: {  	s4 =	sld [smem:$0x3FFC];
	_ =	sdelay $0x3  }
0x95: {  	_ =	strace s4  }
0x96: {  	s4 =	sld [smem:$0x3FFD];
	_ =	sdelay $0x3  }
0x97: {  	_ =	strace s4  }
0x98: {  	_ =	strace $0x8FFFFFFF  }
0x99: {  	s20 =	sld [smem:$0x3FDB];
	_ =	sdelay $0x1  }
0x9a: {  	s5 =	simm.s32 $_scs_section_size  }
0x9b: {  	s6 =	simm.s32 $_size__tile_overlayer_lowered;
	s7 =	simm.s32 $_tile_overlayer_lowered  }
0x9c: {  	s23 =	simm.s32 $0x1BFF;
	s22 =	sshll.u32 s7, $0x1;
	s4 =	sadd.s32 s5, s20  }
0x9d: {  	s8 =	simm.s32 $0x0;
	s21 =	sshll.u32 s6, $0x1;
	s6 =	sadd.s32 s22, s4  }
0x9e: {  	[timem:s8], [sflag:s23] =	dma.local [hbm:s6], s21  }
0x9f: {  	_ =	swait.ge [sflag:s23], s21  }
0xa0: {  	s5 =	ssub.s32 $0x0, s21;
	[sflag:s23] =	ssyncset.done $0x0  }
0xa1: {  	[sflag:s23] =	ssyncadd.s32 s5;
	_ =	sdelay $0x1  }
0xa2: {  	s24 =	simm.s32 $0x1B8B  }
0xa3: {  	_ =	swait.ge [sflag:s24], $0x1  }
0xa4: {  	[sflag:s24] =	ssyncset.done $0x0  }
0xa5: {  	s25 =	simm.s32 $0x1B8E;
	[sflag:s24] =	ssyncadd.s32 $0xFFFFFFFF  }
0xa6: {  	s26 =	simm.s32 $execute0_lowered;
	[smem:$0x3FD2] =	sst s25  }
0xa7: {  	s5 =	sshll.u32 s26, $0x1;
	_ =	strace $0x80000046;
	[dreg:$0x1] =	wrdreg $0xFFFFFFFF  }
0xa8: {  	s28 =	simm.s32 $_size_execute0_lowered;
	s4 =	sadd.s32 s4, s5;
	[dreg:$0x0] =	wrdreg $0x0  }
0xa9: {  	s5 =	sshll.u32 s28, $0x1;
	[dreg:$0x2] =	wrdreg s4  }
0xaa: {  	[dreg:$0x3] =	wrdreg s5  }
0xab: {  	[dreg:$0x4] =	wrdreg $0xC0  }
0xac: {  	_ =	task [dreg:s8], $0x5FFFF  }
0xad: {  	[dreg:$0x1] =	wrdreg $0xFFFFFFFF  }
0xae: {  	[dreg:$0x0] =	wrdreg $0x60  }
0xaf: {  	[dreg:$0x2] =	wrdreg s2  }
0xb0: {  	[dreg:$0x3] =	wrdreg s19  }
0xb1: {  	[dreg:$0x4] =	wrdreg $0x9  }
0xb2: {  	_ =	task.clear_ibuf [dreg:s8], $0x5FFFF;
	_ =	strace $0x90000046  }
0xb3: {  	s29 =	simm.s32 $0x9;
	_ =	strace $0x80000048  }
0xb4: {  	_ =	swait.ge [sflag:s29], $0x1  }
0xb5: {  	[sflag:s29] =	ssyncadd.s32 $0xFFFFFFFF  }
0xb6: {  	_ =	strace $0x90000048  }
0xb7: {  	_ =	sfence  }
0xb8: {  	s30 =	sld [smem:$0x0];
	_ =	sdelay $0x2  }
0xb9: {  	s31 =	sshll.u32 s1, $0xD;
	s1 =	sshrl.u32 s1, $0x2  }
0xba: {  	s3 =	sand.u32 $0x4000, s31;
	s1 =	sadd.s32 s1, s30  }
0xbb: {  	s0 =	sor.u32 s3, s0;
	s1 =	sshll.u32 s1, $0x11  }
0xbc: {  	s0 =	sor.u32 s1, s0  }
0xbd: {  	s0 =	sadd.s32 $0x8F2B, s0  }
0xbe: {  	[sflag:s0] =	ssyncadd.remote.s32 $0x1  }
0xbf: {  	_ =	sfence.sel $0xFFFF  }
0xc0: {  	[dreg:$0x0] =	wrdreg $0xFFFFFFFF;
	(pc) =	sbr.abs _section_cstart, $3  }
0xc1: {  	[dreg:$0x1] =	wrdreg $0xFFFFFFFF  }
0xc2: {  	_ =	task.clear_ibuf [dreg:s8], $0x2FFFF;
	_ =	strace $0x9FFFFFFF  }
0xc3: {  	(tm) =	ssettm $0x7FFFFFFF  }
tec
execute0_lowered:
.L_overlay_start_1:
0x0: {  	(tag) =	ssettag $0x1  }
0x1: {  	s0 =	srdreg.scid;
	s2 =	rddreg [dreg:$0x0]  }
0x2: {  	s1 =	stileid.u32;
	s3 =	rddreg [dreg:$0x1]  }
0x3: {  	s4 =	simm.s32 $0x0;
	s17 =	simm.s32 $0x4000;
	s18 =	simm.s32 $0x8000  }
0x4: {  	v0 =	vlaneseq.u32;
	s19 =	simm.s32 $0x1;
	s20 =	simm.s32 $0xC000;
	s21 =	simm.s32 $0x2  }
0x5: {  	s22 =	simm.s32 $0x10000;
	s23 =	simm.s32 $0x3;
	s24 =	simm.s32 $0x14000;
	v0 =	vmul.u32 $0x80, v0  }
0x6: {  	s25 =	simm.s32 $0x4;
	s26 =	simm.s32 $0x5;
	[smem:$0x7FF] =	sst s4  }
0x7: {  	s28 =	simm.s32 $0x6;
	s0 =	sand.u32 $0x1, s0;
	_ =	strace $0x80000047;
	v2 =	vor.u32 $0x800, v0;
	[tilespmem:$0x1FFE0] =	vst v0  }
0x8: {  	s1 =	sshll.u32 s1, $0x14;
	s5 =	sshll.u32 s0, $0x13;
	s0 =	ssub.s32 $0x2, s0;
	[tilespmem:$0x1FF80] =	vst v2;
	v2 =	vor.u32 $0x1000, v0  }
0x9: {  	s29 =	simm.s32 $0x0;
	s5 =	sor.u32 s5, s1;
	s7 =	sshrl.u32 s0, $0x1;
	[tilespmem:$0x1FF90] =	vst v2;
	v2 =	vor.u32 $0x1800, v0  }
0xa: {  	s1 =	sshrl.u32 s5, $0x3;
	s0 =	ssub.s32 s0, s7;
	s9 =	sor.u32 $0xC000, s5;
	[tilespmem:$0x1FFA0] =	vst v2;
	v2 =	vor.u32 $0x2000, v0  }
0xb: {  	s10 =	sor.u32 $0x4000, s5;
	s11 =	sor.u32 $0x10000, s5;
	s12 =	sor.u32 $0x8000, s5;
	[tilespmem:$0x1FFB0] =	vst v2;
	v2 =	vor.u32 $0x2800, v0  }
0xc: {  	s13 =	sor.u32 $0x14000, s5;
	s6 =	sadd.s32 s2, s1;
	s1 =	sadd.s32 s1, s3;
	[tilespmem:$0x1FFC0] =	vst v2;
	v2 =	vor.u32 $0x3000, v0  }
0xd: {  	s16 =	smax.u32 s0, $0x1;
	s31 =	sadd.s32 $0x800, s6;
	s8 =	sadd.s32 $0x1000, s6;
	v0 =	vor.u32 $0x3800, v0;
	[tilespmem:$0x1FFD0] =	vst v2  }
0xe: {  	v1 =	vimm.f32 $0.0e+00;
	s14 =	sadd.s32 $0xF000, s1;
	s15 =	sadd.s32 $0xF800, s1;
	[dreg:$0x3] =	wrdreg s31;
	[tilespmem:$0x1FFF0] =	vst v0  }
.LBB2_1:
0xf: {  	s0 =	simm.s32 $0x40;
	s1 =	simm.s32 $0x0  }
.LBB2_2:
0x10: {  	p0 =	sne.s32 s0, $0xFFC0;
	[tilespmem:s1+$0x14000] =	vst v1;
	s7 =	smov.u32 s0;
	s0 =	sadd.s32 $0x40, s0  }
.Ltmp0:
0x11: {  	[tilespmem:s1+$0xC000] =	vst v1;
	(pc) =	sbr.rel @p0 .LBB2_2-.Ltmp0, $2  }
0x12: {  	[tilespmem:s1+$0x10000] =	vst v1;
	_ =	sdelay $0x2  }
0x13: {  	s1 =	sshra.s32 s7, $0x2  }
0x14: {  	v0 =	vld [tilespmem:$0x1FFE0];
	_ =	sdelay $0x1  }
0x15: {  	[tilespmem:s1+$0x14000] =	vst v1  }
0x16: {  	[tilespmem:s1+$0xC000] =	vst v1;
	v57 =	vld [tilespmem:$0x1FF80]  }
0x17: {  	[tilespmem:s1+$0x10000] =	vst v1  }
0x18: {  	[tilespmem:$0x18000] =	vst v0  }
0x19: {  	v58 =	vld [tilespmem:$0x1FF90];
	[tilespmem:$0x18080] =	vst v0  }
0x1a: {  	[tilespmem:$0x18100] =	vst v0  }
0x1b: {  	[tilespmem:$0x18010] =	vst v57  }
0x1c: {  	v59 =	vld [tilespmem:$0x1FFA0];
	[tilespmem:$0x18090] =	vst v57  }
0x1d: {  	[tilespmem:$0x18110] =	vst v57  }
0x1e: {  	[tilespmem:$0x18020] =	vst v58  }
0x1f: {  	v60 =	vld [tilespmem:$0x1FFB0];
	[tilespmem:$0x180A0] =	vst v58  }
0x20: {  	[tilespmem:$0x18120] =	vst v58  }
0x21: {  	[tilespmem:$0x18030] =	vst v59  }
0x22: {  	v61 =	vld [tilespmem:$0x1FFC0];
	[tilespmem:$0x180B0] =	vst v59  }
0x23: {  	[tilespmem:$0x18130] =	vst v59  }
0x24: {  	[tilespmem:$0x18040] =	vst v60  }
0x25: {  	v62 =	vld [tilespmem:$0x1FFD0];
	[tilespmem:$0x180C0] =	vst v60  }
0x26: {  	[tilespmem:$0x18140] =	vst v60  }
0x27: {  	[tilespmem:$0x18050] =	vst v61  }
0x28: {  	v63 =	vld [tilespmem:$0x1FFF0];
	[tilespmem:$0x180D0] =	vst v61  }
0x29: {  	[tilespmem:$0x18150] =	vst v61  }
0x2a: {  	[tilespmem:$0x18060] =	vst v62  }
0x2b: {  	[tilespmem:$0x180E0] =	vst v62  }
0x2c: {  	[tilespmem:$0x18160] =	vst v62  }
0x2d: {  	[tilespmem:$0x18070] =	vst v63  }
0x2e: {  	[tilespmem:$0x180F0] =	vst v63  }
0x2f: {  	s30 =	simm.s32 $0x0;
	[tilespmem:$0x18170] =	vst v63  }
0x30: {  	[tilespmem:s30], [sflag:$0x1] =	stream.linear.gather [hbm4b:s6+s30], $0x4000, $0x38;
	[tilespmem:$0x18180] =	vst v63  }
0x31: {  	s0 =	rddreg [dreg:$0x3]  }
0x32: {  	[tilespmem:s17], [sflag:$0x2] =	stream.linear.gather [hbm4b:s0+s30], $0x4000, $0x38;
	[tilespmem:$0x18180] =	vst v63  }
0x33: {  	_ = 	snop  }
0x34: {  	[tilespmem:s18], [sflag:$0x3] =	stream.linear.gather [hbm4b:s8+s30], $0x4000, $0x38;
	[tilespmem:$0x18180] =	vst v63  }
.LBB2_4:
0x35: {  	_ =	swait.ge [sflag:s19], $0x4000  }
0x36: {  	p0 =	seq.s32 s30, $0x0;
	[sflag:s19] =	ssyncset.done $0x0  }
0x37: {  	s0 =	simm.s32 @!p0 $0x4;
	[sflag:s19] =	ssyncadd.s32 $0xFFFFC000  }
0x38: {  	s31 =	smul.u32 $0xC000, s30;
	_ =	swait.ge @!p0 [sflag:s0], $0x4000  }
0x39: {  	[sflag:s0] =	ssyncset.done @!p0 $0x0  }
0x3a: {  	s1 =	sadd.s32 s5, s31;
	[sflag:s0] =	ssyncadd.s32 @!p0 $0xFFFFC000;
	s0 =	simm.s32 $0x0  }
.LBB2_5:
0x3b: {  	v0 =	vlaneseq.u32  }
0x3c: {  	v1 =	vmul.u32 $0x80, v0  }
0x3d: {  	v4 =	vmul.u32 $0x81, v0;
	v7 =	vor.u32 $0xFFFFFF90, v0;
	v8 =	vor.u32 $0xFFFFFFA0, v0  }
0x3e: {  	v13 =	vor.u32 $0xFFFFFFC0, v0;
	v61 =	vadd.s32 $0x3, v0;
	v34 =	vadd.s32 $0x4, v0  }
0x3f: {  	s7 =	sshll.u32 s0, $0xB;
	v18 =	vadd.s32 $0x1, v0;
	v32 =	vand.u32 $0xF, v61;
	v30 =	vand.u32 $0xF, v34  }
0x40: {  	v2 =	vor.u32 $0x10, v1;
	v39 =	vor.u32 s7, v4;
	v5 =	vadd.s32 $0x10, v4  }
0x41: {  	v6 =	vadd.s32 $0x20, v4;
	v9 =	vadd.s32 $0x30, v4;
	v12 =	vadd.s32 $0x40, v4  }
0x42: {  	v19 =	vor.u32 $0x70, v1;
	v14 =	vor.u32 s7, v2;
	v2 =	vor.u32 $0xFFFFFF80, v0  }
0x43: {  	v5 =	vor.u32 s7, v5;
	v6 =	vor.u32 s7, v6;
	v2 =	vand.u32 v2, v39  }
0x44: {  	v49 =	vor.u32 s7, v9;
	v9 =	vor.u32 $0xFFFFFFB0, v0;
	v7 =	vand.u32 v7, v5  }
0x45: {  	v42 =	vor.u32 s7, v12;
	v12 =	vadd.s32 $0x50, v4;
	v8 =	vand.u32 v8, v6  }
0x46: {  	v20 =	vor.u32 s7, v19;
	v9 =	vand.u32 v9, v49;
	v38 =	vor.u32 s7, v12  }
0x47: {  	v12 =	vor.u32 $0xFFFFFFD0, v0;
	v15 =	vand.u32 v13, v42;
	v60 =	vor.u32 v20, v18  }
0x48: {  	v16 =	vand.u32 v12, v38;
	v12 =	vadd.s32 $0x60, v4;
	v4 =	vadd.s32 $0x70, v4;
	v23 =	vld.idx.msk [tilespmem:v2+s4+$0x0], $0xffff  }
0x49: {  	v44 =	vor.u32 s7, v12;
	v4 =	vor.u32 s7, v4;
	v12 =	vor.u32 $0xFFFFFFF0, v0;
	v7 =	vld.idx.msk [tilespmem:v7+s4+$0x0], $0xffff  }
0x4a: {  	v3 =	vor.u32 $0x20, v1;
	v2 =	vor.u32 $0xFFFFFFE0, v0;
	v25 =	vld.idx.msk [tilespmem:v8+s4+$0x0], $0xffff;
	v8 =	vand.u32 v12, v4  }
0x4b: {  	v10 =	vor.u32 s7, v1;
	v3 =	vor.u32 s7, v3;
	v35 =	vld.idx.msk [tilespmem:v9+s4+$0x0], $0xffff;
	v2 =	vand.u32 v2, v44  }
0x4c: {  	v13 =	vor.u32 $0x30, v1;
	v31 =	vor.u32 v14, v18;
	v9 =	vand.u32 $0xF, v18;
	v17 =	vld.idx.msk [tilespmem:v15+s4+$0x0], $0xffff  }
0x4d: {  	v12 =	vor.u32 $0x40, v1;
	v15 =	vor.u32 $0x50, v1;
	v54 =	vld.idx.msk [tilespmem:v16+s4+$0x0], $0xffff;
	v16 =	vor.u32 v10, v9  }
0x4e: {  	v1 =	vor.u32 $0x60, v1;
	v56 =	vld.idx.msk [tilespmem:v60+s4+$0x0], $0xffff;
	v59 =	vor.u32 v3, v9;
	v11 =	vor.u32 s7, v12  }
0x4f: {  	v22 =	vor.u32 s7, v15;
	v15 =	vor.u32 s7, v1;
	v55 =	vor.u32 v11, v9;
	v33 =	vld.idx.msk [tilespmem:v8+s4+$0x0], $0xffff  }
0x50: {  	v28 =	vor.u32 v10, v32;
	v13 =	vor.u32 s7, v13;
	v50 =	vor.u32 v15, v9;
	v24 =	vld.idx.msk [tilespmem:v2+s4+$0x0], $0xffff  }
0x51: {  	v48 =	vor.u32 v20, v61;
	v58 =	vor.u32 v13, v18;
	v1 =	vadd.s32 $0x2, v0;
	v2 =	vld.idx.msk [tilespmem:v31+s4+$0x0], $0xffff  }
0x52: {  	v26 =	vor.u32 v3, v30;
	v52 =	vor.u32 v22, v18;
	v46 =	vand.u32 $0xF, v1;
	v36 =	vld.idx.msk [tilespmem:v16+s4+$0x0], $0xffff  }
0x53: {  	v19 =	vor.u32 v13, v1;
	v29 =	vor.u32 v10, v46;
	v9 =	vld.idx.msk [tilespmem:v59+s4+$0x0], $0xffff;
	[tilespmem:$0x1FF50] =	vst v10  }
0x54: {  	v57 =	vor.u32 v14, v1;
	v41 =	vor.u32 v3, v46;
	v27 =	vld.idx.msk [tilespmem:v55+s4+$0x0], $0xffff;
	[tilespmem:$0x1FF60] =	vst v11  }
0x55: {  	v18 =	vor.u32 v13, v61;
	v62 =	vor.u32 v20, v1;
	v40 =	vld.idx.msk [tilespmem:v50+s4+$0x0], $0xffff;
	[tilespmem:$0x1FF70] =	vst v3  }
0x56: {  	v47 =	vor.u32 v22, v1;
	v37 =	vor.u32 v22, v61;
	v21 =	vor.u32 v11, v46;
	v3 =	vld.idx.msk [tilespmem:v58+s4+$0x0], $0xffff  }
0x57: {  	v8 =	vld.idx.msk [tilespmem:v52+s4+$0x0], $0xffff;
	vm4 =	vgt.f32 v56, v33;
	vm0 =	vgt.f32 v2, v7;
	vm1 =	vgt.f32 v36, v23  }
0x58: {  	v53 =	vld.idx.msk [tilespmem:v29+s4+$0x0], $0xffff;
	v63 =	vsel vm0, v31, v5;
	v2 =	vsel vm0, v2, v7;
	v51 =	vsel vm1, v36, v23  }
0x59: {  	v45 =	vld.idx.msk [tilespmem:v41+s4+$0x0], $0xffff;
	vm0 =	vgt.f32 v9, v25;
	v39 =	vsel vm1, v16, v39;
	v36 =	vor.u32 v22, v34  }
0x5a: {  	v1 =	vld.idx.msk [tilespmem:v62+s4+$0x0], $0xffff;
	v43 =	vsel vm0, v9, v25;
	v9 =	vadd.s32 $0x5, v0;
	v59 =	vsel vm0, v59, v6  }
0x5b: {  	v5 =	vld.idx.msk [tilespmem:v57+s4+$0x0], $0xffff;
	vm2 =	vgt.f32 v40, v24;
	v6 =	vsel vm4, v60, v4;
	vm0 =	vgt.f32 v27, v17  }
0x5c: {  	v7 =	vld.idx.msk [tilespmem:v47+s4+$0x0], $0xffff;
	v4 =	vor.u32 v20, v34;
	v16 =	vor.u32 v13, v9;
	v23 =	vand.u32 $0xF, v9  }
0x5d: {  	v31 =	vld.idx.msk [tilespmem:v19+s4+$0x0], $0xffff;
	v25 =	vor.u32 v22, v9;
	vm5 =	vgt.f32 v3, v35;
	vm3 =	vgt.f32 v8, v54  }
0x5e: {  	s7 =	simm.s32 $0x1;
	v0 =	vld.idx.msk [tilespmem:v37+s4+$0x0], $0xffff;
	vm1 =	vgt.f32 v53, v51;
	v35 =	vsel vm5, v3, v35;
	v3 =	vor.u32 v14, v61  }
.LBB2_6:
0x5f: {  	v61 =	vsel vm5, v58, v49;
	v58 =	vor.u32 v14, v9  }
0x60: {  	v42 =	vsel vm0, v55, v42;
	v8 =	vsel vm3, v8, v54;
	v52 =	vsel vm3, v52, v38;
	v12 =	vld [tilespmem:$0x1FF70]  }
0x61: {  	v55 =	vor.u32 v14, v34;
	v38 =	vor.u32 v20, v9;
	v44 =	vsel vm2, v50, v44  }
0x62: {  	v33 =	vsel vm4, v56, v33;
	v51 =	vsel vm1, v53, v51;
	v24 =	vsel vm2, v40, v24  }
0x63: {  	v54 =	vld.idx.msk [tilespmem:v48+s4+$0x0], $0xffff;
	v34 =	vor.u32 v13, v34;
	v17 =	vsel vm0, v27, v17;
	v11 =	vadd.s32 $0x3, v23  }
0x64: {  	v56 =	vld.idx.msk [tilespmem:v3+s4+$0x0], $0xffff;
	vm5 =	vgt.f32 v45, v43;
	vm6 =	vgt.f32 v5, v2;
	vm3 =	vgt.f32 v31, v35  }
0x65: {  	vm7 =	vgt.f32 v7, v8;
	vm4 =	vgt.f32 v1, v33;
	v9 =	vor.u32 v12, v32  }
0x66: {  	v10 =	vld.idx.msk [tilespmem:v4+s4+$0x0], $0xffff;
	v50 =	vsel vm6, v57, v63;
	v2 =	vsel vm6, v5, v2;
	v5 =	vsel vm7, v7, v8  }
0x67: {  	v60 =	vld.idx.msk [tilespmem:v36+s4+$0x0], $0xffff;
	v1 =	vsel vm4, v1, v33;
	v6 =	vsel vm4, v62, v6;
	v8 =	vor.u32 v15, v46  }
0x68: {  	v7 =	vld.idx.msk [tilespmem:v28+s4+$0x0], $0xffff;
	v40 =	vsel vm5, v45, v43;
	v19 =	vsel vm3, v19, v61;
	vm6 =	vgt.f32 v0, v5  }
0x69: {  	v62 =	vld [tilespmem:$0x1FF50];
	vm8 =	vgt.f32 v54, v1;
	vm9 =	vgt.f32 v56, v2;
	v0 =	vsel vm6, v0, v5  }
0x6a: {  	v63 =	vld [tilespmem:$0x1FF60];
	v1 =	vsel vm8, v54, v1;
	v6 =	vsel vm8, v48, v6;
	v2 =	vsel vm9, v56, v2  }
0x6b: {  	v5 =	vld.idx.msk [tilespmem:v55+s4+$0x0], $0xffff;
	v3 =	vsel vm9, v3, v50;
	v50 =	vor.u32 v15, v32;
	vm12 =	vgt.f32 v10, v1  }
0x6c: {  	v54 =	vor.u32 v15, v30;
	vm4 =	vgt.f32 v60, v0;
	v4 =	vsel vm12, v4, v6;
	v6 =	vld.idx.msk [tilespmem:v58+s4+$0x0], $0xffff  }
0x6d: {  	v1 =	vsel vm12, v10, v1;
	v10 =	vsel vm5, v41, v59;
	v41 =	vsel vm7, v47, v52;
	v47 =	vld.idx.msk [tilespmem:v9+s4+$0x0], $0xffff  }
0x6e: {  	v59 =	vor.u32 v12, v23;
	v0 =	vsel vm4, v60, v0;
	v46 =	vor.u32 v62, v30;
	v52 =	vld.idx.msk [tilespmem:v8+s4+$0x0], $0xffff  }
0x6f: {  	v49 =	vld.idx.msk [tilespmem:v25+s4+$0x0], $0xffff;
	v48 =	vor.u32 v62, v23;
	v56 =	vor.u32 v63, v23;
	vm7 =	vgt.f32 v7, v51  }
0x70: {  	v33 =	vld.idx.msk [tilespmem:v38+s4+$0x0], $0xffff;
	v32 =	vor.u32 v63, v32;
	v37 =	vsel vm6, v37, v41;
	vm13 =	vgt.f32 v5, v2  }
0x71: {  	v57 =	vld.idx.msk [tilespmem:v26+s4+$0x0], $0xffff;
	v30 =	vor.u32 v63, v30;
	v7 =	vsel vm7, v7, v51;
	v2 =	vsel vm13, v5, v2  }
0x72: {  	v45 =	vld.idx.msk [tilespmem:v18+s4+$0x0], $0xffff;
	v51 =	vor.u32 v15, v23;
	v3 =	vsel vm13, v55, v3;
	vm2 =	vgt.f32 v6, v2  }
0x73: {  	v55 =	vld.idx.msk [tilespmem:v21+s4+$0x0], $0xffff;
	vm5 =	vgt.f32 v47, v40;
	vm14 =	vgt.f32 v52, v24;
	v43 =	vsel vm2, v6, v2  }
0x74: {  	v2 =	vsel vm1, v29, v39;
	v3 =	vsel vm2, v58, v3;
	v9 =	vsel vm5, v9, v10;
	v10 =	vld.idx.msk [tilespmem:v50+s4+$0x0], $0xffff  }
0x75: {  	v53 =	vld.idx.msk [tilespmem:v46+s4+$0x0], $0xffff;
	vm2 =	vgt.f32 v49, v0;
	v6 =	vsel vm5, v47, v40;
	vm5 =	vgt.f32 v33, v1  }
0x76: {  	v29 =	vld.idx.msk [tilespmem:v32+s4+$0x0], $0xffff;
	v2 =	vsel vm7, v28, v2;
	v8 =	vsel vm14, v8, v44;
	v24 =	vsel vm14, v52, v24  }
0x77: {  	v5 =	vld.idx.msk [tilespmem:v48+s4+$0x0], $0xffff;
	vm6 =	vgt.f32 v57, v6;
	v33 =	vsel vm5, v33, v1;
	v4 =	vsel vm5, v38, v4  }
0x78: {  	v47 =	vld.idx.msk [tilespmem:v54+s4+$0x0], $0xffff;
	vm7 =	vgt.f32 v55, v17;
	v6 =	vsel vm6, v57, v6;
	v9 =	vsel vm6, v26, v9  }
0x79: {  	v28 =	vld.idx.msk [tilespmem:v51+s4+$0x0], $0xffff;
	v26 =	vsel vm3, v31, v35;
	v17 =	vsel vm7, v55, v17;
	vm8 =	vgt.f32 v10, v24  }
0x7a: {  	vm3 =	vgt.f32 v45, v26;
	vm15 =	vgt.f32 v53, v7;
	v1 =	vsel vm8, v10, v24;
	v10 =	vld.idx.msk [tilespmem:v30+s4+$0x0], $0xffff  }
0x7b: {  	v21 =	vsel vm7, v21, v42;
	vm10 =	vgt.f32 v29, v17;
	v7 =	vsel vm15, v53, v7  }
0x7c: {  	v31 =	vld.idx.msk [tilespmem:v56+s4+$0x0], $0xffff;
	v53 =	vsel vm4, v36, v37;
	v2 =	vsel vm15, v46, v2;
	v37 =	vor.u32 v22, v11  }
0x7d: {  	vm1 =	vgt.f32 v5, v7;
	v38 =	vsel vm2, v25, v53;
	vm6 =	vgt.f32 v47, v1  }
0x7e: {  	v55 =	vld.idx.msk [tilespmem:v59+s4+$0x0], $0xffff;
	v5 =	vsel vm1, v5, v7;
	v7 =	vsel vm10, v29, v17;
	v1 =	vsel vm6, v47, v1  }
0x7f: {  	v17 =	vsel vm10, v32, v21;
	vm0 =	vgt.f32 v28, v1;
	vm4 =	vgt.f32 v10, v7  }
0x80: {  	v32 =	vand.u32 $0xF, v11;
	v24 =	vsel vm0, v28, v1;
	v7 =	vsel vm4, v10, v7  }
0x81: {  	v1 =	vsel vm8, v50, v8;
	v10 =	vsel vm4, v30, v17;
	vm4 =	vgt.f32 v31, v7  }
0x82: {  	v8 =	vsel vm3, v18, v19;
	v17 =	vsel vm4, v31, v7;
	v7 =	vadd.s32 $0x1, v23  }
0x83: {  	v19 =	vsel vm3, v45, v26;
	vm3 =	vgt.f32 v55, v6;
	v25 =	vor.u32 v14, v7  }
0x84: {  	v28 =	vor.u32 v62, v32;
	v1 =	vsel vm6, v54, v1;
	v61 =	vor.u32 v20, v7  }
0x85: {  	v27 =	vld.idx.msk [tilespmem:v34+s4+$0x0], $0xffff;
	v6 =	vsel vm3, v55, v6;
	v42 =	vsel vm4, v56, v10;
	v58 =	vor.u32 v13, v7  }
0x86: {  	v10 =	vsel vm1, v48, v2;
	v2 =	vand.u32 $0xF, v7;
	v52 =	vor.u32 v22, v7  }
0x87: {  	v18 =	vld.idx.msk [tilespmem:v16+s4+$0x0], $0xffff;
	v59 =	vsel vm3, v59, v9;
	v9 =	vadd.s32 $0x2, v23;
	v35 =	vor.u32 v12, v2  }
0x88: {  	v54 =	vsel vm2, v49, v0;
	v46 =	vand.u32 $0xF, v9;
	v31 =	vor.u32 v62, v2;
	v0 =	vld.idx.msk [tilespmem:v25+s4+$0x0], $0xffff  }
0x89: {  	v44 =	vsel vm0, v51, v1;
	v57 =	vor.u32 v14, v9;
	v50 =	vor.u32 v15, v2;
	v56 =	vld.idx.msk [tilespmem:v61+s4+$0x0], $0xffff  }
0x8a: {  	v47 =	vor.u32 v22, v9;
	v41 =	vor.u32 v12, v46;
	vm4 =	vgt.f32 v27, v19;
	v1 =	vld.idx.msk [tilespmem:v58+s4+$0x0], $0xffff  }
0x8b: {  	v29 =	vor.u32 v62, v46;
	v55 =	vor.u32 v63, v2;
	v2 =	vsel vm4, v34, v8;
	v8 =	vld.idx.msk [tilespmem:v52+s4+$0x0], $0xffff  }
0x8c: {  	v21 =	vor.u32 v63, v46;
	v48 =	vor.u32 v20, v11;
	v19 =	vsel vm4, v27, v19;
	v36 =	vld.idx.msk [tilespmem:v35+s4+$0x0], $0xffff  }
0x8d: {  	vm1 =	vgt.f32 v18, v19;
	v34 =	vadd.s32 $0x4, v23;
	v62 =	vor.u32 v20, v9;
	v7 =	vld.idx.msk [tilespmem:v31+s4+$0x0], $0xffff  }
0x8e: {  	v60 =	vsel vm1, v18, v19;
	v19 =	vor.u32 v13, v9;
	v49 =	vsel vm1, v16, v2;
	v40 =	vld.idx.msk [tilespmem:v50+s4+$0x0], $0xffff  }
0x8f: {  	v18 =	vor.u32 v13, v11;
	v30 =	vand.u32 $0xF, v34;
	v9 =	vadd.s32 $0x5, v23  }
0x90: {  	v26 =	vor.u32 v12, v30;
	v53 =	vld.idx.msk [tilespmem:v29+s4+$0x0], $0xffff;
	v16 =	vor.u32 v13, v9;
	v23 =	vand.u32 $0xF, v9  }
0x91: {  	s7 =	sadd.s32 $0x5, s7;
	v27 =	vld.idx.msk [tilespmem:v55+s4+$0x0], $0xffff;
	vm0 =	vgt.f32 v0, v43;
	vm4 =	vgt.f32 v56, v33;
	vm5 =	vgt.f32 v1, v60  }
0x92: {  	p1 =	slt.u32 s7, $0xB;
	v45 =	vld.idx.msk [tilespmem:v41+s4+$0x0], $0xffff;
	vm3 =	vgt.f32 v8, v54;
	v63 =	vsel vm0, v25, v3;
	vm1 =	vgt.f32 v7, v5  }
.Ltmp1:
0x93: {  	v2 =	vsel vm0, v0, v43;
	vm0 =	vgt.f32 v36, v6;
	vm2 =	vgt.f32 v40, v24;
	v0 =	vld.idx.msk [tilespmem:v37+s4+$0x0], $0xffff;
	(pc) =	sbr.rel @p1 .LBB2_6-.Ltmp1, $4  }
0x94: {  	v25 =	vor.u32 v22, v9;
	v3 =	vor.u32 v14, v11;
	v51 =	vsel vm1, v7, v5;
	v5 =	vld.idx.msk [tilespmem:v57+s4+$0x0], $0xffff  }
0x95: {  	v39 =	vsel vm1, v31, v10;
	v43 =	vsel vm0, v36, v6;
	v36 =	vor.u32 v22, v34;
	v7 =	vld.idx.msk [tilespmem:v47+s4+$0x0], $0xffff  }
0x96: {  	v59 =	vsel vm0, v35, v59;
	v6 =	vsel vm4, v61, v4;
	vm0 =	vgt.f32 v27, v17;
	v31 =	vld.idx.msk [tilespmem:v19+s4+$0x0], $0xffff  }
0x97: {  	v4 =	vor.u32 v20, v34;
	v35 =	vsel vm5, v1, v60;
	v1 =	vld.idx.msk [tilespmem:v62+s4+$0x0], $0xffff;
	vm1 =	vgt.f32 v53, v51  }
0x98: {  	v10 =	vsel vm5, v58, v49;
	vm13 =	vgt.f32 v45, v43  }
0x99: {  	v11 =	vor.u32 v14, v9;
	v22 =	vsel vm0, v55, v42;
	v8 =	vsel vm3, v8, v54  }
0x9a: {  	v38 =	vsel vm3, v52, v38;
	v14 =	vor.u32 v14, v34;
	v9 =	vor.u32 v20, v9  }
0x9b: {  	v44 =	vsel vm2, v50, v44;
	v33 =	vsel vm4, v56, v33;
	v50 =	vor.u32 v15, v32  }
0x9c: {  	v42 =	vld.idx.msk [tilespmem:v48+s4+$0x0], $0xffff;
	v24 =	vsel vm2, v40, v24;
	v13 =	vor.u32 v13, v34;
	v17 =	vsel vm0, v27, v17  }
0x9d: {  	v12 =	vld [tilespmem:$0x1FF70];
	vm6 =	vgt.f32 v5, v2;
	v41 =	vsel vm13, v41, v59;
	vm7 =	vgt.f32 v7, v8  }
0x9e: {  	v60 =	vld.idx.msk [tilespmem:v3+s4+$0x0], $0xffff;
	v58 =	vsel vm6, v57, v63;
	v2 =	vsel vm6, v5, v2;
	v63 =	vsel vm1, v53, v51  }
0x9f: {  	v49 =	vld.idx.msk [tilespmem:v36+s4+$0x0], $0xffff;
	v51 =	vor.u32 v15, v30;
	vm3 =	vgt.f32 v31, v35;
	v61 =	vsel vm7, v7, v8  }
0xa0: {  	v52 =	vld.idx.msk [tilespmem:v4+s4+$0x0], $0xffff;
	v7 =	vor.u32 v15, v46;
	v38 =	vsel vm7, v47, v38;
	v15 =	vor.u32 v15, v23  }
0xa1: {  	v47 =	vsel vm1, v29, v39;
	v39 =	vld.idx.msk [tilespmem:v25+s4+$0x0], $0xffff;
	vm4 =	vgt.f32 v1, v33;
	vm6 =	vgt.f32 v0, v61  }
0xa2: {  	v10 =	vsel vm3, v19, v10;
	v20 =	vor.u32 v12, v32;
	v1 =	vsel vm4, v1, v33;
	v5 =	vld.idx.msk [tilespmem:v14+s4+$0x0], $0xffff  }
0xa3: {  	v6 =	vsel vm4, v62, v6;
	v0 =	vsel vm6, v0, v61;
	v62 =	vld [tilespmem:$0x1FF50];
	vm9 =	vgt.f32 v60, v2  }
0xa4: {  	v61 =	vld [tilespmem:$0x1FF60];
	v55 =	vor.u32 v12, v23;
	v37 =	vsel vm6, v37, v38;
	vm8 =	vgt.f32 v42, v1  }
0xa5: {  	v33 =	vld.idx.msk [tilespmem:v28+s4+$0x0], $0xffff;
	vm4 =	vgt.f32 v49, v0;
	v2 =	vsel vm9, v60, v2;
	v1 =	vsel vm8, v42, v1  }
0xa6: {  	v6 =	vsel vm8, v48, v6;
	v0 =	vsel vm4, v49, v0;
	vm14 =	vgt.f32 v52, v1;
	v48 =	vld.idx.msk [tilespmem:v7+s4+$0x0], $0xffff  }
0xa7: {  	v60 =	vsel vm9, v3, v58;
	vm10 =	vgt.f32 v39, v0;
	v4 =	vsel vm14, v4, v6;
	v6 =	vld.idx.msk [tilespmem:v11+s4+$0x0], $0xffff  }
0xa8: {  	v1 =	vsel vm14, v52, v1;
	v52 =	vld.idx.msk [tilespmem:v9+s4+$0x0], $0xffff;
	v0 =	vsel vm10, v39, v0;
	v8 =	vor.u32 v62, v30  }
0xa9: {  	v42 =	vor.u32 v62, v23;
	v46 =	vld.idx.msk [tilespmem:v20+s4+$0x0], $0xffff;
	vm15 =	vgt.f32 v5, v2;
	v53 =	vor.u32 v61, v23  }
0xaa: {  	v40 =	vld.idx.msk [tilespmem:v26+s4+$0x0], $0xffff;
	vm12 =	vgt.f32 v33, v63;
	v32 =	vor.u32 v61, v32;
	v58 =	vor.u32 v61, v30  }
0xab: {  	v33 =	vsel vm12, v33, v63;
	v2 =	vsel vm15, v5, v2;
	v63 =	vsel vm13, v45, v43;
	v43 =	vld.idx.msk [tilespmem:v21+s4+$0x0], $0xffff  }
0xac: {  	v3 =	vsel vm15, v14, v60;
	v45 =	vld.idx.msk [tilespmem:v50+s4+$0x0], $0xffff;
	vm13 =	vgt.f32 v48, v24;
	vm2 =	vgt.f32 v6, v2  }
0xad: {  	v61 =	vld.idx.msk [tilespmem:v18+s4+$0x0], $0xffff;
	vm1 =	vgt.f32 v52, v1;
	v7 =	vsel vm13, v7, v44;
	v24 =	vsel vm13, v48, v24  }
0xae: {  	v60 =	vld.idx.msk [tilespmem:v51+s4+$0x0], $0xffff;
	v44 =	vsel vm3, v31, v35;
	vm5 =	vgt.f32 v46, v63;
	v2 =	vsel vm2, v6, v2  }
0xaf: {  	v62 =	vld.idx.msk [tilespmem:v8+s4+$0x0], $0xffff;
	v6 =	vsel vm12, v28, v47;
	v1 =	vsel vm1, v52, v1;
	v3 =	vsel vm2, v11, v3  }
0xb0: {  	v57 =	vld.idx.msk [tilespmem:v32+s4+$0x0], $0xffff;
	v4 =	vsel vm1, v9, v4;
	v20 =	vsel vm5, v20, v41;
	v5 =	vsel vm5, v46, v63  }
0xb1: {  	v14 =	vld.idx.msk [tilespmem:v42+s4+$0x0], $0xffff;
	vm12 =	vgt.f32 v43, v17;
	vm7 =	vgt.f32 v45, v24;
	vm15 =	vgt.f32 v40, v5  }
0xb2: {  	v46 =	vld.idx.msk [tilespmem:v55+s4+$0x0], $0xffff;
	v17 =	vsel vm12, v43, v17;
	v38 =	vsel vm7, v45, v24;
	v47 =	vsel vm12, v21, v22  }
0xb3: {  	v43 =	vld.idx.msk [tilespmem:v58+s4+$0x0], $0xffff;
	v5 =	vsel vm15, v40, v5;
	v41 =	vsel vm15, v26, v20;
	vm15 =	vgt.f32 v61, v44  }
0xb4: {  	v45 =	vld.idx.msk [tilespmem:v13+s4+$0x0], $0xffff;
	v7 =	vsel vm7, v50, v7;
	v54 =	vsel vm15, v61, v44;
	vm14 =	vgt.f32 v62, v33  }
0xb5: {  	v63 =	vld.idx.msk [tilespmem:v15+s4+$0x0], $0xffff;
	vm13 =	vgt.f32 v57, v17;
	v59 =	vsel vm14, v62, v33;
	v62 =	vsel vm4, v36, v37  }
0xb6: {  	v6 =	vsel vm14, v8, v6;
	vm14 =	vgt.f32 v60, v38;
	v49 =	vsel vm13, v57, v17  }
0xb7: {  	v48 =	vld.idx.msk [tilespmem:v53+s4+$0x0], $0xffff;
	v52 =	vsel vm13, v32, v47;
	vm13 =	vgt.f32 v46, v5;
	vm0 =	vgt.f32 v14, v59  }
0xb8: {  	v50 =	vld.idx.msk [tilespmem:v16+s4+$0x0], $0xffff;
	v23 =	vsel vm14, v60, v38;
	v7 =	vsel vm14, v51, v7;
	v51 =	vsel vm15, v18, v10  }
0xb9: {  	vm11 =	vgt.f32 v43, v49;
	v56 =	vsel vm10, v25, v62;
	vm12 =	vgt.f32 v45, v54  }
0xba: {  	v5 =	vsel vm13, v46, v5;
	v8 =	vsel vm13, v55, v41;
	vm3 =	vgt.f32 v63, v23  }
0xbb: {  	v14 =	vsel vm0, v14, v59;
	v11 =	vsel vm11, v43, v49;
	v10 =	vsel vm11, v58, v52  }
0xbc: {  	v18 =	vsel vm12, v45, v54;
	v6 =	vsel vm0, v42, v6;
	v9 =	vsel vm12, v13, v51  }
0xbd: {  	v23 =	vsel vm3, v63, v23;
	vm14 =	vgt.f32 v48, v11;
	vm15 =	vgt.f32 v50, v18  }
0xbe: {  	v7 =	vsel vm3, v15, v7;
	vm9 =	vge.f32 v14, v2;
	v11 =	vsel vm14, v48, v11  }
0xbf: {  	v10 =	vsel vm14, v53, v10;
	v17 =	vsel vm15, v50, v18;
	v9 =	vsel vm15, v16, v9  }
0xc0: {  	s7 =	sshll.u32 s0, $0x4;
	v2 =	vsel vm9, v14, v2;
	v3 =	vsel vm9, v6, v3;
	vm12 =	vge.f32 v23, v1  }
0xc1: {  	s7 =	sand.u32 $0x3FFFFFF0, s7;
	vm10 =	vge.f32 v5, v17;
	vm11 =	vge.f32 v11, v0;
	v1 =	vsel vm12, v23, v1  }
0xc2: {  	v58 =	vld [tilespmem:s7+$0x18000];
	v4 =	vsel vm12, v7, v4;
	v5 =	vsel vm10, v5, v17;
	v0 =	vsel vm11, v11, v0  }
0xc3: {  	v57 =	vsel vm10, v8, v9;
	vm13 =	vge.f32 v2, v5;
	vm14 =	vge.f32 v0, v1  }
0xc4: {  	v59 =	vsel vm11, v10, v56;
	v2 =	vsel vm13, v2, v5;
	v0 =	vsel vm14, v0, v1  }
0xc5: {  	v60 =	vsel vm13, v3, v57;
	v61 =	vsel vm14, v59, v4;
	vm15 =	vge.f32 v2, v0  }
0xc6: {  	v0 =	vsel vm15, v60, v61  }
0xc7: {  	vm0 =	vne.s32 v58, v0;
	_ =	sdelay $0x1  }
0xc8: {  	s0 =	sadd.s32 $0x1, s0  }
0xc9: {  	p1 =	sne.s32 s0, $0x8  }
.Ltmp2:
0xca: {  	_ = 	snop;
	(pc) =	sbr.rel @p1 .LBB2_5-.Ltmp2, $4  }
0xcb: {  	v62 =	vimm.f32 $0.0e+00  }
0xcc: {  	v63 =	vimm.f32 $1.000000000e+00;
	[tilespmem:v58+s20+$0x0] =	vst.idx.msk vm0, v62  }
0xcd: {  	[tilespmem:v0+s20+$0x0] =	vst.idx.msk $0xffff, v63  }
0xce: {  	[tilespmem:s7+$0x18000] =	vst v0  }
0xcf: {  	s0 =	sshrl.u32 s1, $0x3  }
0xd0: {  	s7 =	sadd.s32 s31, s9;
	s0 =	sadd.s32 s3, s0  }
0xd1: {  	[hbm4b:s0+s4] =	stream.linear.scatter [tilespmem:s20], [sflag:$0x4], $0x4000, $0x38;
	[tilespmem:$0x18180] =	vst v63  }
0xd2: {  	s0 =	sshrl.u32 s7, $0x3  }
0xd3: {  	s0 =	sadd.s32 s2, s0  }
0xd4: {  	[tilespmem:s4], [sflag:$0x1] =	stream.linear.gather [hbm4b:s0+s4], $0x4000, $0x38;
	[tilespmem:$0x18180] =	vst v63  }
0xd5: {  	_ =	swait.ge [sflag:s21], $0x4000  }
0xd6: {  	[sflag:s21] =	ssyncset.done $0x0  }
0xd7: {  	s0 =	simm.s32 @!p0 $0x5;
	[sflag:s21] =	ssyncadd.s32 $0xFFFFC000  }
0xd8: {  	_ =	swait.ge @!p0 [sflag:s0], $0x4000  }
0xd9: {  	[sflag:s0] =	ssyncset.done @!p0 $0x0  }
0xda: {  	s1 =	sadd.s32 s31, s10;
	[sflag:s0] =	ssyncadd.s32 @!p0 $0xFFFFC000;
	s0 =	simm.s32 $0x0  }
.LBB2_9:
0xdb: {  	v1 =	vlaneseq.u32  }
0xdc: {  	v0 =	vmul.u32 $0x80, v1  }
0xdd: {  	v4 =	vmul.u32 $0x81, v1;
	v7 =	vor.u32 $0xFFFFFF90, v1;
	v8 =	vor.u32 $0xFFFFFFA0, v1  }
0xde: {  	v13 =	vor.u32 $0xFFFFFFC0, v1;
	v61 =	vadd.s32 $0x3, v1;
	v34 =	vadd.s32 $0x4, v1  }
0xdf: {  	s7 =	sshll.u32 s0, $0xB;
	v19 =	vadd.s32 $0x1, v1;
	v32 =	vand.u32 $0xF, v61;
	v30 =	vand.u32 $0xF, v34  }
0xe0: {  	v2 =	vor.u32 $0x10, v0;
	v39 =	vor.u32 s7, v4;
	v5 =	vadd.s32 $0x10, v4  }
0xe1: {  	v6 =	vadd.s32 $0x20, v4;
	v9 =	vadd.s32 $0x30, v4;
	v12 =	vadd.s32 $0x40, v4  }
0xe2: {  	v20 =	vor.u32 $0x70, v0;
	v14 =	vor.u32 s7, v2;
	v2 =	vor.u32 $0xFFFFFF80, v1  }
0xe3: {  	v5 =	vor.u32 s7, v5;
	v6 =	vor.u32 s7, v6;
	v2 =	vand.u32 v2, v39  }
0xe4: {  	v49 =	vor.u32 s7, v9;
	v9 =	vor.u32 $0xFFFFFFB0, v1;
	v7 =	vand.u32 v7, v5  }
0xe5: {  	v42 =	vor.u32 s7, v12;
	v12 =	vadd.s32 $0x50, v4;
	v8 =	vand.u32 v8, v6  }
0xe6: {  	v20 =	vor.u32 s7, v20;
	v9 =	vand.u32 v9, v49;
	v38 =	vor.u32 s7, v12  }
0xe7: {  	v12 =	vor.u32 $0xFFFFFFD0, v1;
	v15 =	vand.u32 v13, v42;
	v60 =	vor.u32 v20, v19  }
0xe8: {  	v16 =	vand.u32 v12, v38;
	v12 =	vadd.s32 $0x60, v4;
	v4 =	vadd.s32 $0x70, v4;
	v23 =	vld.idx.msk [tilespmem:v2+s17+$0x0], $0xffff  }
0xe9: {  	v44 =	vor.u32 s7, v12;
	v4 =	vor.u32 s7, v4;
	v12 =	vor.u32 $0xFFFFFFF0, v1;
	v7 =	vld.idx.msk [tilespmem:v7+s17+$0x0], $0xffff  }
0xea: {  	v3 =	vor.u32 $0x20, v0;
	v18 =	vand.u32 v12, v4;
	v2 =	vor.u32 $0xFFFFFFE0, v1;
	v8 =	vld.idx.msk [tilespmem:v8+s17+$0x0], $0xffff  }
0xeb: {  	v10 =	vor.u32 s7, v0;
	v3 =	vor.u32 s7, v3;
	v35 =	vld.idx.msk [tilespmem:v9+s17+$0x0], $0xffff;
	v2 =	vand.u32 v2, v44  }
0xec: {  	v25 =	vor.u32 v14, v19;
	v12 =	vor.u32 $0x40, v0;
	v9 =	vand.u32 $0xF, v19;
	v17 =	vld.idx.msk [tilespmem:v15+s17+$0x0], $0xffff  }
0xed: {  	v13 =	vor.u32 $0x30, v0;
	v11 =	vor.u32 s7, v12;
	v54 =	vld.idx.msk [tilespmem:v16+s17+$0x0], $0xffff;
	v16 =	vor.u32 v10, v9  }
0xee: {  	v15 =	vor.u32 $0x50, v0;
	v0 =	vor.u32 $0x60, v0;
	v56 =	vld.idx.msk [tilespmem:v60+s17+$0x0], $0xffff;
	v31 =	vor.u32 v3, v9  }
0xef: {  	v22 =	vor.u32 s7, v15;
	v15 =	vor.u32 s7, v0;
	v55 =	vor.u32 v11, v9;
	v33 =	vld.idx.msk [tilespmem:v18+s17+$0x0], $0xffff  }
0xf0: {  	v28 =	vor.u32 v10, v32;
	v13 =	vor.u32 s7, v13;
	v50 =	vor.u32 v15, v9;
	v24 =	vld.idx.msk [tilespmem:v2+s17+$0x0], $0xffff  }
0xf1: {  	v48 =	vor.u32 v20, v61;
	v58 =	vor.u32 v13, v19;
	v0 =	vadd.s32 $0x2, v1;
	v2 =	vld.idx.msk [tilespmem:v25+s17+$0x0], $0xffff  }
0xf2: {  	v26 =	vor.u32 v3, v30;
	v52 =	vor.u32 v22, v19;
	v46 =	vand.u32 $0xF, v0;
	v36 =	vld.idx.msk [tilespmem:v16+s17+$0x0], $0xffff  }
0xf3: {  	v19 =	vor.u32 v13, v0;
	v29 =	vor.u32 v10, v46;
	v9 =	vld.idx.msk [tilespmem:v31+s17+$0x0], $0xffff;
	[tilespmem:$0x1FF20] =	vst v10  }
0xf4: {  	v57 =	vor.u32 v14, v0;
	v41 =	vor.u32 v3, v46;
	v27 =	vld.idx.msk [tilespmem:v55+s17+$0x0], $0xffff;
	[tilespmem:$0x1FF30] =	vst v11  }
0xf5: {  	v47 =	vor.u32 v22, v0;
	v62 =	vor.u32 v20, v0;
	v40 =	vld.idx.msk [tilespmem:v50+s17+$0x0], $0xffff;
	[tilespmem:$0x1FF40] =	vst v3  }
0xf6: {  	v37 =	vor.u32 v22, v61;
	v21 =	vor.u32 v11, v46;
	v18 =	vor.u32 v13, v61;
	v3 =	vld.idx.msk [tilespmem:v58+s17+$0x0], $0xffff  }
0xf7: {  	vm4 =	vgt.f32 v56, v33;
	v0 =	vld.idx.msk [tilespmem:v52+s17+$0x0], $0xffff;
	vm0 =	vgt.f32 v2, v7;
	vm1 =	vgt.f32 v36, v23  }
0xf8: {  	v53 =	vld.idx.msk [tilespmem:v29+s17+$0x0], $0xffff;
	v63 =	vsel vm0, v25, v5;
	v2 =	vsel vm0, v2, v7;
	v51 =	vsel vm1, v36, v23  }
0xf9: {  	v45 =	vld.idx.msk [tilespmem:v41+s17+$0x0], $0xffff;
	vm0 =	vgt.f32 v9, v8;
	v39 =	vsel vm1, v16, v39;
	v36 =	vor.u32 v22, v34  }
0xfa: {  	v5 =	vld.idx.msk [tilespmem:v57+s17+$0x0], $0xffff;
	v43 =	vsel vm0, v9, v8;
	v9 =	vadd.s32 $0x5, v1;
	v59 =	vsel vm0, v31, v6  }
0xfb: {  	v7 =	vld.idx.msk [tilespmem:v47+s17+$0x0], $0xffff;
	vm2 =	vgt.f32 v40, v24;
	v6 =	vsel vm4, v60, v4;
	vm0 =	vgt.f32 v27, v17  }
0xfc: {  	v31 =	vld.idx.msk [tilespmem:v19+s17+$0x0], $0xffff;
	v4 =	vor.u32 v20, v34;
	v16 =	vor.u32 v13, v9;
	v23 =	vand.u32 $0xF, v9  }
0xfd: {  	v8 =	vld.idx.msk [tilespmem:v37+s17+$0x0], $0xffff;
	v25 =	vor.u32 v22, v9;
	vm5 =	vgt.f32 v3, v35;
	vm3 =	vgt.f32 v0, v54  }
0xfe: {  	s7 =	simm.s32 $0x1;
	v1 =	vld.idx.msk [tilespmem:v62+s17+$0x0], $0xffff;
	vm1 =	vgt.f32 v53, v51;
	v35 =	vsel vm5, v3, v35;
	v3 =	vor.u32 v14, v61  }
.LBB2_10:
0xff: {  	v61 =	vsel vm5, v58, v49;
	v58 =	vor.u32 v14, v9  }
0x100: {  	v42 =	vsel vm0, v55, v42;
	v0 =	vsel vm3, v0, v54;
	v52 =	vsel vm3, v52, v38;
	v12 =	vld [tilespmem:$0x1FF40]  }
0x101: {  	v55 =	vor.u32 v14, v34;
	v38 =	vor.u32 v20, v9;
	v44 =	vsel vm2, v50, v44  }
0x102: {  	v33 =	vsel vm4, v56, v33;
	v51 =	vsel vm1, v53, v51;
	v24 =	vsel vm2, v40, v24  }
0x103: {  	v54 =	vld.idx.msk [tilespmem:v48+s17+$0x0], $0xffff;
	v34 =	vor.u32 v13, v34;
	v17 =	vsel vm0, v27, v17;
	v11 =	vadd.s32 $0x3, v23  }
0x104: {  	v56 =	vld.idx.msk [tilespmem:v3+s17+$0x0], $0xffff;
	vm5 =	vgt.f32 v45, v43;
	vm6 =	vgt.f32 v5, v2;
	vm3 =	vgt.f32 v31, v35  }
0x105: {  	vm7 =	vgt.f32 v7, v0;
	vm4 =	vgt.f32 v1, v33;
	v9 =	vor.u32 v12, v32  }
0x106: {  	v10 =	vld.idx.msk [tilespmem:v4+s17+$0x0], $0xffff;
	v50 =	vsel vm6, v57, v63;
	v2 =	vsel vm6, v5, v2;
	v0 =	vsel vm7, v7, v0  }
0x107: {  	v60 =	vld.idx.msk [tilespmem:v36+s17+$0x0], $0xffff;
	v1 =	vsel vm4, v1, v33;
	v5 =	vsel vm4, v62, v6;
	v7 =	vor.u32 v15, v46  }
0x108: {  	v6 =	vld.idx.msk [tilespmem:v28+s17+$0x0], $0xffff;
	v40 =	vsel vm5, v45, v43;
	v19 =	vsel vm3, v19, v61;
	vm6 =	vgt.f32 v8, v0  }
0x109: {  	v62 =	vld [tilespmem:$0x1FF20];
	vm8 =	vgt.f32 v54, v1;
	vm9 =	vgt.f32 v56, v2;
	v0 =	vsel vm6, v8, v0  }
0x10a: {  	v63 =	vld [tilespmem:$0x1FF30];
	v1 =	vsel vm8, v54, v1;
	v5 =	vsel vm8, v48, v5;
	v2 =	vsel vm9, v56, v2  }
0x10b: {  	v8 =	vld.idx.msk [tilespmem:v55+s17+$0x0], $0xffff;
	v3 =	vsel vm9, v3, v50;
	v50 =	vor.u32 v15, v32;
	vm12 =	vgt.f32 v10, v1  }
0x10c: {  	v54 =	vor.u32 v15, v30;
	vm4 =	vgt.f32 v60, v0;
	v4 =	vsel vm12, v4, v5;
	v5 =	vld.idx.msk [tilespmem:v58+s17+$0x0], $0xffff  }
0x10d: {  	v1 =	vsel vm12, v10, v1;
	v10 =	vsel vm5, v41, v59;
	v41 =	vsel vm7, v47, v52;
	v47 =	vld.idx.msk [tilespmem:v9+s17+$0x0], $0xffff  }
0x10e: {  	v59 =	vor.u32 v12, v23;
	v0 =	vsel vm4, v60, v0;
	v46 =	vor.u32 v62, v30;
	v52 =	vld.idx.msk [tilespmem:v7+s17+$0x0], $0xffff  }
0x10f: {  	v49 =	vld.idx.msk [tilespmem:v25+s17+$0x0], $0xffff;
	v48 =	vor.u32 v62, v23;
	v56 =	vor.u32 v63, v23;
	vm7 =	vgt.f32 v6, v51  }
0x110: {  	v33 =	vld.idx.msk [tilespmem:v38+s17+$0x0], $0xffff;
	v32 =	vor.u32 v63, v32;
	v37 =	vsel vm6, v37, v41;
	vm13 =	vgt.f32 v8, v2  }
0x111: {  	v57 =	vld.idx.msk [tilespmem:v26+s17+$0x0], $0xffff;
	v30 =	vor.u32 v63, v30;
	v6 =	vsel vm7, v6, v51;
	v2 =	vsel vm13, v8, v2  }
0x112: {  	v45 =	vld.idx.msk [tilespmem:v18+s17+$0x0], $0xffff;
	v51 =	vor.u32 v15, v23;
	v3 =	vsel vm13, v55, v3;
	vm2 =	vgt.f32 v5, v2  }
0x113: {  	v55 =	vld.idx.msk [tilespmem:v21+s17+$0x0], $0xffff;
	vm5 =	vgt.f32 v47, v40;
	vm14 =	vgt.f32 v52, v24;
	v43 =	vsel vm2, v5, v2  }
0x114: {  	v53 =	vld.idx.msk [tilespmem:v46+s17+$0x0], $0xffff;
	v2 =	vsel vm1, v29, v39;
	v3 =	vsel vm2, v58, v3;
	vm2 =	vgt.f32 v49, v0  }
0x115: {  	v9 =	vsel vm5, v9, v10;
	v10 =	vld.idx.msk [tilespmem:v50+s17+$0x0], $0xffff;
	v5 =	vsel vm5, v47, v40;
	vm5 =	vgt.f32 v33, v1  }
0x116: {  	v29 =	vld.idx.msk [tilespmem:v32+s17+$0x0], $0xffff;
	v2 =	vsel vm7, v28, v2;
	v7 =	vsel vm14, v7, v44;
	v24 =	vsel vm14, v52, v24  }
0x117: {  	v47 =	vld.idx.msk [tilespmem:v54+s17+$0x0], $0xffff;
	vm6 =	vgt.f32 v57, v5;
	v33 =	vsel vm5, v33, v1;
	v4 =	vsel vm5, v38, v4  }
0x118: {  	v8 =	vld.idx.msk [tilespmem:v48+s17+$0x0], $0xffff;
	vm7 =	vgt.f32 v55, v17;
	v9 =	vsel vm6, v26, v9;
	v26 =	vsel vm3, v31, v35  }
0x119: {  	v28 =	vld.idx.msk [tilespmem:v51+s17+$0x0], $0xffff;
	v5 =	vsel vm6, v57, v5;
	v17 =	vsel vm7, v55, v17;
	vm3 =	vgt.f32 v45, v26  }
0x11a: {  	v21 =	vsel vm7, v21, v42;
	vm15 =	vgt.f32 v53, v6;
	vm8 =	vgt.f32 v10, v24  }
0x11b: {  	vm10 =	vgt.f32 v29, v17;
	v6 =	vsel vm15, v53, v6;
	v1 =	vsel vm8, v10, v24;
	v10 =	vld.idx.msk [tilespmem:v30+s17+$0x0], $0xffff  }
0x11c: {  	v55 =	vld.idx.msk [tilespmem:v59+s17+$0x0], $0xffff;
	v53 =	vsel vm4, v36, v37;
	v2 =	vsel vm15, v46, v2;
	vm6 =	vgt.f32 v47, v1  }
0x11d: {  	v31 =	vld.idx.msk [tilespmem:v56+s17+$0x0], $0xffff;
	v37 =	vor.u32 v22, v11;
	vm1 =	vgt.f32 v8, v6;
	v1 =	vsel vm6, v47, v1  }
0x11e: {  	v38 =	vsel vm2, v25, v53;
	v6 =	vsel vm1, v8, v6;
	vm0 =	vgt.f32 v28, v1  }
0x11f: {  	v24 =	vsel vm0, v28, v1;
	v1 =	vsel vm8, v50, v7;
	v7 =	vsel vm10, v29, v17  }
0x120: {  	v8 =	vsel vm3, v18, v19;
	v19 =	vsel vm3, v45, v26;
	vm4 =	vgt.f32 v10, v7  }
0x121: {  	vm3 =	vgt.f32 v55, v5;
	v17 =	vsel vm10, v32, v21;
	v7 =	vsel vm4, v10, v7  }
0x122: {  	v5 =	vsel vm3, v55, v5;
	v10 =	vsel vm4, v30, v17;
	vm4 =	vgt.f32 v31, v7  }
0x123: {  	v59 =	vsel vm3, v59, v9;
	v17 =	vsel vm4, v31, v7;
	v7 =	vadd.s32 $0x1, v23  }
0x124: {  	v9 =	vadd.s32 $0x2, v23;
	v32 =	vand.u32 $0xF, v11;
	v25 =	vor.u32 v14, v7  }
0x125: {  	v27 =	vld.idx.msk [tilespmem:v34+s17+$0x0], $0xffff;
	v46 =	vand.u32 $0xF, v9;
	v42 =	vsel vm4, v56, v10;
	v61 =	vor.u32 v20, v7  }
0x126: {  	v10 =	vsel vm1, v48, v2;
	v2 =	vand.u32 $0xF, v7;
	v58 =	vor.u32 v13, v7  }
0x127: {  	v18 =	vld.idx.msk [tilespmem:v16+s17+$0x0], $0xffff;
	v57 =	vor.u32 v14, v9;
	v47 =	vor.u32 v22, v9;
	v35 =	vor.u32 v12, v2  }
0x128: {  	v1 =	vsel vm6, v54, v1;
	v54 =	vsel vm2, v49, v0;
	v31 =	vor.u32 v62, v2  }
0x129: {  	v41 =	vor.u32 v12, v46;
	v29 =	vor.u32 v62, v46;
	v50 =	vor.u32 v15, v2;
	v0 =	vld.idx.msk [tilespmem:v25+s17+$0x0], $0xffff  }
0x12a: {  	v28 =	vor.u32 v62, v32;
	v21 =	vor.u32 v63, v46;
	vm4 =	vgt.f32 v27, v19;
	v56 =	vld.idx.msk [tilespmem:v61+s17+$0x0], $0xffff  }
0x12b: {  	v44 =	vsel vm0, v51, v1;
	v48 =	vor.u32 v20, v11;
	v19 =	vsel vm4, v27, v19;
	v1 =	vld.idx.msk [tilespmem:v58+s17+$0x0], $0xffff  }
0x12c: {  	v52 =	vor.u32 v22, v7;
	vm1 =	vgt.f32 v18, v19;
	v55 =	vor.u32 v63, v2;
	v36 =	vld.idx.msk [tilespmem:v35+s17+$0x0], $0xffff  }
0x12d: {  	v2 =	vsel vm4, v34, v8;
	v34 =	vadd.s32 $0x4, v23;
	v62 =	vor.u32 v20, v9;
	v7 =	vld.idx.msk [tilespmem:v31+s17+$0x0], $0xffff  }
0x12e: {  	v60 =	vsel vm1, v18, v19;
	v19 =	vor.u32 v13, v9;
	v49 =	vsel vm1, v16, v2;
	v40 =	vld.idx.msk [tilespmem:v50+s17+$0x0], $0xffff  }
0x12f: {  	v53 =	vld.idx.msk [tilespmem:v29+s17+$0x0], $0xffff;
	v18 =	vor.u32 v13, v11;
	v30 =	vand.u32 $0xF, v34;
	v9 =	vadd.s32 $0x5, v23  }
0x130: {  	v45 =	vld.idx.msk [tilespmem:v41+s17+$0x0], $0xffff;
	v26 =	vor.u32 v12, v30;
	v16 =	vor.u32 v13, v9;
	v23 =	vand.u32 $0xF, v9  }
0x131: {  	s7 =	sadd.s32 $0x5, s7;
	v27 =	vld.idx.msk [tilespmem:v55+s17+$0x0], $0xffff;
	vm0 =	vgt.f32 v0, v43;
	vm4 =	vgt.f32 v56, v33;
	vm5 =	vgt.f32 v1, v60  }
0x132: {  	p1 =	slt.u32 s7, $0xB;
	v63 =	vsel vm0, v25, v3;
	vm1 =	vgt.f32 v7, v6;
	v2 =	vsel vm0, v0, v43;
	v0 =	vld.idx.msk [tilespmem:v52+s17+$0x0], $0xffff  }
.Ltmp3:
0x133: {  	v8 =	vld.idx.msk [tilespmem:v37+s17+$0x0], $0xffff;
	vm0 =	vgt.f32 v36, v5;
	vm2 =	vgt.f32 v40, v24;
	v25 =	vor.u32 v22, v9;
	(pc) =	sbr.rel @p1 .LBB2_10-.Ltmp3, $4  }
0x134: {  	v3 =	vor.u32 v14, v11;
	v51 =	vsel vm1, v7, v6;
	v43 =	vsel vm0, v36, v5;
	v5 =	vld.idx.msk [tilespmem:v57+s17+$0x0], $0xffff  }
0x135: {  	v39 =	vsel vm1, v31, v10;
	v36 =	vor.u32 v22, v34;
	v59 =	vsel vm0, v35, v59;
	v7 =	vld.idx.msk [tilespmem:v47+s17+$0x0], $0xffff  }
0x136: {  	v6 =	vsel vm4, v61, v4;
	vm0 =	vgt.f32 v27, v17;
	v31 =	vld.idx.msk [tilespmem:v19+s17+$0x0], $0xffff;
	v4 =	vor.u32 v20, v34  }
0x137: {  	v35 =	vsel vm5, v1, v60;
	v1 =	vld.idx.msk [tilespmem:v62+s17+$0x0], $0xffff;
	vm1 =	vgt.f32 v53, v51;
	vm3 =	vgt.f32 v0, v54  }
0x138: {  	_ = 	snop  }
0x139: {  	v10 =	vsel vm5, v58, v49;
	vm13 =	vgt.f32 v45, v43  }
0x13a: {  	v11 =	vor.u32 v14, v9;
	v22 =	vsel vm0, v55, v42;
	v0 =	vsel vm3, v0, v54  }
0x13b: {  	v38 =	vsel vm3, v52, v38;
	v14 =	vor.u32 v14, v34;
	v9 =	vor.u32 v20, v9  }
0x13c: {  	v42 =	vld.idx.msk [tilespmem:v48+s17+$0x0], $0xffff;
	v44 =	vsel vm2, v50, v44;
	v33 =	vsel vm4, v56, v33;
	v50 =	vor.u32 v15, v32  }
0x13d: {  	v49 =	vld.idx.msk [tilespmem:v36+s17+$0x0], $0xffff;
	v24 =	vsel vm2, v40, v24;
	v13 =	vor.u32 v13, v34;
	v17 =	vsel vm0, v27, v17  }
0x13e: {  	v12 =	vld [tilespmem:$0x1FF40];
	vm6 =	vgt.f32 v5, v2;
	v41 =	vsel vm13, v41, v59;
	vm7 =	vgt.f32 v7, v0  }
0x13f: {  	v52 =	vld.idx.msk [tilespmem:v4+s17+$0x0], $0xffff;
	v58 =	vsel vm6, v57, v63;
	v2 =	vsel vm6, v5, v2;
	v63 =	vsel vm1, v53, v51  }
0x140: {  	v60 =	vld.idx.msk [tilespmem:v3+s17+$0x0], $0xffff;
	v51 =	vor.u32 v15, v30;
	vm3 =	vgt.f32 v31, v35;
	v0 =	vsel vm7, v7, v0  }
0x141: {  	v38 =	vsel vm7, v47, v38;
	v47 =	vsel vm1, v29, v39;
	v39 =	vld.idx.msk [tilespmem:v25+s17+$0x0], $0xffff;
	vm4 =	vgt.f32 v1, v33  }
0x142: {  	vm6 =	vgt.f32 v8, v0;
	v10 =	vsel vm3, v19, v10;
	v1 =	vsel vm4, v1, v33;
	v7 =	vld.idx.msk [tilespmem:v14+s17+$0x0], $0xffff  }
0x143: {  	v20 =	vor.u32 v12, v32;
	v61 =	vsel vm4, v62, v6;
	v62 =	vld [tilespmem:$0x1FF20];
	vm8 =	vgt.f32 v42, v1  }
0x144: {  	v6 =	vor.u32 v15, v46;
	v0 =	vsel vm6, v8, v0;
	v33 =	vld.idx.msk [tilespmem:v28+s17+$0x0], $0xffff;
	v1 =	vsel vm8, v42, v1  }
0x145: {  	vm9 =	vgt.f32 v60, v2;
	v5 =	vsel vm8, v48, v61;
	v61 =	vld [tilespmem:$0x1FF30];
	vm14 =	vgt.f32 v52, v1  }
0x146: {  	v55 =	vor.u32 v12, v23;
	vm4 =	vgt.f32 v49, v0;
	v4 =	vsel vm14, v4, v5;
	v5 =	vld.idx.msk [tilespmem:v11+s17+$0x0], $0xffff  }
0x147: {  	v15 =	vor.u32 v15, v23;
	v0 =	vsel vm4, v49, v0;
	v1 =	vsel vm14, v52, v1;
	v52 =	vld.idx.msk [tilespmem:v9+s17+$0x0], $0xffff  }
0x148: {  	v37 =	vsel vm6, v37, v38;
	v2 =	vsel vm9, v60, v2;
	vm10 =	vgt.f32 v39, v0;
	v46 =	vld.idx.msk [tilespmem:v20+s17+$0x0], $0xffff  }
0x149: {  	v60 =	vsel vm9, v3, v58;
	v0 =	vsel vm10, v39, v0;
	v8 =	vor.u32 v62, v30;
	v48 =	vld.idx.msk [tilespmem:v6+s17+$0x0], $0xffff  }
0x14a: {  	v42 =	vor.u32 v62, v23;
	vm15 =	vgt.f32 v7, v2;
	vm12 =	vgt.f32 v33, v63  }
0x14b: {  	v40 =	vld.idx.msk [tilespmem:v26+s17+$0x0], $0xffff;
	v33 =	vsel vm12, v33, v63;
	v2 =	vsel vm15, v7, v2;
	v63 =	vsel vm13, v45, v43  }
0x14c: {  	v3 =	vsel vm15, v14, v60;
	v43 =	vld.idx.msk [tilespmem:v21+s17+$0x0], $0xffff;
	v53 =	vor.u32 v61, v23;
	v32 =	vor.u32 v61, v32  }
0x14d: {  	v45 =	vld.idx.msk [tilespmem:v50+s17+$0x0], $0xffff;
	v58 =	vor.u32 v61, v30;
	vm2 =	vgt.f32 v5, v2;
	vm1 =	vgt.f32 v52, v1  }
0x14e: {  	v60 =	vld.idx.msk [tilespmem:v51+s17+$0x0], $0xffff;
	vm5 =	vgt.f32 v46, v63;
	vm13 =	vgt.f32 v48, v24;
	v2 =	vsel vm2, v5, v2  }
0x14f: {  	v61 =	vld.idx.msk [tilespmem:v18+s17+$0x0], $0xffff;
	v5 =	vsel vm12, v28, v47;
	v1 =	vsel vm1, v52, v1;
	v3 =	vsel vm2, v11, v3  }
0x150: {  	v62 =	vld.idx.msk [tilespmem:v8+s17+$0x0], $0xffff;
	v4 =	vsel vm1, v9, v4;
	v20 =	vsel vm5, v20, v41;
	v7 =	vsel vm5, v46, v63  }
0x151: {  	v14 =	vld.idx.msk [tilespmem:v42+s17+$0x0], $0xffff;
	v6 =	vsel vm13, v6, v44;
	vm12 =	vgt.f32 v43, v17;
	v24 =	vsel vm13, v48, v24  }
0x152: {  	v44 =	vld.idx.msk [tilespmem:v13+s17+$0x0], $0xffff;
	vm15 =	vgt.f32 v40, v7;
	v17 =	vsel vm12, v43, v17;
	vm7 =	vgt.f32 v45, v24  }
0x153: {  	v57 =	vld.idx.msk [tilespmem:v32+s17+$0x0], $0xffff;
	v43 =	vsel vm3, v31, v35;
	v46 =	vsel vm12, v21, v22;
	v38 =	vsel vm7, v45, v24  }
0x154: {  	v7 =	vsel vm15, v40, v7;
	v40 =	vsel vm15, v26, v20;
	vm15 =	vgt.f32 v61, v43  }
0x155: {  	v63 =	vld.idx.msk [tilespmem:v15+s17+$0x0], $0xffff;
	v6 =	vsel vm7, v50, v6;
	v50 =	vsel vm15, v18, v10;
	vm14 =	vgt.f32 v62, v33  }
0x156: {  	v45 =	vld.idx.msk [tilespmem:v55+s17+$0x0], $0xffff;
	v52 =	vsel vm15, v61, v43;
	v59 =	vsel vm14, v62, v33;
	v62 =	vsel vm4, v36, v37  }
0x157: {  	v49 =	vld.idx.msk [tilespmem:v16+s17+$0x0], $0xffff;
	v5 =	vsel vm14, v8, v5;
	vm14 =	vgt.f32 v60, v38;
	vm12 =	vgt.f32 v44, v52  }
0x158: {  	v41 =	vld.idx.msk [tilespmem:v58+s17+$0x0], $0xffff;
	vm0 =	vgt.f32 v14, v59;
	vm13 =	vgt.f32 v57, v17;
	v23 =	vsel vm14, v60, v38  }
0x159: {  	v6 =	vsel vm14, v51, v6;
	v54 =	vsel vm10, v25, v62;
	v18 =	vsel vm12, v44, v52  }
0x15a: {  	v9 =	vsel vm12, v13, v50;
	vm3 =	vgt.f32 v63, v23;
	v14 =	vsel vm0, v14, v59  }
0x15b: {  	v47 =	vld.idx.msk [tilespmem:v53+s17+$0x0], $0xffff;
	v48 =	vsel vm13, v57, v17;
	v51 =	vsel vm13, v32, v46;
	vm13 =	vgt.f32 v45, v7  }
0x15c: {  	vm15 =	vgt.f32 v49, v18;
	v5 =	vsel vm0, v42, v5;
	v23 =	vsel vm3, v63, v23  }
0x15d: {  	vm11 =	vgt.f32 v41, v48;
	v7 =	vsel vm13, v45, v7;
	v17 =	vsel vm15, v49, v18  }
0x15e: {  	v8 =	vsel vm13, v55, v40;
	v9 =	vsel vm15, v16, v9;
	v6 =	vsel vm3, v15, v6  }
0x15f: {  	vm9 =	vge.f32 v14, v2;
	v11 =	vsel vm11, v41, v48;
	v10 =	vsel vm11, v58, v51  }
0x160: {  	v2 =	vsel vm9, v14, v2;
	v3 =	vsel vm9, v5, v3;
	vm14 =	vgt.f32 v47, v11  }
0x161: {  	s7 =	sshll.u32 s0, $0x4;
	vm10 =	vge.f32 v7, v17;
	vm12 =	vge.f32 v23, v1;
	v11 =	vsel vm14, v47, v11  }
0x162: {  	s7 =	sand.u32 $0x3FFFFFF0, s7;
	v56 =	vsel vm10, v7, v17;
	v57 =	vsel vm10, v8, v9;
	vm11 =	vge.f32 v11, v0  }
0x163: {  	v58 =	vld [tilespmem:s7+$0x18080];
	v1 =	vsel vm12, v23, v1;
	v4 =	vsel vm12, v6, v4;
	v0 =	vsel vm11, v11, v0  }
0x164: {  	v10 =	vsel vm14, v53, v10;
	vm13 =	vge.f32 v2, v56;
	vm14 =	vge.f32 v0, v1  }
0x165: {  	v2 =	vsel vm13, v2, v56;
	v59 =	vsel vm11, v10, v54;
	v0 =	vsel vm14, v0, v1  }
0x166: {  	v60 =	vsel vm13, v3, v57;
	v61 =	vsel vm14, v59, v4;
	vm15 =	vge.f32 v2, v0  }
0x167: {  	v0 =	vsel vm15, v60, v61  }
0x168: {  	vm0 =	vne.s32 v58, v0;
	_ =	sdelay $0x1  }
0x169: {  	s0 =	sadd.s32 $0x1, s0  }
0x16a: {  	p1 =	sne.s32 s0, $0x8  }
.Ltmp4:
0x16b: {  	_ = 	snop;
	(pc) =	sbr.rel @p1 .LBB2_9-.Ltmp4, $4  }
0x16c: {  	v62 =	vimm.f32 $0.0e+00  }
0x16d: {  	v63 =	vimm.f32 $1.000000000e+00;
	[tilespmem:v58+s22+$0x0] =	vst.idx.msk vm0, v62  }
0x16e: {  	[tilespmem:v0+s22+$0x0] =	vst.idx.msk $0xffff, v63  }
0x16f: {  	[tilespmem:s7+$0x18080] =	vst v0  }
0x170: {  	s0 =	sshrl.u32 s1, $0x3  }
0x171: {  	s7 =	sadd.s32 s31, s11;
	s0 =	sadd.s32 s3, s0  }
0x172: {  	[hbm4b:s0+s4] =	stream.linear.scatter [tilespmem:s22], [sflag:$0x5], $0x4000, $0x38;
	[tilespmem:$0x18180] =	vst v63  }
0x173: {  	s0 =	sshrl.u32 s7, $0x3  }
0x174: {  	s0 =	sadd.s32 s2, s0  }
0x175: {  	[tilespmem:s17], [sflag:$0x2] =	stream.linear.gather [hbm4b:s0+s4], $0x4000, $0x38;
	[tilespmem:$0x18180] =	vst v63  }
0x176: {  	_ =	swait.ge [sflag:s23], $0x4000  }
0x177: {  	[sflag:s23] =	ssyncset.done $0x0  }
0x178: {  	s0 =	simm.s32 @!p0 $0x6;
	[sflag:s23] =	ssyncadd.s32 $0xFFFFC000  }
0x179: {  	_ =	swait.ge @!p0 [sflag:s0], $0x4000  }
0x17a: {  	[sflag:s0] =	ssyncset.done @!p0 $0x0  }
0x17b: {  	s1 =	sadd.s32 s31, s12;
	[sflag:s0] =	ssyncadd.s32 @!p0 $0xFFFFC000;
	s0 =	simm.s32 $0x0  }
.LBB2_13:
0x17c: {  	v1 =	vlaneseq.u32  }
0x17d: {  	v0 =	vmul.u32 $0x80, v1  }
0x17e: {  	v4 =	vmul.u32 $0x81, v1;
	v7 =	vor.u32 $0xFFFFFF90, v1;
	v8 =	vor.u32 $0xFFFFFFA0, v1  }
0x17f: {  	v13 =	vor.u32 $0xFFFFFFC0, v1;
	v61 =	vadd.s32 $0x3, v1;
	v34 =	vadd.s32 $0x4, v1  }
0x180: {  	s7 =	sshll.u32 s0, $0xB;
	v19 =	vadd.s32 $0x1, v1;
	v32 =	vand.u32 $0xF, v61;
	v30 =	vand.u32 $0xF, v34  }
0x181: {  	v2 =	vor.u32 $0x10, v0;
	v39 =	vor.u32 s7, v4;
	v5 =	vadd.s32 $0x10, v4  }
0x182: {  	v6 =	vadd.s32 $0x20, v4;
	v9 =	vadd.s32 $0x30, v4;
	v12 =	vadd.s32 $0x40, v4  }
0x183: {  	v20 =	vor.u32 $0x70, v0;
	v14 =	vor.u32 s7, v2;
	v2 =	vor.u32 $0xFFFFFF80, v1  }
0x184: {  	v5 =	vor.u32 s7, v5;
	v6 =	vor.u32 s7, v6;
	v2 =	vand.u32 v2, v39  }
0x185: {  	v49 =	vor.u32 s7, v9;
	v9 =	vor.u32 $0xFFFFFFB0, v1;
	v7 =	vand.u32 v7, v5  }
0x186: {  	v42 =	vor.u32 s7, v12;
	v12 =	vadd.s32 $0x50, v4;
	v8 =	vand.u32 v8, v6  }
0x187: {  	v20 =	vor.u32 s7, v20;
	v9 =	vand.u32 v9, v49;
	v38 =	vor.u32 s7, v12  }
0x188: {  	v12 =	vor.u32 $0xFFFFFFD0, v1;
	v15 =	vand.u32 v13, v42;
	v60 =	vor.u32 v20, v19  }
0x189: {  	v16 =	vand.u32 v12, v38;
	v12 =	vadd.s32 $0x60, v4;
	v4 =	vadd.s32 $0x70, v4;
	v23 =	vld.idx.msk [tilespmem:v2+s18+$0x0], $0xffff  }
0x18a: {  	v44 =	vor.u32 s7, v12;
	v4 =	vor.u32 s7, v4;
	v12 =	vor.u32 $0xFFFFFFF0, v1;
	v7 =	vld.idx.msk [tilespmem:v7+s18+$0x0], $0xffff  }
0x18b: {  	v3 =	vor.u32 $0x20, v0;
	v18 =	vand.u32 v12, v4;
	v2 =	vor.u32 $0xFFFFFFE0, v1;
	v8 =	vld.idx.msk [tilespmem:v8+s18+$0x0], $0xffff  }
0x18c: {  	v10 =	vor.u32 s7, v0;
	v3 =	vor.u32 s7, v3;
	v35 =	vld.idx.msk [tilespmem:v9+s18+$0x0], $0xffff;
	v2 =	vand.u32 v2, v44  }
0x18d: {  	v25 =	vor.u32 v14, v19;
	v12 =	vor.u32 $0x40, v0;
	v9 =	vand.u32 $0xF, v19;
	v17 =	vld.idx.msk [tilespmem:v15+s18+$0x0], $0xffff  }
0x18e: {  	v13 =	vor.u32 $0x30, v0;
	v11 =	vor.u32 s7, v12;
	v54 =	vld.idx.msk [tilespmem:v16+s18+$0x0], $0xffff;
	v16 =	vor.u32 v10, v9  }
0x18f: {  	v15 =	vor.u32 $0x50, v0;
	v0 =	vor.u32 $0x60, v0;
	v56 =	vld.idx.msk [tilespmem:v60+s18+$0x0], $0xffff;
	v31 =	vor.u32 v3, v9  }
0x190: {  	v22 =	vor.u32 s7, v15;
	v15 =	vor.u32 s7, v0;
	v55 =	vor.u32 v11, v9;
	v33 =	vld.idx.msk [tilespmem:v18+s18+$0x0], $0xffff  }
0x191: {  	v28 =	vor.u32 v10, v32;
	v13 =	vor.u32 s7, v13;
	v50 =	vor.u32 v15, v9;
	v24 =	vld.idx.msk [tilespmem:v2+s18+$0x0], $0xffff  }
0x192: {  	v48 =	vor.u32 v20, v61;
	v58 =	vor.u32 v13, v19;
	v0 =	vadd.s32 $0x2, v1;
	v2 =	vld.idx.msk [tilespmem:v25+s18+$0x0], $0xffff  }
0x193: {  	v26 =	vor.u32 v3, v30;
	v52 =	vor.u32 v22, v19;
	v46 =	vand.u32 $0xF, v0;
	v36 =	vld.idx.msk [tilespmem:v16+s18+$0x0], $0xffff  }
0x194: {  	v19 =	vor.u32 v13, v0;
	v29 =	vor.u32 v10, v46;
	v9 =	vld.idx.msk [tilespmem:v31+s18+$0x0], $0xffff;
	[tilespmem:$0x1FEF0] =	vst v10  }
0x195: {  	v57 =	vor.u32 v14, v0;
	v41 =	vor.u32 v3, v46;
	v27 =	vld.idx.msk [tilespmem:v55+s18+$0x0], $0xffff;
	[tilespmem:$0x1FF00] =	vst v11  }
0x196: {  	v47 =	vor.u32 v22, v0;
	v62 =	vor.u32 v20, v0;
	v40 =	vld.idx.msk [tilespmem:v50+s18+$0x0], $0xffff;
	[tilespmem:$0x1FF10] =	vst v3  }
0x197: {  	v37 =	vor.u32 v22, v61;
	v21 =	vor.u32 v11, v46;
	v18 =	vor.u32 v13, v61;
	v3 =	vld.idx.msk [tilespmem:v58+s18+$0x0], $0xffff  }
0x198: {  	vm4 =	vgt.f32 v56, v33;
	v0 =	vld.idx.msk [tilespmem:v52+s18+$0x0], $0xffff;
	vm0 =	vgt.f32 v2, v7;
	vm1 =	vgt.f32 v36, v23  }
0x199: {  	v53 =	vld.idx.msk [tilespmem:v29+s18+$0x0], $0xffff;
	v63 =	vsel vm0, v25, v5;
	v2 =	vsel vm0, v2, v7;
	v51 =	vsel vm1, v36, v23  }
0x19a: {  	v45 =	vld.idx.msk [tilespmem:v41+s18+$0x0], $0xffff;
	vm0 =	vgt.f32 v9, v8;
	v39 =	vsel vm1, v16, v39;
	v36 =	vor.u32 v22, v34  }
0x19b: {  	v5 =	vld.idx.msk [tilespmem:v57+s18+$0x0], $0xffff;
	v43 =	vsel vm0, v9, v8;
	v9 =	vadd.s32 $0x5, v1;
	v59 =	vsel vm0, v31, v6  }
0x19c: {  	v7 =	vld.idx.msk [tilespmem:v47+s18+$0x0], $0xffff;
	vm2 =	vgt.f32 v40, v24;
	v6 =	vsel vm4, v60, v4;
	vm0 =	vgt.f32 v27, v17  }
0x19d: {  	v31 =	vld.idx.msk [tilespmem:v19+s18+$0x0], $0xffff;
	v4 =	vor.u32 v20, v34;
	v16 =	vor.u32 v13, v9;
	v23 =	vand.u32 $0xF, v9  }
0x19e: {  	v8 =	vld.idx.msk [tilespmem:v37+s18+$0x0], $0xffff;
	v25 =	vor.u32 v22, v9;
	vm5 =	vgt.f32 v3, v35;
	vm3 =	vgt.f32 v0, v54  }
0x19f: {  	s7 =	simm.s32 $0x1;
	v1 =	vld.idx.msk [tilespmem:v62+s18+$0x0], $0xffff;
	vm1 =	vgt.f32 v53, v51;
	v35 =	vsel vm5, v3, v35;
	v3 =	vor.u32 v14, v61  }
.LBB2_14:
0x1a0: {  	v61 =	vsel vm5, v58, v49;
	v58 =	vor.u32 v14, v9  }
0x1a1: {  	v42 =	vsel vm0, v55, v42;
	v0 =	vsel vm3, v0, v54;
	v52 =	vsel vm3, v52, v38;
	v12 =	vld [tilespmem:$0x1FF10]  }
0x1a2: {  	v55 =	vor.u32 v14, v34;
	v38 =	vor.u32 v20, v9;
	v44 =	vsel vm2, v50, v44  }
0x1a3: {  	v33 =	vsel vm4, v56, v33;
	v51 =	vsel vm1, v53, v51;
	v24 =	vsel vm2, v40, v24  }
0x1a4: {  	v54 =	vld.idx.msk [tilespmem:v48+s18+$0x0], $0xffff;
	v34 =	vor.u32 v13, v34;
	v17 =	vsel vm0, v27, v17;
	v11 =	vadd.s32 $0x3, v23  }
0x1a5: {  	v56 =	vld.idx.msk [tilespmem:v3+s18+$0x0], $0xffff;
	vm5 =	vgt.f32 v45, v43;
	vm6 =	vgt.f32 v5, v2;
	vm3 =	vgt.f32 v31, v35  }
0x1a6: {  	vm7 =	vgt.f32 v7, v0;
	vm4 =	vgt.f32 v1, v33;
	v9 =	vor.u32 v12, v32  }
0x1a7: {  	v10 =	vld.idx.msk [tilespmem:v4+s18+$0x0], $0xffff;
	v50 =	vsel vm6, v57, v63;
	v2 =	vsel vm6, v5, v2;
	v0 =	vsel vm7, v7, v0  }
0x1a8: {  	v60 =	vld.idx.msk [tilespmem:v36+s18+$0x0], $0xffff;
	v1 =	vsel vm4, v1, v33;
	v5 =	vsel vm4, v62, v6;
	v7 =	vor.u32 v15, v46  }
0x1a9: {  	v6 =	vld.idx.msk [tilespmem:v28+s18+$0x0], $0xffff;
	v40 =	vsel vm5, v45, v43;
	v19 =	vsel vm3, v19, v61;
	vm6 =	vgt.f32 v8, v0  }
0x1aa: {  	v62 =	vld [tilespmem:$0x1FEF0];
	vm8 =	vgt.f32 v54, v1;
	vm9 =	vgt.f32 v56, v2;
	v0 =	vsel vm6, v8, v0  }
0x1ab: {  	v63 =	vld [tilespmem:$0x1FF00];
	v1 =	vsel vm8, v54, v1;
	v5 =	vsel vm8, v48, v5;
	v2 =	vsel vm9, v56, v2  }
0x1ac: {  	v8 =	vld.idx.msk [tilespmem:v55+s18+$0x0], $0xffff;
	v3 =	vsel vm9, v3, v50;
	v50 =	vor.u32 v15, v32;
	vm12 =	vgt.f32 v10, v1  }
0x1ad: {  	v54 =	vor.u32 v15, v30;
	vm4 =	vgt.f32 v60, v0;
	v4 =	vsel vm12, v4, v5;
	v5 =	vld.idx.msk [tilespmem:v58+s18+$0x0], $0xffff  }
0x1ae: {  	v1 =	vsel vm12, v10, v1;
	v10 =	vsel vm5, v41, v59;
	v41 =	vsel vm7, v47, v52;
	v47 =	vld.idx.msk [tilespmem:v9+s18+$0x0], $0xffff  }
0x1af: {  	v59 =	vor.u32 v12, v23;
	v0 =	vsel vm4, v60, v0;
	v46 =	vor.u32 v62, v30;
	v52 =	vld.idx.msk [tilespmem:v7+s18+$0x0], $0xffff  }
0x1b0: {  	v49 =	vld.idx.msk [tilespmem:v25+s18+$0x0], $0xffff;
	v48 =	vor.u32 v62, v23;
	v56 =	vor.u32 v63, v23;
	vm7 =	vgt.f32 v6, v51  }
0x1b1: {  	v33 =	vld.idx.msk [tilespmem:v38+s18+$0x0], $0xffff;
	v32 =	vor.u32 v63, v32;
	v37 =	vsel vm6, v37, v41;
	vm13 =	vgt.f32 v8, v2  }
0x1b2: {  	v57 =	vld.idx.msk [tilespmem:v26+s18+$0x0], $0xffff;
	v30 =	vor.u32 v63, v30;
	v6 =	vsel vm7, v6, v51;
	v2 =	vsel vm13, v8, v2  }
0x1b3: {  	v45 =	vld.idx.msk [tilespmem:v18+s18+$0x0], $0xffff;
	v51 =	vor.u32 v15, v23;
	v3 =	vsel vm13, v55, v3;
	vm2 =	vgt.f32 v5, v2  }
0x1b4: {  	v55 =	vld.idx.msk [tilespmem:v21+s18+$0x0], $0xffff;
	vm5 =	vgt.f32 v47, v40;
	vm14 =	vgt.f32 v52, v24;
	v43 =	vsel vm2, v5, v2  }
0x1b5: {  	v53 =	vld.idx.msk [tilespmem:v46+s18+$0x0], $0xffff;
	v2 =	vsel vm1, v29, v39;
	v3 =	vsel vm2, v58, v3;
	vm2 =	vgt.f32 v49, v0  }
0x1b6: {  	v9 =	vsel vm5, v9, v10;
	v10 =	vld.idx.msk [tilespmem:v50+s18+$0x0], $0xffff;
	v5 =	vsel vm5, v47, v40;
	vm5 =	vgt.f32 v33, v1  }
0x1b7: {  	v29 =	vld.idx.msk [tilespmem:v32+s18+$0x0], $0xffff;
	v2 =	vsel vm7, v28, v2;
	v7 =	vsel vm14, v7, v44;
	v24 =	vsel vm14, v52, v24  }
0x1b8: {  	v47 =	vld.idx.msk [tilespmem:v54+s18+$0x0], $0xffff;
	vm6 =	vgt.f32 v57, v5;
	v33 =	vsel vm5, v33, v1;
	v4 =	vsel vm5, v38, v4  }
0x1b9: {  	v8 =	vld.idx.msk [tilespmem:v48+s18+$0x0], $0xffff;
	vm7 =	vgt.f32 v55, v17;
	v9 =	vsel vm6, v26, v9;
	v26 =	vsel vm3, v31, v35  }
0x1ba: {  	v28 =	vld.idx.msk [tilespmem:v51+s18+$0x0], $0xffff;
	v5 =	vsel vm6, v57, v5;
	v17 =	vsel vm7, v55, v17;
	vm3 =	vgt.f32 v45, v26  }
0x1bb: {  	v21 =	vsel vm7, v21, v42;
	vm15 =	vgt.f32 v53, v6;
	vm8 =	vgt.f32 v10, v24  }
0x1bc: {  	vm10 =	vgt.f32 v29, v17;
	v6 =	vsel vm15, v53, v6;
	v1 =	vsel vm8, v10, v24;
	v10 =	vld.idx.msk [tilespmem:v30+s18+$0x0], $0xffff  }
0x1bd: {  	v55 =	vld.idx.msk [tilespmem:v59+s18+$0x0], $0xffff;
	v53 =	vsel vm4, v36, v37;
	v2 =	vsel vm15, v46, v2;
	vm6 =	vgt.f32 v47, v1  }
0x1be: {  	v31 =	vld.idx.msk [tilespmem:v56+s18+$0x0], $0xffff;
	v37 =	vor.u32 v22, v11;
	vm1 =	vgt.f32 v8, v6;
	v1 =	vsel vm6, v47, v1  }
0x1bf: {  	v38 =	vsel vm2, v25, v53;
	v6 =	vsel vm1, v8, v6;
	vm0 =	vgt.f32 v28, v1  }
0x1c0: {  	v24 =	vsel vm0, v28, v1;
	v1 =	vsel vm8, v50, v7;
	v7 =	vsel vm10, v29, v17  }
0x1c1: {  	v8 =	vsel vm3, v18, v19;
	v19 =	vsel vm3, v45, v26;
	vm4 =	vgt.f32 v10, v7  }
0x1c2: {  	vm3 =	vgt.f32 v55, v5;
	v17 =	vsel vm10, v32, v21;
	v7 =	vsel vm4, v10, v7  }
0x1c3: {  	v5 =	vsel vm3, v55, v5;
	v10 =	vsel vm4, v30, v17;
	vm4 =	vgt.f32 v31, v7  }
0x1c4: {  	v59 =	vsel vm3, v59, v9;
	v17 =	vsel vm4, v31, v7;
	v7 =	vadd.s32 $0x1, v23  }
0x1c5: {  	v9 =	vadd.s32 $0x2, v23;
	v32 =	vand.u32 $0xF, v11;
	v25 =	vor.u32 v14, v7  }
0x1c6: {  	v27 =	vld.idx.msk [tilespmem:v34+s18+$0x0], $0xffff;
	v46 =	vand.u32 $0xF, v9;
	v42 =	vsel vm4, v56, v10;
	v61 =	vor.u32 v20, v7  }
0x1c7: {  	v10 =	vsel vm1, v48, v2;
	v2 =	vand.u32 $0xF, v7;
	v58 =	vor.u32 v13, v7  }
0x1c8: {  	v18 =	vld.idx.msk [tilespmem:v16+s18+$0x0], $0xffff;
	v57 =	vor.u32 v14, v9;
	v47 =	vor.u32 v22, v9;
	v35 =	vor.u32 v12, v2  }
0x1c9: {  	v1 =	vsel vm6, v54, v1;
	v54 =	vsel vm2, v49, v0;
	v31 =	vor.u32 v62, v2  }
0x1ca: {  	v41 =	vor.u32 v12, v46;
	v29 =	vor.u32 v62, v46;
	v50 =	vor.u32 v15, v2;
	v0 =	vld.idx.msk [tilespmem:v25+s18+$0x0], $0xffff  }
0x1cb: {  	v28 =	vor.u32 v62, v32;
	v21 =	vor.u32 v63, v46;
	vm4 =	vgt.f32 v27, v19;
	v56 =	vld.idx.msk [tilespmem:v61+s18+$0x0], $0xffff  }
0x1cc: {  	v44 =	vsel vm0, v51, v1;
	v48 =	vor.u32 v20, v11;
	v19 =	vsel vm4, v27, v19;
	v1 =	vld.idx.msk [tilespmem:v58+s18+$0x0], $0xffff  }
0x1cd: {  	v52 =	vor.u32 v22, v7;
	vm1 =	vgt.f32 v18, v19;
	v55 =	vor.u32 v63, v2;
	v36 =	vld.idx.msk [tilespmem:v35+s18+$0x0], $0xffff  }
0x1ce: {  	v2 =	vsel vm4, v34, v8;
	v34 =	vadd.s32 $0x4, v23;
	v62 =	vor.u32 v20, v9;
	v7 =	vld.idx.msk [tilespmem:v31+s18+$0x0], $0xffff  }
0x1cf: {  	v60 =	vsel vm1, v18, v19;
	v19 =	vor.u32 v13, v9;
	v49 =	vsel vm1, v16, v2;
	v40 =	vld.idx.msk [tilespmem:v50+s18+$0x0], $0xffff  }
0x1d0: {  	v53 =	vld.idx.msk [tilespmem:v29+s18+$0x0], $0xffff;
	v18 =	vor.u32 v13, v11;
	v30 =	vand.u32 $0xF, v34;
	v9 =	vadd.s32 $0x5, v23  }
0x1d1: {  	v45 =	vld.idx.msk [tilespmem:v41+s18+$0x0], $0xffff;
	v26 =	vor.u32 v12, v30;
	v16 =	vor.u32 v13, v9;
	v23 =	vand.u32 $0xF, v9  }
0x1d2: {  	s7 =	sadd.s32 $0x5, s7;
	v27 =	vld.idx.msk [tilespmem:v55+s18+$0x0], $0xffff;
	vm0 =	vgt.f32 v0, v43;
	vm4 =	vgt.f32 v56, v33;
	vm5 =	vgt.f32 v1, v60  }
0x1d3: {  	p0 =	slt.u32 s7, $0xB;
	v63 =	vsel vm0, v25, v3;
	vm1 =	vgt.f32 v7, v6;
	v2 =	vsel vm0, v0, v43;
	v0 =	vld.idx.msk [tilespmem:v52+s18+$0x0], $0xffff  }
.Ltmp5:
0x1d4: {  	v8 =	vld.idx.msk [tilespmem:v37+s18+$0x0], $0xffff;
	vm0 =	vgt.f32 v36, v5;
	vm2 =	vgt.f32 v40, v24;
	v25 =	vor.u32 v22, v9;
	(pc) =	sbr.rel @p0 .LBB2_14-.Ltmp5, $4  }
0x1d5: {  	v3 =	vor.u32 v14, v11;
	v51 =	vsel vm1, v7, v6;
	v43 =	vsel vm0, v36, v5;
	v5 =	vld.idx.msk [tilespmem:v57+s18+$0x0], $0xffff  }
0x1d6: {  	v39 =	vsel vm1, v31, v10;
	v36 =	vor.u32 v22, v34;
	v59 =	vsel vm0, v35, v59;
	v7 =	vld.idx.msk [tilespmem:v47+s18+$0x0], $0xffff  }
0x1d7: {  	v6 =	vsel vm4, v61, v4;
	vm0 =	vgt.f32 v27, v17;
	v31 =	vld.idx.msk [tilespmem:v19+s18+$0x0], $0xffff;
	v4 =	vor.u32 v20, v34  }
0x1d8: {  	v35 =	vsel vm5, v1, v60;
	v1 =	vld.idx.msk [tilespmem:v62+s18+$0x0], $0xffff;
	vm1 =	vgt.f32 v53, v51;
	vm3 =	vgt.f32 v0, v54  }
0x1d9: {  	_ = 	snop  }
0x1da: {  	v10 =	vsel vm5, v58, v49;
	vm13 =	vgt.f32 v45, v43  }
0x1db: {  	v11 =	vor.u32 v14, v9;
	v22 =	vsel vm0, v55, v42;
	v0 =	vsel vm3, v0, v54  }
0x1dc: {  	v38 =	vsel vm3, v52, v38;
	v14 =	vor.u32 v14, v34;
	v9 =	vor.u32 v20, v9  }
0x1dd: {  	v42 =	vld.idx.msk [tilespmem:v48+s18+$0x0], $0xffff;
	v44 =	vsel vm2, v50, v44;
	v33 =	vsel vm4, v56, v33;
	v50 =	vor.u32 v15, v32  }
0x1de: {  	v49 =	vld.idx.msk [tilespmem:v36+s18+$0x0], $0xffff;
	v24 =	vsel vm2, v40, v24;
	v13 =	vor.u32 v13, v34;
	v17 =	vsel vm0, v27, v17  }
0x1df: {  	v12 =	vld [tilespmem:$0x1FF10];
	vm6 =	vgt.f32 v5, v2;
	v41 =	vsel vm13, v41, v59;
	vm7 =	vgt.f32 v7, v0  }
0x1e0: {  	v52 =	vld.idx.msk [tilespmem:v4+s18+$0x0], $0xffff;
	v58 =	vsel vm6, v57, v63;
	v2 =	vsel vm6, v5, v2;
	v63 =	vsel vm1, v53, v51  }
0x1e1: {  	v60 =	vld.idx.msk [tilespmem:v3+s18+$0x0], $0xffff;
	v51 =	vor.u32 v15, v30;
	vm3 =	vgt.f32 v31, v35;
	v0 =	vsel vm7, v7, v0  }
0x1e2: {  	v38 =	vsel vm7, v47, v38;
	v47 =	vsel vm1, v29, v39;
	v39 =	vld.idx.msk [tilespmem:v25+s18+$0x0], $0xffff;
	vm4 =	vgt.f32 v1, v33  }
0x1e3: {  	vm6 =	vgt.f32 v8, v0;
	v10 =	vsel vm3, v19, v10;
	v1 =	vsel vm4, v1, v33;
	v7 =	vld.idx.msk [tilespmem:v14+s18+$0x0], $0xffff  }
0x1e4: {  	v20 =	vor.u32 v12, v32;
	v61 =	vsel vm4, v62, v6;
	v62 =	vld [tilespmem:$0x1FEF0];
	vm8 =	vgt.f32 v42, v1  }
0x1e5: {  	v6 =	vor.u32 v15, v46;
	v0 =	vsel vm6, v8, v0;
	v33 =	vld.idx.msk [tilespmem:v28+s18+$0x0], $0xffff;
	v1 =	vsel vm8, v42, v1  }
0x1e6: {  	vm9 =	vgt.f32 v60, v2;
	v5 =	vsel vm8, v48, v61;
	v61 =	vld [tilespmem:$0x1FF00];
	vm14 =	vgt.f32 v52, v1  }
0x1e7: {  	v55 =	vor.u32 v12, v23;
	vm4 =	vgt.f32 v49, v0;
	v4 =	vsel vm14, v4, v5;
	v5 =	vld.idx.msk [tilespmem:v11+s18+$0x0], $0xffff  }
0x1e8: {  	v15 =	vor.u32 v15, v23;
	v0 =	vsel vm4, v49, v0;
	v1 =	vsel vm14, v52, v1;
	v52 =	vld.idx.msk [tilespmem:v9+s18+$0x0], $0xffff  }
0x1e9: {  	v37 =	vsel vm6, v37, v38;
	v2 =	vsel vm9, v60, v2;
	vm10 =	vgt.f32 v39, v0;
	v46 =	vld.idx.msk [tilespmem:v20+s18+$0x0], $0xffff  }
0x1ea: {  	v60 =	vsel vm9, v3, v58;
	v0 =	vsel vm10, v39, v0;
	v8 =	vor.u32 v62, v30;
	v48 =	vld.idx.msk [tilespmem:v6+s18+$0x0], $0xffff  }
0x1eb: {  	v42 =	vor.u32 v62, v23;
	vm15 =	vgt.f32 v7, v2;
	vm12 =	vgt.f32 v33, v63  }
0x1ec: {  	v40 =	vld.idx.msk [tilespmem:v26+s18+$0x0], $0xffff;
	v33 =	vsel vm12, v33, v63;
	v2 =	vsel vm15, v7, v2;
	v63 =	vsel vm13, v45, v43  }
0x1ed: {  	v3 =	vsel vm15, v14, v60;
	v43 =	vld.idx.msk [tilespmem:v21+s18+$0x0], $0xffff;
	v53 =	vor.u32 v61, v23;
	v32 =	vor.u32 v61, v32  }
0x1ee: {  	v45 =	vld.idx.msk [tilespmem:v50+s18+$0x0], $0xffff;
	v58 =	vor.u32 v61, v30;
	vm2 =	vgt.f32 v5, v2;
	vm1 =	vgt.f32 v52, v1  }
0x1ef: {  	v60 =	vld.idx.msk [tilespmem:v51+s18+$0x0], $0xffff;
	vm5 =	vgt.f32 v46, v63;
	vm13 =	vgt.f32 v48, v24;
	v2 =	vsel vm2, v5, v2  }
0x1f0: {  	v61 =	vld.idx.msk [tilespmem:v18+s18+$0x0], $0xffff;
	v5 =	vsel vm12, v28, v47;
	v1 =	vsel vm1, v52, v1;
	v3 =	vsel vm2, v11, v3  }
0x1f1: {  	v62 =	vld.idx.msk [tilespmem:v8+s18+$0x0], $0xffff;
	v4 =	vsel vm1, v9, v4;
	v20 =	vsel vm5, v20, v41;
	v7 =	vsel vm5, v46, v63  }
0x1f2: {  	v14 =	vld.idx.msk [tilespmem:v42+s18+$0x0], $0xffff;
	v6 =	vsel vm13, v6, v44;
	vm12 =	vgt.f32 v43, v17;
	v24 =	vsel vm13, v48, v24  }
0x1f3: {  	v44 =	vld.idx.msk [tilespmem:v13+s18+$0x0], $0xffff;
	vm15 =	vgt.f32 v40, v7;
	v17 =	vsel vm12, v43, v17;
	vm7 =	vgt.f32 v45, v24  }
0x1f4: {  	v57 =	vld.idx.msk [tilespmem:v32+s18+$0x0], $0xffff;
	v43 =	vsel vm3, v31, v35;
	v46 =	vsel vm12, v21, v22;
	v38 =	vsel vm7, v45, v24  }
0x1f5: {  	v7 =	vsel vm15, v40, v7;
	v40 =	vsel vm15, v26, v20;
	vm15 =	vgt.f32 v61, v43  }
0x1f6: {  	v63 =	vld.idx.msk [tilespmem:v15+s18+$0x0], $0xffff;
	v6 =	vsel vm7, v50, v6;
	v50 =	vsel vm15, v18, v10;
	vm14 =	vgt.f32 v62, v33  }
0x1f7: {  	v45 =	vld.idx.msk [tilespmem:v55+s18+$0x0], $0xffff;
	v52 =	vsel vm15, v61, v43;
	v59 =	vsel vm14, v62, v33;
	v62 =	vsel vm4, v36, v37  }
0x1f8: {  	v49 =	vld.idx.msk [tilespmem:v16+s18+$0x0], $0xffff;
	v5 =	vsel vm14, v8, v5;
	vm14 =	vgt.f32 v60, v38;
	vm12 =	vgt.f32 v44, v52  }
0x1f9: {  	v41 =	vld.idx.msk [tilespmem:v58+s18+$0x0], $0xffff;
	vm0 =	vgt.f32 v14, v59;
	vm13 =	vgt.f32 v57, v17;
	v23 =	vsel vm14, v60, v38  }
0x1fa: {  	v6 =	vsel vm14, v51, v6;
	v54 =	vsel vm10, v25, v62;
	v18 =	vsel vm12, v44, v52  }
0x1fb: {  	v9 =	vsel vm12, v13, v50;
	vm3 =	vgt.f32 v63, v23;
	v14 =	vsel vm0, v14, v59  }
0x1fc: {  	v47 =	vld.idx.msk [tilespmem:v53+s18+$0x0], $0xffff;
	v48 =	vsel vm13, v57, v17;
	v51 =	vsel vm13, v32, v46;
	vm13 =	vgt.f32 v45, v7  }
0x1fd: {  	vm15 =	vgt.f32 v49, v18;
	v5 =	vsel vm0, v42, v5;
	v23 =	vsel vm3, v63, v23  }
0x1fe: {  	vm11 =	vgt.f32 v41, v48;
	v7 =	vsel vm13, v45, v7;
	v17 =	vsel vm15, v49, v18  }
0x1ff: {  	v8 =	vsel vm13, v55, v40;
	v9 =	vsel vm15, v16, v9;
	v6 =	vsel vm3, v15, v6  }
0x200: {  	vm9 =	vge.f32 v14, v2;
	v11 =	vsel vm11, v41, v48;
	v10 =	vsel vm11, v58, v51  }
0x201: {  	v2 =	vsel vm9, v14, v2;
	v3 =	vsel vm9, v5, v3;
	vm14 =	vgt.f32 v47, v11  }
0x202: {  	s7 =	sshll.u32 s0, $0x4;
	vm10 =	vge.f32 v7, v17;
	vm12 =	vge.f32 v23, v1;
	v11 =	vsel vm14, v47, v11  }
0x203: {  	s7 =	sand.u32 $0x3FFFFFF0, s7;
	v56 =	vsel vm10, v7, v17;
	v57 =	vsel vm10, v8, v9;
	vm11 =	vge.f32 v11, v0  }
0x204: {  	v58 =	vld [tilespmem:s7+$0x18100];
	v1 =	vsel vm12, v23, v1;
	v4 =	vsel vm12, v6, v4;
	v0 =	vsel vm11, v11, v0  }
0x205: {  	v10 =	vsel vm14, v53, v10;
	vm13 =	vge.f32 v2, v56;
	vm14 =	vge.f32 v0, v1  }
0x206: {  	v2 =	vsel vm13, v2, v56;
	v59 =	vsel vm11, v10, v54;
	v0 =	vsel vm14, v0, v1  }
0x207: {  	v60 =	vsel vm13, v3, v57;
	v61 =	vsel vm14, v59, v4;
	vm15 =	vge.f32 v2, v0  }
0x208: {  	v0 =	vsel vm15, v60, v61  }
0x209: {  	vm0 =	vne.s32 v58, v0;
	_ =	sdelay $0x1  }
0x20a: {  	s0 =	sadd.s32 $0x1, s0  }
0x20b: {  	p0 =	sne.s32 s0, $0x8  }
.Ltmp6:
0x20c: {  	_ = 	snop;
	(pc) =	sbr.rel @p0 .LBB2_13-.Ltmp6, $4  }
0x20d: {  	v62 =	vimm.f32 $0.0e+00  }
0x20e: {  	v63 =	vimm.f32 $1.000000000e+00;
	[tilespmem:v58+s24+$0x0] =	vst.idx.msk vm0, v62  }
0x20f: {  	[tilespmem:v0+s24+$0x0] =	vst.idx.msk $0xffff, v63  }
0x210: {  	[tilespmem:s7+$0x18100] =	vst v0  }
0x211: {  	p0 =	seq.s32 s30, $0x9  }
.Ltmp7:
0x212: {  	_ = 	snop;
	(pc) =	sbr.rel @p0 .LBB2_18-.Ltmp7, $4  }
0x213: {  	_ = 	snop  }
0x214: {  	s0 =	sshrl.u32 s1, $0x3  }
0x215: {  	s0 =	sadd.s32 s3, s0  }
0x216: {  	[hbm4b:s0+s4] =	stream.linear.scatter [tilespmem:s24], [sflag:$0x6], $0x4000, $0x38;
	[tilespmem:$0x18180] =	vst v63  }
.Ltmp8:
0x217: {  	(pc) =	sbr.rel .LBB2_4-.Ltmp8, $4  }
0x218: {  	s0 =	sadd.s32 s31, s13  }
0x219: {  	s0 =	sshrl.u32 s0, $0x3  }
0x21a: {  	s30 =	sadd.s32 $0x1, s30;
	s0 =	sadd.s32 s2, s0  }
0x21b: {  	[tilespmem:s18], [sflag:$0x3] =	stream.linear.gather [hbm4b:s0+s4], $0x4000, $0x38;
	[tilespmem:$0x18180] =	vst v63  }
.LBB2_18:
0x21c: {  	_ =	swait.ge [sflag:s19], $0x4000  }
0x21d: {  	[sflag:s19] =	ssyncset.done $0x0  }
0x21e: {  	[sflag:s19] =	ssyncadd.s32 $0xFFFFC000  }
0x21f: {  	_ =	swait.ge [sflag:s25], $0x4000  }
0x220: {  	[sflag:s25] =	ssyncset.done $0x0  }
0x221: {  	s0 =	simm.s32 $0x0;
	[sflag:s25] =	ssyncadd.s32 $0xFFFFC000  }
.LBB2_19:
0x222: {  	v1 =	vlaneseq.u32  }
0x223: {  	v0 =	vmul.u32 $0x80, v1  }
0x224: {  	v4 =	vmul.u32 $0x81, v1;
	v7 =	vor.u32 $0xFFFFFF90, v1;
	v8 =	vor.u32 $0xFFFFFFA0, v1  }
0x225: {  	v13 =	vor.u32 $0xFFFFFFC0, v1;
	v61 =	vadd.s32 $0x3, v1;
	v34 =	vadd.s32 $0x4, v1  }
0x226: {  	s1 =	sshll.u32 s0, $0xB;
	v19 =	vadd.s32 $0x1, v1;
	v32 =	vand.u32 $0xF, v61;
	v30 =	vand.u32 $0xF, v34  }
0x227: {  	v2 =	vor.u32 $0x10, v0;
	v39 =	vor.u32 s1, v4;
	v5 =	vadd.s32 $0x10, v4  }
0x228: {  	v6 =	vadd.s32 $0x20, v4;
	v9 =	vadd.s32 $0x30, v4;
	v12 =	vadd.s32 $0x40, v4  }
0x229: {  	v20 =	vor.u32 $0x70, v0;
	v14 =	vor.u32 s1, v2;
	v2 =	vor.u32 $0xFFFFFF80, v1  }
0x22a: {  	v5 =	vor.u32 s1, v5;
	v6 =	vor.u32 s1, v6;
	v2 =	vand.u32 v2, v39  }
0x22b: {  	v49 =	vor.u32 s1, v9;
	v9 =	vor.u32 $0xFFFFFFB0, v1;
	v7 =	vand.u32 v7, v5  }
0x22c: {  	v42 =	vor.u32 s1, v12;
	v12 =	vadd.s32 $0x50, v4;
	v8 =	vand.u32 v8, v6  }
0x22d: {  	v20 =	vor.u32 s1, v20;
	v9 =	vand.u32 v9, v49;
	v38 =	vor.u32 s1, v12  }
0x22e: {  	v12 =	vor.u32 $0xFFFFFFD0, v1;
	v15 =	vand.u32 v13, v42;
	v60 =	vor.u32 v20, v19  }
0x22f: {  	v16 =	vand.u32 v12, v38;
	v12 =	vadd.s32 $0x60, v4;
	v4 =	vadd.s32 $0x70, v4;
	v23 =	vld.idx.msk [tilespmem:v2+s4+$0x0], $0xffff  }
0x230: {  	v44 =	vor.u32 s1, v12;
	v4 =	vor.u32 s1, v4;
	v12 =	vor.u32 $0xFFFFFFF0, v1;
	v7 =	vld.idx.msk [tilespmem:v7+s4+$0x0], $0xffff  }
0x231: {  	v3 =	vor.u32 $0x20, v0;
	v18 =	vand.u32 v12, v4;
	v2 =	vor.u32 $0xFFFFFFE0, v1;
	v8 =	vld.idx.msk [tilespmem:v8+s4+$0x0], $0xffff  }
0x232: {  	v10 =	vor.u32 s1, v0;
	v3 =	vor.u32 s1, v3;
	v35 =	vld.idx.msk [tilespmem:v9+s4+$0x0], $0xffff;
	v2 =	vand.u32 v2, v44  }
0x233: {  	v25 =	vor.u32 v14, v19;
	v12 =	vor.u32 $0x40, v0;
	v9 =	vand.u32 $0xF, v19;
	v17 =	vld.idx.msk [tilespmem:v15+s4+$0x0], $0xffff  }
0x234: {  	v13 =	vor.u32 $0x30, v0;
	v11 =	vor.u32 s1, v12;
	v54 =	vld.idx.msk [tilespmem:v16+s4+$0x0], $0xffff;
	v16 =	vor.u32 v10, v9  }
0x235: {  	v15 =	vor.u32 $0x50, v0;
	v0 =	vor.u32 $0x60, v0;
	v56 =	vld.idx.msk [tilespmem:v60+s4+$0x0], $0xffff;
	v31 =	vor.u32 v3, v9  }
0x236: {  	v22 =	vor.u32 s1, v15;
	v15 =	vor.u32 s1, v0;
	v55 =	vor.u32 v11, v9;
	v33 =	vld.idx.msk [tilespmem:v18+s4+$0x0], $0xffff  }
0x237: {  	v28 =	vor.u32 v10, v32;
	v13 =	vor.u32 s1, v13;
	v50 =	vor.u32 v15, v9;
	v24 =	vld.idx.msk [tilespmem:v2+s4+$0x0], $0xffff  }
0x238: {  	v48 =	vor.u32 v20, v61;
	v58 =	vor.u32 v13, v19;
	v0 =	vadd.s32 $0x2, v1;
	v2 =	vld.idx.msk [tilespmem:v25+s4+$0x0], $0xffff  }
0x239: {  	v26 =	vor.u32 v3, v30;
	v52 =	vor.u32 v22, v19;
	v46 =	vand.u32 $0xF, v0;
	v36 =	vld.idx.msk [tilespmem:v16+s4+$0x0], $0xffff  }
0x23a: {  	v19 =	vor.u32 v13, v0;
	v29 =	vor.u32 v10, v46;
	v9 =	vld.idx.msk [tilespmem:v31+s4+$0x0], $0xffff;
	[tilespmem:$0x1FEC0] =	vst v10  }
0x23b: {  	v57 =	vor.u32 v14, v0;
	v41 =	vor.u32 v3, v46;
	v27 =	vld.idx.msk [tilespmem:v55+s4+$0x0], $0xffff;
	[tilespmem:$0x1FED0] =	vst v11  }
0x23c: {  	v47 =	vor.u32 v22, v0;
	v62 =	vor.u32 v20, v0;
	v40 =	vld.idx.msk [tilespmem:v50+s4+$0x0], $0xffff;
	[tilespmem:$0x1FEE0] =	vst v3  }
0x23d: {  	v37 =	vor.u32 v22, v61;
	v21 =	vor.u32 v11, v46;
	v18 =	vor.u32 v13, v61;
	v3 =	vld.idx.msk [tilespmem:v58+s4+$0x0], $0xffff  }
0x23e: {  	vm4 =	vgt.f32 v56, v33;
	v0 =	vld.idx.msk [tilespmem:v52+s4+$0x0], $0xffff;
	vm0 =	vgt.f32 v2, v7;
	vm1 =	vgt.f32 v36, v23  }
0x23f: {  	v53 =	vld.idx.msk [tilespmem:v29+s4+$0x0], $0xffff;
	v63 =	vsel vm0, v25, v5;
	v2 =	vsel vm0, v2, v7;
	v51 =	vsel vm1, v36, v23  }
0x240: {  	v45 =	vld.idx.msk [tilespmem:v41+s4+$0x0], $0xffff;
	vm0 =	vgt.f32 v9, v8;
	v39 =	vsel vm1, v16, v39;
	v36 =	vor.u32 v22, v34  }
0x241: {  	v5 =	vld.idx.msk [tilespmem:v57+s4+$0x0], $0xffff;
	v43 =	vsel vm0, v9, v8;
	v9 =	vadd.s32 $0x5, v1;
	v59 =	vsel vm0, v31, v6  }
0x242: {  	v7 =	vld.idx.msk [tilespmem:v47+s4+$0x0], $0xffff;
	vm2 =	vgt.f32 v40, v24;
	v6 =	vsel vm4, v60, v4;
	vm0 =	vgt.f32 v27, v17  }
0x243: {  	v31 =	vld.idx.msk [tilespmem:v19+s4+$0x0], $0xffff;
	v4 =	vor.u32 v20, v34;
	v16 =	vor.u32 v13, v9;
	v23 =	vand.u32 $0xF, v9  }
0x244: {  	v8 =	vld.idx.msk [tilespmem:v37+s4+$0x0], $0xffff;
	v25 =	vor.u32 v22, v9;
	vm5 =	vgt.f32 v3, v35;
	vm3 =	vgt.f32 v0, v54  }
0x245: {  	s1 =	simm.s32 $0x1;
	v1 =	vld.idx.msk [tilespmem:v62+s4+$0x0], $0xffff;
	vm1 =	vgt.f32 v53, v51;
	v35 =	vsel vm5, v3, v35;
	v3 =	vor.u32 v14, v61  }
.LBB2_20:
0x246: {  	v61 =	vsel vm5, v58, v49;
	v58 =	vor.u32 v14, v9  }
0x247: {  	v42 =	vsel vm0, v55, v42;
	v0 =	vsel vm3, v0, v54;
	v52 =	vsel vm3, v52, v38;
	v12 =	vld [tilespmem:$0x1FEE0]  }
0x248: {  	v55 =	vor.u32 v14, v34;
	v38 =	vor.u32 v20, v9;
	v44 =	vsel vm2, v50, v44  }
0x249: {  	v33 =	vsel vm4, v56, v33;
	v51 =	vsel vm1, v53, v51;
	v24 =	vsel vm2, v40, v24  }
0x24a: {  	v54 =	vld.idx.msk [tilespmem:v48+s4+$0x0], $0xffff;
	v34 =	vor.u32 v13, v34;
	v17 =	vsel vm0, v27, v17;
	v11 =	vadd.s32 $0x3, v23  }
0x24b: {  	v56 =	vld.idx.msk [tilespmem:v3+s4+$0x0], $0xffff;
	vm5 =	vgt.f32 v45, v43;
	vm6 =	vgt.f32 v5, v2;
	vm3 =	vgt.f32 v31, v35  }
0x24c: {  	vm7 =	vgt.f32 v7, v0;
	vm4 =	vgt.f32 v1, v33;
	v9 =	vor.u32 v12, v32  }
0x24d: {  	v10 =	vld.idx.msk [tilespmem:v4+s4+$0x0], $0xffff;
	v50 =	vsel vm6, v57, v63;
	v2 =	vsel vm6, v5, v2;
	v0 =	vsel vm7, v7, v0  }
0x24e: {  	v60 =	vld.idx.msk [tilespmem:v36+s4+$0x0], $0xffff;
	v1 =	vsel vm4, v1, v33;
	v5 =	vsel vm4, v62, v6;
	v7 =	vor.u32 v15, v46  }
0x24f: {  	v6 =	vld.idx.msk [tilespmem:v28+s4+$0x0], $0xffff;
	v40 =	vsel vm5, v45, v43;
	v19 =	vsel vm3, v19, v61;
	vm6 =	vgt.f32 v8, v0  }
0x250: {  	v62 =	vld [tilespmem:$0x1FEC0];
	vm8 =	vgt.f32 v54, v1;
	vm9 =	vgt.f32 v56, v2;
	v0 =	vsel vm6, v8, v0  }
0x251: {  	v63 =	vld [tilespmem:$0x1FED0];
	v1 =	vsel vm8, v54, v1;
	v5 =	vsel vm8, v48, v5;
	v2 =	vsel vm9, v56, v2  }
0x252: {  	v8 =	vld.idx.msk [tilespmem:v55+s4+$0x0], $0xffff;
	v3 =	vsel vm9, v3, v50;
	v50 =	vor.u32 v15, v32;
	vm12 =	vgt.f32 v10, v1  }
0x253: {  	v54 =	vor.u32 v15, v30;
	vm4 =	vgt.f32 v60, v0;
	v4 =	vsel vm12, v4, v5;
	v5 =	vld.idx.msk [tilespmem:v58+s4+$0x0], $0xffff  }
0x254: {  	v1 =	vsel vm12, v10, v1;
	v10 =	vsel vm5, v41, v59;
	v41 =	vsel vm7, v47, v52;
	v47 =	vld.idx.msk [tilespmem:v9+s4+$0x0], $0xffff  }
0x255: {  	v59 =	vor.u32 v12, v23;
	v0 =	vsel vm4, v60, v0;
	v46 =	vor.u32 v62, v30;
	v52 =	vld.idx.msk [tilespmem:v7+s4+$0x0], $0xffff  }
0x256: {  	v49 =	vld.idx.msk [tilespmem:v25+s4+$0x0], $0xffff;
	v48 =	vor.u32 v62, v23;
	v56 =	vor.u32 v63, v23;
	vm7 =	vgt.f32 v6, v51  }
0x257: {  	v33 =	vld.idx.msk [tilespmem:v38+s4+$0x0], $0xffff;
	v32 =	vor.u32 v63, v32;
	v37 =	vsel vm6, v37, v41;
	vm13 =	vgt.f32 v8, v2  }
0x258: {  	v57 =	vld.idx.msk [tilespmem:v26+s4+$0x0], $0xffff;
	v30 =	vor.u32 v63, v30;
	v6 =	vsel vm7, v6, v51;
	v2 =	vsel vm13, v8, v2  }
0x259: {  	v45 =	vld.idx.msk [tilespmem:v18+s4+$0x0], $0xffff;
	v51 =	vor.u32 v15, v23;
	v3 =	vsel vm13, v55, v3;
	vm2 =	vgt.f32 v5, v2  }
0x25a: {  	v55 =	vld.idx.msk [tilespmem:v21+s4+$0x0], $0xffff;
	vm5 =	vgt.f32 v47, v40;
	vm14 =	vgt.f32 v52, v24;
	v43 =	vsel vm2, v5, v2  }
0x25b: {  	v53 =	vld.idx.msk [tilespmem:v46+s4+$0x0], $0xffff;
	v2 =	vsel vm1, v29, v39;
	v3 =	vsel vm2, v58, v3;
	vm2 =	vgt.f32 v49, v0  }
0x25c: {  	v9 =	vsel vm5, v9, v10;
	v10 =	vld.idx.msk [tilespmem:v50+s4+$0x0], $0xffff;
	v5 =	vsel vm5, v47, v40;
	vm5 =	vgt.f32 v33, v1  }
0x25d: {  	v29 =	vld.idx.msk [tilespmem:v32+s4+$0x0], $0xffff;
	v2 =	vsel vm7, v28, v2;
	v7 =	vsel vm14, v7, v44;
	v24 =	vsel vm14, v52, v24  }
0x25e: {  	v47 =	vld.idx.msk [tilespmem:v54+s4+$0x0], $0xffff;
	vm6 =	vgt.f32 v57, v5;
	v33 =	vsel vm5, v33, v1;
	v4 =	vsel vm5, v38, v4  }
0x25f: {  	v8 =	vld.idx.msk [tilespmem:v48+s4+$0x0], $0xffff;
	vm7 =	vgt.f32 v55, v17;
	v9 =	vsel vm6, v26, v9;
	v26 =	vsel vm3, v31, v35  }
0x260: {  	v28 =	vld.idx.msk [tilespmem:v51+s4+$0x0], $0xffff;
	v5 =	vsel vm6, v57, v5;
	v17 =	vsel vm7, v55, v17;
	vm3 =	vgt.f32 v45, v26  }
0x261: {  	v21 =	vsel vm7, v21, v42;
	vm15 =	vgt.f32 v53, v6;
	vm8 =	vgt.f32 v10, v24  }
0x262: {  	vm10 =	vgt.f32 v29, v17;
	v6 =	vsel vm15, v53, v6;
	v1 =	vsel vm8, v10, v24;
	v10 =	vld.idx.msk [tilespmem:v30+s4+$0x0], $0xffff  }
0x263: {  	v55 =	vld.idx.msk [tilespmem:v59+s4+$0x0], $0xffff;
	v53 =	vsel vm4, v36, v37;
	v2 =	vsel vm15, v46, v2;
	vm6 =	vgt.f32 v47, v1  }
0x264: {  	v31 =	vld.idx.msk [tilespmem:v56+s4+$0x0], $0xffff;
	v37 =	vor.u32 v22, v11;
	vm1 =	vgt.f32 v8, v6;
	v1 =	vsel vm6, v47, v1  }
0x265: {  	v38 =	vsel vm2, v25, v53;
	v6 =	vsel vm1, v8, v6;
	vm0 =	vgt.f32 v28, v1  }
0x266: {  	v24 =	vsel vm0, v28, v1;
	v1 =	vsel vm8, v50, v7;
	v7 =	vsel vm10, v29, v17  }
0x267: {  	v8 =	vsel vm3, v18, v19;
	v19 =	vsel vm3, v45, v26;
	vm4 =	vgt.f32 v10, v7  }
0x268: {  	vm3 =	vgt.f32 v55, v5;
	v17 =	vsel vm10, v32, v21;
	v7 =	vsel vm4, v10, v7  }
0x269: {  	v5 =	vsel vm3, v55, v5;
	v10 =	vsel vm4, v30, v17;
	vm4 =	vgt.f32 v31, v7  }
0x26a: {  	v59 =	vsel vm3, v59, v9;
	v17 =	vsel vm4, v31, v7;
	v7 =	vadd.s32 $0x1, v23  }
0x26b: {  	v9 =	vadd.s32 $0x2, v23;
	v32 =	vand.u32 $0xF, v11;
	v25 =	vor.u32 v14, v7  }
0x26c: {  	v27 =	vld.idx.msk [tilespmem:v34+s4+$0x0], $0xffff;
	v46 =	vand.u32 $0xF, v9;
	v42 =	vsel vm4, v56, v10;
	v61 =	vor.u32 v20, v7  }
0x26d: {  	v10 =	vsel vm1, v48, v2;
	v2 =	vand.u32 $0xF, v7;
	v58 =	vor.u32 v13, v7  }
0x26e: {  	v18 =	vld.idx.msk [tilespmem:v16+s4+$0x0], $0xffff;
	v57 =	vor.u32 v14, v9;
	v47 =	vor.u32 v22, v9;
	v35 =	vor.u32 v12, v2  }
0x26f: {  	v1 =	vsel vm6, v54, v1;
	v54 =	vsel vm2, v49, v0;
	v31 =	vor.u32 v62, v2  }
0x270: {  	v41 =	vor.u32 v12, v46;
	v29 =	vor.u32 v62, v46;
	v50 =	vor.u32 v15, v2;
	v0 =	vld.idx.msk [tilespmem:v25+s4+$0x0], $0xffff  }
0x271: {  	v28 =	vor.u32 v62, v32;
	v21 =	vor.u32 v63, v46;
	vm4 =	vgt.f32 v27, v19;
	v56 =	vld.idx.msk [tilespmem:v61+s4+$0x0], $0xffff  }
0x272: {  	v44 =	vsel vm0, v51, v1;
	v48 =	vor.u32 v20, v11;
	v19 =	vsel vm4, v27, v19;
	v1 =	vld.idx.msk [tilespmem:v58+s4+$0x0], $0xffff  }
0x273: {  	v52 =	vor.u32 v22, v7;
	vm1 =	vgt.f32 v18, v19;
	v55 =	vor.u32 v63, v2;
	v36 =	vld.idx.msk [tilespmem:v35+s4+$0x0], $0xffff  }
0x274: {  	v2 =	vsel vm4, v34, v8;
	v34 =	vadd.s32 $0x4, v23;
	v62 =	vor.u32 v20, v9;
	v7 =	vld.idx.msk [tilespmem:v31+s4+$0x0], $0xffff  }
0x275: {  	v60 =	vsel vm1, v18, v19;
	v19 =	vor.u32 v13, v9;
	v49 =	vsel vm1, v16, v2;
	v40 =	vld.idx.msk [tilespmem:v50+s4+$0x0], $0xffff  }
0x276: {  	v53 =	vld.idx.msk [tilespmem:v29+s4+$0x0], $0xffff;
	v18 =	vor.u32 v13, v11;
	v30 =	vand.u32 $0xF, v34;
	v9 =	vadd.s32 $0x5, v23  }
0x277: {  	v45 =	vld.idx.msk [tilespmem:v41+s4+$0x0], $0xffff;
	v26 =	vor.u32 v12, v30;
	v16 =	vor.u32 v13, v9;
	v23 =	vand.u32 $0xF, v9  }
0x278: {  	s1 =	sadd.s32 $0x5, s1;
	v27 =	vld.idx.msk [tilespmem:v55+s4+$0x0], $0xffff;
	vm0 =	vgt.f32 v0, v43;
	vm4 =	vgt.f32 v56, v33;
	vm5 =	vgt.f32 v1, v60  }
0x279: {  	p0 =	slt.u32 s1, $0xB;
	v63 =	vsel vm0, v25, v3;
	vm1 =	vgt.f32 v7, v6;
	v2 =	vsel vm0, v0, v43;
	v0 =	vld.idx.msk [tilespmem:v52+s4+$0x0], $0xffff  }
.Ltmp9:
0x27a: {  	v8 =	vld.idx.msk [tilespmem:v37+s4+$0x0], $0xffff;
	vm0 =	vgt.f32 v36, v5;
	vm2 =	vgt.f32 v40, v24;
	v25 =	vor.u32 v22, v9;
	(pc) =	sbr.rel @p0 .LBB2_20-.Ltmp9, $4  }
0x27b: {  	v3 =	vor.u32 v14, v11;
	v51 =	vsel vm1, v7, v6;
	v43 =	vsel vm0, v36, v5;
	v5 =	vld.idx.msk [tilespmem:v57+s4+$0x0], $0xffff  }
0x27c: {  	v39 =	vsel vm1, v31, v10;
	v36 =	vor.u32 v22, v34;
	v59 =	vsel vm0, v35, v59;
	v7 =	vld.idx.msk [tilespmem:v47+s4+$0x0], $0xffff  }
0x27d: {  	v6 =	vsel vm4, v61, v4;
	vm0 =	vgt.f32 v27, v17;
	v31 =	vld.idx.msk [tilespmem:v19+s4+$0x0], $0xffff;
	v4 =	vor.u32 v20, v34  }
0x27e: {  	v35 =	vsel vm5, v1, v60;
	v1 =	vld.idx.msk [tilespmem:v62+s4+$0x0], $0xffff;
	vm1 =	vgt.f32 v53, v51;
	vm3 =	vgt.f32 v0, v54  }
0x27f: {  	_ = 	snop  }
0x280: {  	v10 =	vsel vm5, v58, v49;
	vm13 =	vgt.f32 v45, v43  }
0x281: {  	v11 =	vor.u32 v14, v9;
	v22 =	vsel vm0, v55, v42;
	v0 =	vsel vm3, v0, v54  }
0x282: {  	v38 =	vsel vm3, v52, v38;
	v14 =	vor.u32 v14, v34;
	v9 =	vor.u32 v20, v9  }
0x283: {  	v42 =	vld.idx.msk [tilespmem:v48+s4+$0x0], $0xffff;
	v44 =	vsel vm2, v50, v44;
	v33 =	vsel vm4, v56, v33;
	v50 =	vor.u32 v15, v32  }
0x284: {  	v49 =	vld.idx.msk [tilespmem:v36+s4+$0x0], $0xffff;
	v24 =	vsel vm2, v40, v24;
	v13 =	vor.u32 v13, v34;
	v17 =	vsel vm0, v27, v17  }
0x285: {  	v12 =	vld [tilespmem:$0x1FEE0];
	vm6 =	vgt.f32 v5, v2;
	v41 =	vsel vm13, v41, v59;
	vm7 =	vgt.f32 v7, v0  }
0x286: {  	v52 =	vld.idx.msk [tilespmem:v4+s4+$0x0], $0xffff;
	v58 =	vsel vm6, v57, v63;
	v2 =	vsel vm6, v5, v2;
	v63 =	vsel vm1, v53, v51  }
0x287: {  	v60 =	vld.idx.msk [tilespmem:v3+s4+$0x0], $0xffff;
	v51 =	vor.u32 v15, v30;
	vm3 =	vgt.f32 v31, v35;
	v0 =	vsel vm7, v7, v0  }
0x288: {  	v38 =	vsel vm7, v47, v38;
	v47 =	vsel vm1, v29, v39;
	v39 =	vld.idx.msk [tilespmem:v25+s4+$0x0], $0xffff;
	vm4 =	vgt.f32 v1, v33  }
0x289: {  	vm6 =	vgt.f32 v8, v0;
	v10 =	vsel vm3, v19, v10;
	v1 =	vsel vm4, v1, v33;
	v7 =	vld.idx.msk [tilespmem:v14+s4+$0x0], $0xffff  }
0x28a: {  	v20 =	vor.u32 v12, v32;
	v61 =	vsel vm4, v62, v6;
	v62 =	vld [tilespmem:$0x1FEC0];
	vm8 =	vgt.f32 v42, v1  }
0x28b: {  	v6 =	vor.u32 v15, v46;
	v0 =	vsel vm6, v8, v0;
	v33 =	vld.idx.msk [tilespmem:v28+s4+$0x0], $0xffff;
	v1 =	vsel vm8, v42, v1  }
0x28c: {  	vm9 =	vgt.f32 v60, v2;
	v5 =	vsel vm8, v48, v61;
	v61 =	vld [tilespmem:$0x1FED0];
	vm14 =	vgt.f32 v52, v1  }
0x28d: {  	v55 =	vor.u32 v12, v23;
	vm4 =	vgt.f32 v49, v0;
	v4 =	vsel vm14, v4, v5;
	v5 =	vld.idx.msk [tilespmem:v11+s4+$0x0], $0xffff  }
0x28e: {  	v15 =	vor.u32 v15, v23;
	v0 =	vsel vm4, v49, v0;
	v1 =	vsel vm14, v52, v1;
	v52 =	vld.idx.msk [tilespmem:v9+s4+$0x0], $0xffff  }
0x28f: {  	v37 =	vsel vm6, v37, v38;
	v2 =	vsel vm9, v60, v2;
	vm10 =	vgt.f32 v39, v0;
	v46 =	vld.idx.msk [tilespmem:v20+s4+$0x0], $0xffff  }
0x290: {  	v60 =	vsel vm9, v3, v58;
	v0 =	vsel vm10, v39, v0;
	v8 =	vor.u32 v62, v30;
	v48 =	vld.idx.msk [tilespmem:v6+s4+$0x0], $0xffff  }
0x291: {  	v42 =	vor.u32 v62, v23;
	vm15 =	vgt.f32 v7, v2;
	vm12 =	vgt.f32 v33, v63  }
0x292: {  	v40 =	vld.idx.msk [tilespmem:v26+s4+$0x0], $0xffff;
	v33 =	vsel vm12, v33, v63;
	v2 =	vsel vm15, v7, v2;
	v63 =	vsel vm13, v45, v43  }
0x293: {  	v3 =	vsel vm15, v14, v60;
	v43 =	vld.idx.msk [tilespmem:v21+s4+$0x0], $0xffff;
	v53 =	vor.u32 v61, v23;
	v32 =	vor.u32 v61, v32  }
0x294: {  	v45 =	vld.idx.msk [tilespmem:v50+s4+$0x0], $0xffff;
	v58 =	vor.u32 v61, v30;
	vm2 =	vgt.f32 v5, v2;
	vm1 =	vgt.f32 v52, v1  }
0x295: {  	v60 =	vld.idx.msk [tilespmem:v51+s4+$0x0], $0xffff;
	vm5 =	vgt.f32 v46, v63;
	vm13 =	vgt.f32 v48, v24;
	v2 =	vsel vm2, v5, v2  }
0x296: {  	v61 =	vld.idx.msk [tilespmem:v18+s4+$0x0], $0xffff;
	v5 =	vsel vm12, v28, v47;
	v1 =	vsel vm1, v52, v1;
	v3 =	vsel vm2, v11, v3  }
0x297: {  	v62 =	vld.idx.msk [tilespmem:v8+s4+$0x0], $0xffff;
	v4 =	vsel vm1, v9, v4;
	v20 =	vsel vm5, v20, v41;
	v7 =	vsel vm5, v46, v63  }
0x298: {  	v14 =	vld.idx.msk [tilespmem:v42+s4+$0x0], $0xffff;
	v6 =	vsel vm13, v6, v44;
	vm12 =	vgt.f32 v43, v17;
	v24 =	vsel vm13, v48, v24  }
0x299: {  	v44 =	vld.idx.msk [tilespmem:v13+s4+$0x0], $0xffff;
	vm15 =	vgt.f32 v40, v7;
	v17 =	vsel vm12, v43, v17;
	vm7 =	vgt.f32 v45, v24  }
0x29a: {  	v57 =	vld.idx.msk [tilespmem:v32+s4+$0x0], $0xffff;
	v43 =	vsel vm3, v31, v35;
	v46 =	vsel vm12, v21, v22;
	v38 =	vsel vm7, v45, v24  }
0x29b: {  	v7 =	vsel vm15, v40, v7;
	v40 =	vsel vm15, v26, v20;
	vm15 =	vgt.f32 v61, v43  }
0x29c: {  	v63 =	vld.idx.msk [tilespmem:v15+s4+$0x0], $0xffff;
	v6 =	vsel vm7, v50, v6;
	v50 =	vsel vm15, v18, v10;
	vm14 =	vgt.f32 v62, v33  }
0x29d: {  	v45 =	vld.idx.msk [tilespmem:v55+s4+$0x0], $0xffff;
	v52 =	vsel vm15, v61, v43;
	v59 =	vsel vm14, v62, v33;
	v62 =	vsel vm4, v36, v37  }
0x29e: {  	v49 =	vld.idx.msk [tilespmem:v16+s4+$0x0], $0xffff;
	v5 =	vsel vm14, v8, v5;
	vm14 =	vgt.f32 v60, v38;
	vm12 =	vgt.f32 v44, v52  }
0x29f: {  	v41 =	vld.idx.msk [tilespmem:v58+s4+$0x0], $0xffff;
	vm0 =	vgt.f32 v14, v59;
	vm13 =	vgt.f32 v57, v17;
	v23 =	vsel vm14, v60, v38  }
0x2a0: {  	v6 =	vsel vm14, v51, v6;
	v54 =	vsel vm10, v25, v62;
	v18 =	vsel vm12, v44, v52  }
0x2a1: {  	v9 =	vsel vm12, v13, v50;
	vm3 =	vgt.f32 v63, v23;
	v14 =	vsel vm0, v14, v59  }
0x2a2: {  	v47 =	vld.idx.msk [tilespmem:v53+s4+$0x0], $0xffff;
	v48 =	vsel vm13, v57, v17;
	v51 =	vsel vm13, v32, v46;
	vm13 =	vgt.f32 v45, v7  }
0x2a3: {  	vm15 =	vgt.f32 v49, v18;
	v5 =	vsel vm0, v42, v5;
	v23 =	vsel vm3, v63, v23  }
0x2a4: {  	vm11 =	vgt.f32 v41, v48;
	v7 =	vsel vm13, v45, v7;
	v17 =	vsel vm15, v49, v18  }
0x2a5: {  	v8 =	vsel vm13, v55, v40;
	v9 =	vsel vm15, v16, v9;
	v6 =	vsel vm3, v15, v6  }
0x2a6: {  	vm9 =	vge.f32 v14, v2;
	v11 =	vsel vm11, v41, v48;
	v10 =	vsel vm11, v58, v51  }
0x2a7: {  	v2 =	vsel vm9, v14, v2;
	v3 =	vsel vm9, v5, v3;
	vm14 =	vgt.f32 v47, v11  }
0x2a8: {  	s1 =	sshll.u32 s0, $0x4;
	vm10 =	vge.f32 v7, v17;
	vm12 =	vge.f32 v23, v1;
	v11 =	vsel vm14, v47, v11  }
0x2a9: {  	s1 =	sand.u32 $0x3FFFFFF0, s1;
	v56 =	vsel vm10, v7, v17;
	v57 =	vsel vm10, v8, v9;
	vm11 =	vge.f32 v11, v0  }
0x2aa: {  	v58 =	vld [tilespmem:s1+$0x18000];
	v1 =	vsel vm12, v23, v1;
	v4 =	vsel vm12, v6, v4;
	v0 =	vsel vm11, v11, v0  }
0x2ab: {  	v10 =	vsel vm14, v53, v10;
	vm13 =	vge.f32 v2, v56;
	vm14 =	vge.f32 v0, v1  }
0x2ac: {  	v2 =	vsel vm13, v2, v56;
	v59 =	vsel vm11, v10, v54;
	v0 =	vsel vm14, v0, v1  }
0x2ad: {  	v60 =	vsel vm13, v3, v57;
	v61 =	vsel vm14, v59, v4;
	vm15 =	vge.f32 v2, v0  }
0x2ae: {  	v0 =	vsel vm15, v60, v61  }
0x2af: {  	vm0 =	vne.s32 v58, v0;
	_ =	sdelay $0x1  }
0x2b0: {  	s0 =	sadd.s32 $0x1, s0  }
0x2b1: {  	p0 =	sne.s32 s0, $0x8  }
.Ltmp10:
0x2b2: {  	_ = 	snop;
	(pc) =	sbr.rel @p0 .LBB2_19-.Ltmp10, $4  }
0x2b3: {  	v62 =	vimm.f32 $0.0e+00  }
0x2b4: {  	v63 =	vimm.f32 $1.000000000e+00;
	[tilespmem:v58+s20+$0x0] =	vst.idx.msk vm0, v62  }
0x2b5: {  	[tilespmem:v0+s20+$0x0] =	vst.idx.msk $0xffff, v63  }
0x2b6: {  	[tilespmem:s1+$0x18000] =	vst v0  }
0x2b7: {  	s30 =	simm.s32 $0x0  }
0x2b8: {  	[hbm4b:s14+s30] =	stream.linear.scatter [tilespmem:s20], [sflag:$0x4], $0x4000, $0x38;
	[tilespmem:$0x18180] =	vst v63  }
0x2b9: {  	_ =	swait.ge [sflag:s21], $0x4000  }
0x2ba: {  	[sflag:s21] =	ssyncset.done $0x0  }
0x2bb: {  	[sflag:s21] =	ssyncadd.s32 $0xFFFFC000  }
0x2bc: {  	_ =	swait.ge [sflag:s26], $0x4000  }
0x2bd: {  	[sflag:s26] =	ssyncset.done $0x0  }
0x2be: {  	[sflag:s26] =	ssyncadd.s32 $0xFFFFC000  }
.LBB2_23:
0x2bf: {  	v1 =	vlaneseq.u32  }
0x2c0: {  	v0 =	vmul.u32 $0x80, v1  }
0x2c1: {  	v4 =	vmul.u32 $0x81, v1;
	v7 =	vor.u32 $0xFFFFFF90, v1;
	v8 =	vor.u32 $0xFFFFFFA0, v1  }
0x2c2: {  	v13 =	vor.u32 $0xFFFFFFC0, v1;
	v61 =	vadd.s32 $0x3, v1;
	v34 =	vadd.s32 $0x4, v1  }
0x2c3: {  	s0 =	sshll.u32 s30, $0xB;
	v19 =	vadd.s32 $0x1, v1;
	v32 =	vand.u32 $0xF, v61;
	v30 =	vand.u32 $0xF, v34  }
0x2c4: {  	v2 =	vor.u32 $0x10, v0;
	v39 =	vor.u32 s0, v4;
	v5 =	vadd.s32 $0x10, v4  }
0x2c5: {  	v6 =	vadd.s32 $0x20, v4;
	v9 =	vadd.s32 $0x30, v4;
	v12 =	vadd.s32 $0x40, v4  }
0x2c6: {  	v20 =	vor.u32 $0x70, v0;
	v14 =	vor.u32 s0, v2;
	v2 =	vor.u32 $0xFFFFFF80, v1  }
0x2c7: {  	v5 =	vor.u32 s0, v5;
	v6 =	vor.u32 s0, v6;
	v2 =	vand.u32 v2, v39  }
0x2c8: {  	v49 =	vor.u32 s0, v9;
	v9 =	vor.u32 $0xFFFFFFB0, v1;
	v7 =	vand.u32 v7, v5  }
0x2c9: {  	v42 =	vor.u32 s0, v12;
	v12 =	vadd.s32 $0x50, v4;
	v8 =	vand.u32 v8, v6  }
0x2ca: {  	v20 =	vor.u32 s0, v20;
	v9 =	vand.u32 v9, v49;
	v38 =	vor.u32 s0, v12  }
0x2cb: {  	v12 =	vor.u32 $0xFFFFFFD0, v1;
	v15 =	vand.u32 v13, v42;
	v60 =	vor.u32 v20, v19  }
0x2cc: {  	v16 =	vand.u32 v12, v38;
	v12 =	vadd.s32 $0x60, v4;
	v4 =	vadd.s32 $0x70, v4;
	v23 =	vld.idx.msk [tilespmem:v2+s17+$0x0], $0xffff  }
0x2cd: {  	v44 =	vor.u32 s0, v12;
	v4 =	vor.u32 s0, v4;
	v12 =	vor.u32 $0xFFFFFFF0, v1;
	v7 =	vld.idx.msk [tilespmem:v7+s17+$0x0], $0xffff  }
0x2ce: {  	v3 =	vor.u32 $0x20, v0;
	v18 =	vand.u32 v12, v4;
	v2 =	vor.u32 $0xFFFFFFE0, v1;
	v8 =	vld.idx.msk [tilespmem:v8+s17+$0x0], $0xffff  }
0x2cf: {  	v10 =	vor.u32 s0, v0;
	v3 =	vor.u32 s0, v3;
	v35 =	vld.idx.msk [tilespmem:v9+s17+$0x0], $0xffff;
	v2 =	vand.u32 v2, v44  }
0x2d0: {  	v25 =	vor.u32 v14, v19;
	v12 =	vor.u32 $0x40, v0;
	v9 =	vand.u32 $0xF, v19;
	v17 =	vld.idx.msk [tilespmem:v15+s17+$0x0], $0xffff  }
0x2d1: {  	v13 =	vor.u32 $0x30, v0;
	v11 =	vor.u32 s0, v12;
	v54 =	vld.idx.msk [tilespmem:v16+s17+$0x0], $0xffff;
	v16 =	vor.u32 v10, v9  }
0x2d2: {  	v15 =	vor.u32 $0x50, v0;
	v0 =	vor.u32 $0x60, v0;
	v56 =	vld.idx.msk [tilespmem:v60+s17+$0x0], $0xffff;
	v31 =	vor.u32 v3, v9  }
0x2d3: {  	v22 =	vor.u32 s0, v15;
	v15 =	vor.u32 s0, v0;
	v55 =	vor.u32 v11, v9;
	v33 =	vld.idx.msk [tilespmem:v18+s17+$0x0], $0xffff  }
0x2d4: {  	v28 =	vor.u32 v10, v32;
	v13 =	vor.u32 s0, v13;
	v50 =	vor.u32 v15, v9;
	v24 =	vld.idx.msk [tilespmem:v2+s17+$0x0], $0xffff  }
0x2d5: {  	v48 =	vor.u32 v20, v61;
	v58 =	vor.u32 v13, v19;
	v0 =	vadd.s32 $0x2, v1;
	v2 =	vld.idx.msk [tilespmem:v25+s17+$0x0], $0xffff  }
0x2d6: {  	v26 =	vor.u32 v3, v30;
	v52 =	vor.u32 v22, v19;
	v46 =	vand.u32 $0xF, v0;
	v36 =	vld.idx.msk [tilespmem:v16+s17+$0x0], $0xffff  }
0x2d7: {  	v19 =	vor.u32 v13, v0;
	v29 =	vor.u32 v10, v46;
	v9 =	vld.idx.msk [tilespmem:v31+s17+$0x0], $0xffff;
	[tilespmem:$0x1FE90] =	vst v10  }
0x2d8: {  	v57 =	vor.u32 v14, v0;
	v41 =	vor.u32 v3, v46;
	v27 =	vld.idx.msk [tilespmem:v55+s17+$0x0], $0xffff;
	[tilespmem:$0x1FEA0] =	vst v11  }
0x2d9: {  	v47 =	vor.u32 v22, v0;
	v62 =	vor.u32 v20, v0;
	v40 =	vld.idx.msk [tilespmem:v50+s17+$0x0], $0xffff;
	[tilespmem:$0x1FEB0] =	vst v3  }
0x2da: {  	v37 =	vor.u32 v22, v61;
	v21 =	vor.u32 v11, v46;
	v18 =	vor.u32 v13, v61;
	v3 =	vld.idx.msk [tilespmem:v58+s17+$0x0], $0xffff  }
0x2db: {  	vm4 =	vgt.f32 v56, v33;
	v0 =	vld.idx.msk [tilespmem:v52+s17+$0x0], $0xffff;
	vm0 =	vgt.f32 v2, v7;
	vm1 =	vgt.f32 v36, v23  }
0x2dc: {  	v53 =	vld.idx.msk [tilespmem:v29+s17+$0x0], $0xffff;
	v63 =	vsel vm0, v25, v5;
	v2 =	vsel vm0, v2, v7;
	v51 =	vsel vm1, v36, v23  }
0x2dd: {  	v45 =	vld.idx.msk [tilespmem:v41+s17+$0x0], $0xffff;
	vm0 =	vgt.f32 v9, v8;
	v39 =	vsel vm1, v16, v39;
	v36 =	vor.u32 v22, v34  }
0x2de: {  	v5 =	vld.idx.msk [tilespmem:v57+s17+$0x0], $0xffff;
	v43 =	vsel vm0, v9, v8;
	v9 =	vadd.s32 $0x5, v1;
	v59 =	vsel vm0, v31, v6  }
0x2df: {  	v7 =	vld.idx.msk [tilespmem:v47+s17+$0x0], $0xffff;
	vm2 =	vgt.f32 v40, v24;
	v6 =	vsel vm4, v60, v4;
	vm0 =	vgt.f32 v27, v17  }
0x2e0: {  	v31 =	vld.idx.msk [tilespmem:v19+s17+$0x0], $0xffff;
	v4 =	vor.u32 v20, v34;
	v16 =	vor.u32 v13, v9;
	v23 =	vand.u32 $0xF, v9  }
0x2e1: {  	v8 =	vld.idx.msk [tilespmem:v37+s17+$0x0], $0xffff;
	v25 =	vor.u32 v22, v9;
	vm5 =	vgt.f32 v3, v35;
	vm3 =	vgt.f32 v0, v54  }
0x2e2: {  	s0 =	simm.s32 $0x1;
	v1 =	vld.idx.msk [tilespmem:v62+s17+$0x0], $0xffff;
	vm1 =	vgt.f32 v53, v51;
	v35 =	vsel vm5, v3, v35;
	v3 =	vor.u32 v14, v61  }
.LBB2_24:
0x2e3: {  	v61 =	vsel vm5, v58, v49;
	v58 =	vor.u32 v14, v9  }
0x2e4: {  	v42 =	vsel vm0, v55, v42;
	v0 =	vsel vm3, v0, v54;
	v52 =	vsel vm3, v52, v38;
	v12 =	vld [tilespmem:$0x1FEB0]  }
0x2e5: {  	v55 =	vor.u32 v14, v34;
	v38 =	vor.u32 v20, v9;
	v44 =	vsel vm2, v50, v44  }
0x2e6: {  	v33 =	vsel vm4, v56, v33;
	v51 =	vsel vm1, v53, v51;
	v24 =	vsel vm2, v40, v24  }
0x2e7: {  	v54 =	vld.idx.msk [tilespmem:v48+s17+$0x0], $0xffff;
	v34 =	vor.u32 v13, v34;
	v17 =	vsel vm0, v27, v17;
	v11 =	vadd.s32 $0x3, v23  }
0x2e8: {  	v56 =	vld.idx.msk [tilespmem:v3+s17+$0x0], $0xffff;
	vm5 =	vgt.f32 v45, v43;
	vm6 =	vgt.f32 v5, v2;
	vm3 =	vgt.f32 v31, v35  }
0x2e9: {  	vm7 =	vgt.f32 v7, v0;
	vm4 =	vgt.f32 v1, v33;
	v9 =	vor.u32 v12, v32  }
0x2ea: {  	v10 =	vld.idx.msk [tilespmem:v4+s17+$0x0], $0xffff;
	v50 =	vsel vm6, v57, v63;
	v2 =	vsel vm6, v5, v2;
	v0 =	vsel vm7, v7, v0  }
0x2eb: {  	v60 =	vld.idx.msk [tilespmem:v36+s17+$0x0], $0xffff;
	v1 =	vsel vm4, v1, v33;
	v5 =	vsel vm4, v62, v6;
	v7 =	vor.u32 v15, v46  }
0x2ec: {  	v6 =	vld.idx.msk [tilespmem:v28+s17+$0x0], $0xffff;
	v40 =	vsel vm5, v45, v43;
	v19 =	vsel vm3, v19, v61;
	vm6 =	vgt.f32 v8, v0  }
0x2ed: {  	v62 =	vld [tilespmem:$0x1FE90];
	vm8 =	vgt.f32 v54, v1;
	vm9 =	vgt.f32 v56, v2;
	v0 =	vsel vm6, v8, v0  }
0x2ee: {  	v63 =	vld [tilespmem:$0x1FEA0];
	v1 =	vsel vm8, v54, v1;
	v5 =	vsel vm8, v48, v5;
	v2 =	vsel vm9, v56, v2  }
0x2ef: {  	v8 =	vld.idx.msk [tilespmem:v55+s17+$0x0], $0xffff;
	v3 =	vsel vm9, v3, v50;
	v50 =	vor.u32 v15, v32;
	vm12 =	vgt.f32 v10, v1  }
0x2f0: {  	v54 =	vor.u32 v15, v30;
	vm4 =	vgt.f32 v60, v0;
	v4 =	vsel vm12, v4, v5;
	v5 =	vld.idx.msk [tilespmem:v58+s17+$0x0], $0xffff  }
0x2f1: {  	v1 =	vsel vm12, v10, v1;
	v10 =	vsel vm5, v41, v59;
	v41 =	vsel vm7, v47, v52;
	v47 =	vld.idx.msk [tilespmem:v9+s17+$0x0], $0xffff  }
0x2f2: {  	v59 =	vor.u32 v12, v23;
	v0 =	vsel vm4, v60, v0;
	v46 =	vor.u32 v62, v30;
	v52 =	vld.idx.msk [tilespmem:v7+s17+$0x0], $0xffff  }
0x2f3: {  	v49 =	vld.idx.msk [tilespmem:v25+s17+$0x0], $0xffff;
	v48 =	vor.u32 v62, v23;
	v56 =	vor.u32 v63, v23;
	vm7 =	vgt.f32 v6, v51  }
0x2f4: {  	v33 =	vld.idx.msk [tilespmem:v38+s17+$0x0], $0xffff;
	v32 =	vor.u32 v63, v32;
	v37 =	vsel vm6, v37, v41;
	vm13 =	vgt.f32 v8, v2  }
0x2f5: {  	v57 =	vld.idx.msk [tilespmem:v26+s17+$0x0], $0xffff;
	v30 =	vor.u32 v63, v30;
	v6 =	vsel vm7, v6, v51;
	v2 =	vsel vm13, v8, v2  }
0x2f6: {  	v45 =	vld.idx.msk [tilespmem:v18+s17+$0x0], $0xffff;
	v51 =	vor.u32 v15, v23;
	v3 =	vsel vm13, v55, v3;
	vm2 =	vgt.f32 v5, v2  }
0x2f7: {  	v55 =	vld.idx.msk [tilespmem:v21+s17+$0x0], $0xffff;
	vm5 =	vgt.f32 v47, v40;
	vm14 =	vgt.f32 v52, v24;
	v43 =	vsel vm2, v5, v2  }
0x2f8: {  	v53 =	vld.idx.msk [tilespmem:v46+s17+$0x0], $0xffff;
	v2 =	vsel vm1, v29, v39;
	v3 =	vsel vm2, v58, v3;
	vm2 =	vgt.f32 v49, v0  }
0x2f9: {  	v9 =	vsel vm5, v9, v10;
	v10 =	vld.idx.msk [tilespmem:v50+s17+$0x0], $0xffff;
	v5 =	vsel vm5, v47, v40;
	vm5 =	vgt.f32 v33, v1  }
0x2fa: {  	v29 =	vld.idx.msk [tilespmem:v32+s17+$0x0], $0xffff;
	v2 =	vsel vm7, v28, v2;
	v7 =	vsel vm14, v7, v44;
	v24 =	vsel vm14, v52, v24  }
0x2fb: {  	v47 =	vld.idx.msk [tilespmem:v54+s17+$0x0], $0xffff;
	vm6 =	vgt.f32 v57, v5;
	v33 =	vsel vm5, v33, v1;
	v4 =	vsel vm5, v38, v4  }
0x2fc: {  	v8 =	vld.idx.msk [tilespmem:v48+s17+$0x0], $0xffff;
	vm7 =	vgt.f32 v55, v17;
	v9 =	vsel vm6, v26, v9;
	v26 =	vsel vm3, v31, v35  }
0x2fd: {  	v28 =	vld.idx.msk [tilespmem:v51+s17+$0x0], $0xffff;
	v5 =	vsel vm6, v57, v5;
	v17 =	vsel vm7, v55, v17;
	vm3 =	vgt.f32 v45, v26  }
0x2fe: {  	v21 =	vsel vm7, v21, v42;
	vm15 =	vgt.f32 v53, v6;
	vm8 =	vgt.f32 v10, v24  }
0x2ff: {  	vm10 =	vgt.f32 v29, v17;
	v6 =	vsel vm15, v53, v6;
	v1 =	vsel vm8, v10, v24;
	v10 =	vld.idx.msk [tilespmem:v30+s17+$0x0], $0xffff  }
0x300: {  	v55 =	vld.idx.msk [tilespmem:v59+s17+$0x0], $0xffff;
	v53 =	vsel vm4, v36, v37;
	v2 =	vsel vm15, v46, v2;
	vm6 =	vgt.f32 v47, v1  }
0x301: {  	v31 =	vld.idx.msk [tilespmem:v56+s17+$0x0], $0xffff;
	v37 =	vor.u32 v22, v11;
	vm1 =	vgt.f32 v8, v6;
	v1 =	vsel vm6, v47, v1  }
0x302: {  	v38 =	vsel vm2, v25, v53;
	v6 =	vsel vm1, v8, v6;
	vm0 =	vgt.f32 v28, v1  }
0x303: {  	v24 =	vsel vm0, v28, v1;
	v1 =	vsel vm8, v50, v7;
	v7 =	vsel vm10, v29, v17  }
0x304: {  	v8 =	vsel vm3, v18, v19;
	v19 =	vsel vm3, v45, v26;
	vm4 =	vgt.f32 v10, v7  }
0x305: {  	vm3 =	vgt.f32 v55, v5;
	v17 =	vsel vm10, v32, v21;
	v7 =	vsel vm4, v10, v7  }
0x306: {  	v5 =	vsel vm3, v55, v5;
	v10 =	vsel vm4, v30, v17;
	vm4 =	vgt.f32 v31, v7  }
0x307: {  	v59 =	vsel vm3, v59, v9;
	v17 =	vsel vm4, v31, v7;
	v7 =	vadd.s32 $0x1, v23  }
0x308: {  	v9 =	vadd.s32 $0x2, v23;
	v32 =	vand.u32 $0xF, v11;
	v25 =	vor.u32 v14, v7  }
0x309: {  	v27 =	vld.idx.msk [tilespmem:v34+s17+$0x0], $0xffff;
	v46 =	vand.u32 $0xF, v9;
	v42 =	vsel vm4, v56, v10;
	v61 =	vor.u32 v20, v7  }
0x30a: {  	v10 =	vsel vm1, v48, v2;
	v2 =	vand.u32 $0xF, v7;
	v58 =	vor.u32 v13, v7  }
0x30b: {  	v18 =	vld.idx.msk [tilespmem:v16+s17+$0x0], $0xffff;
	v57 =	vor.u32 v14, v9;
	v47 =	vor.u32 v22, v9;
	v35 =	vor.u32 v12, v2  }
0x30c: {  	v1 =	vsel vm6, v54, v1;
	v54 =	vsel vm2, v49, v0;
	v31 =	vor.u32 v62, v2  }
0x30d: {  	v41 =	vor.u32 v12, v46;
	v29 =	vor.u32 v62, v46;
	v50 =	vor.u32 v15, v2;
	v0 =	vld.idx.msk [tilespmem:v25+s17+$0x0], $0xffff  }
0x30e: {  	v28 =	vor.u32 v62, v32;
	v21 =	vor.u32 v63, v46;
	vm4 =	vgt.f32 v27, v19;
	v56 =	vld.idx.msk [tilespmem:v61+s17+$0x0], $0xffff  }
0x30f: {  	v44 =	vsel vm0, v51, v1;
	v48 =	vor.u32 v20, v11;
	v19 =	vsel vm4, v27, v19;
	v1 =	vld.idx.msk [tilespmem:v58+s17+$0x0], $0xffff  }
0x310: {  	v52 =	vor.u32 v22, v7;
	vm1 =	vgt.f32 v18, v19;
	v55 =	vor.u32 v63, v2;
	v36 =	vld.idx.msk [tilespmem:v35+s17+$0x0], $0xffff  }
0x311: {  	v2 =	vsel vm4, v34, v8;
	v34 =	vadd.s32 $0x4, v23;
	v62 =	vor.u32 v20, v9;
	v7 =	vld.idx.msk [tilespmem:v31+s17+$0x0], $0xffff  }
0x312: {  	v60 =	vsel vm1, v18, v19;
	v19 =	vor.u32 v13, v9;
	v49 =	vsel vm1, v16, v2;
	v40 =	vld.idx.msk [tilespmem:v50+s17+$0x0], $0xffff  }
0x313: {  	v53 =	vld.idx.msk [tilespmem:v29+s17+$0x0], $0xffff;
	v18 =	vor.u32 v13, v11;
	v30 =	vand.u32 $0xF, v34;
	v9 =	vadd.s32 $0x5, v23  }
0x314: {  	v45 =	vld.idx.msk [tilespmem:v41+s17+$0x0], $0xffff;
	v26 =	vor.u32 v12, v30;
	v16 =	vor.u32 v13, v9;
	v23 =	vand.u32 $0xF, v9  }
0x315: {  	s0 =	sadd.s32 $0x5, s0;
	v27 =	vld.idx.msk [tilespmem:v55+s17+$0x0], $0xffff;
	vm0 =	vgt.f32 v0, v43;
	vm4 =	vgt.f32 v56, v33;
	vm5 =	vgt.f32 v1, v60  }
0x316: {  	p0 =	slt.u32 s0, $0xB;
	v63 =	vsel vm0, v25, v3;
	vm1 =	vgt.f32 v7, v6;
	v2 =	vsel vm0, v0, v43;
	v0 =	vld.idx.msk [tilespmem:v52+s17+$0x0], $0xffff  }
.Ltmp11:
0x317: {  	v8 =	vld.idx.msk [tilespmem:v37+s17+$0x0], $0xffff;
	vm0 =	vgt.f32 v36, v5;
	vm2 =	vgt.f32 v40, v24;
	v25 =	vor.u32 v22, v9;
	(pc) =	sbr.rel @p0 .LBB2_24-.Ltmp11, $4  }
0x318: {  	v3 =	vor.u32 v14, v11;
	v51 =	vsel vm1, v7, v6;
	v43 =	vsel vm0, v36, v5;
	v5 =	vld.idx.msk [tilespmem:v57+s17+$0x0], $0xffff  }
0x319: {  	v39 =	vsel vm1, v31, v10;
	v36 =	vor.u32 v22, v34;
	v59 =	vsel vm0, v35, v59;
	v7 =	vld.idx.msk [tilespmem:v47+s17+$0x0], $0xffff  }
0x31a: {  	v6 =	vsel vm4, v61, v4;
	vm0 =	vgt.f32 v27, v17;
	v31 =	vld.idx.msk [tilespmem:v19+s17+$0x0], $0xffff;
	v4 =	vor.u32 v20, v34  }
0x31b: {  	v35 =	vsel vm5, v1, v60;
	v1 =	vld.idx.msk [tilespmem:v62+s17+$0x0], $0xffff;
	vm1 =	vgt.f32 v53, v51;
	vm3 =	vgt.f32 v0, v54  }
0x31c: {  	v10 =	vsel vm5, v58, v49;
	vm13 =	vgt.f32 v45, v43  }
0x31d: {  	v11 =	vor.u32 v14, v9;
	v22 =	vsel vm0, v55, v42;
	v0 =	vsel vm3, v0, v54  }
0x31e: {  	v38 =	vsel vm3, v52, v38;
	v14 =	vor.u32 v14, v34;
	v9 =	vor.u32 v20, v9  }
0x31f: {  	v12 =	vld [tilespmem:$0x1FEB0];
	v44 =	vsel vm2, v50, v44;
	v33 =	vsel vm4, v56, v33;
	v24 =	vsel vm2, v40, v24  }
0x320: {  	v60 =	vld.idx.msk [tilespmem:v48+s17+$0x0], $0xffff;
	v13 =	vor.u32 v13, v34;
	v17 =	vsel vm0, v27, v17;
	vm6 =	vgt.f32 v5, v2  }
0x321: {  	v58 =	vld [tilespmem:$0x1FE90];
	v41 =	vsel vm13, v41, v59;
	v43 =	vsel vm13, v45, v43;
	vm7 =	vgt.f32 v7, v0  }
0x322: {  	v49 =	vld.idx.msk [tilespmem:v36+s17+$0x0], $0xffff;
	v50 =	vsel vm6, v57, v63;
	v2 =	vsel vm6, v5, v2;
	vm3 =	vgt.f32 v31, v35  }
0x323: {  	v61 =	vld.idx.msk [tilespmem:v4+s17+$0x0], $0xffff;
	v0 =	vsel vm7, v7, v0;
	v38 =	vsel vm7, v47, v38;
	vm4 =	vgt.f32 v1, v33  }
0x324: {  	v63 =	vld.idx.msk [tilespmem:v3+s17+$0x0], $0xffff;
	vm6 =	vgt.f32 v8, v0;
	v10 =	vsel vm3, v19, v10;
	v20 =	vor.u32 v12, v32  }
0x325: {  	v1 =	vsel vm4, v1, v33;
	v57 =	vsel vm4, v62, v6;
	v6 =	vor.u32 v15, v46  }
0x326: {  	v0 =	vsel vm6, v8, v0;
	v7 =	vld.idx.msk [tilespmem:v14+s17+$0x0], $0xffff;
	v8 =	vor.u32 v58, v30;
	v42 =	vor.u32 v58, v23  }
0x327: {  	v33 =	vld.idx.msk [tilespmem:v28+s17+$0x0], $0xffff;
	v55 =	vor.u32 v12, v23;
	v37 =	vsel vm6, v37, v38;
	vm8 =	vgt.f32 v60, v1  }
0x328: {  	v62 =	vld [tilespmem:$0x1FEA0];
	vm4 =	vgt.f32 v49, v0;
	v1 =	vsel vm8, v60, v1;
	v5 =	vsel vm8, v48, v57  }
0x329: {  	v52 =	vld.idx.msk [tilespmem:v9+s17+$0x0], $0xffff;
	vm9 =	vgt.f32 v63, v2;
	v57 =	vsel vm1, v29, v39;
	vm14 =	vgt.f32 v61, v1  }
0x32a: {  	v0 =	vsel vm4, v49, v0;
	v2 =	vsel vm9, v63, v2;
	v4 =	vsel vm14, v4, v5;
	v5 =	vld.idx.msk [tilespmem:v11+s17+$0x0], $0xffff  }
0x32b: {  	v3 =	vsel vm9, v3, v50;
	v50 =	vor.u32 v15, v32;
	v1 =	vsel vm14, v61, v1;
	v60 =	vld.idx.msk [tilespmem:v20+s17+$0x0], $0xffff  }
0x32c: {  	v61 =	vsel vm1, v53, v51;
	v51 =	vor.u32 v15, v30;
	v15 =	vor.u32 v15, v23;
	v48 =	vld.idx.msk [tilespmem:v6+s17+$0x0], $0xffff  }
0x32d: {  	vm15 =	vgt.f32 v7, v2;
	v53 =	vor.u32 v62, v23;
	vm12 =	vgt.f32 v33, v61;
	v63 =	vld.idx.msk [tilespmem:v8+s17+$0x0], $0xffff  }
0x32e: {  	v45 =	vld.idx.msk [tilespmem:v21+s17+$0x0], $0xffff;
	v32 =	vor.u32 v62, v32;
	v12 =	vor.u32 v62, v30;
	vm1 =	vgt.f32 v52, v1  }
0x32f: {  	v62 =	vsel vm4, v36, v37;
	v33 =	vsel vm12, v33, v61;
	v2 =	vsel vm15, v7, v2  }
0x330: {  	v40 =	vld.idx.msk [tilespmem:v26+s17+$0x0], $0xffff;
	v3 =	vsel vm15, v14, v3;
	v1 =	vsel vm1, v52, v1;
	v4 =	vsel vm1, v9, v4  }
0x331: {  	v14 =	vld.idx.msk [tilespmem:v42+s17+$0x0], $0xffff;
	vm2 =	vgt.f32 v5, v2;
	vm5 =	vgt.f32 v60, v43;
	vm13 =	vgt.f32 v48, v24  }
0x332: {  	v47 =	vld.idx.msk [tilespmem:v50+s17+$0x0], $0xffff;
	v2 =	vsel vm2, v5, v2;
	vm14 =	vgt.f32 v63, v33;
	v5 =	vsel vm12, v28, v57  }
0x333: {  	v61 =	vld.idx.msk [tilespmem:v18+s17+$0x0], $0xffff;
	vm12 =	vgt.f32 v45, v17;
	v3 =	vsel vm2, v11, v3;
	v20 =	vsel vm5, v20, v41  }
0x334: {  	v7 =	vsel vm5, v60, v43;
	v59 =	vsel vm14, v63, v33;
	v6 =	vsel vm13, v6, v44  }
0x335: {  	v58 =	vld.idx.msk [tilespmem:v32+s17+$0x0], $0xffff;
	v24 =	vsel vm13, v48, v24;
	v17 =	vsel vm12, v45, v17;
	v5 =	vsel vm14, v8, v5  }
0x336: {  	v60 =	vld.idx.msk [tilespmem:v51+s17+$0x0], $0xffff;
	v45 =	vsel vm3, v31, v35;
	v48 =	vsel vm12, v21, v22;
	vm15 =	vgt.f32 v40, v7  }
0x337: {  	v41 =	vld.idx.msk [tilespmem:v25+s17+$0x0], $0xffff;
	vm0 =	vgt.f32 v14, v59;
	vm7 =	vgt.f32 v47, v24;
	v7 =	vsel vm15, v40, v7  }
0x338: {  	v46 =	vld.idx.msk [tilespmem:v13+s17+$0x0], $0xffff;
	v43 =	vsel vm15, v26, v20;
	vm15 =	vgt.f32 v61, v45;
	v14 =	vsel vm0, v14, v59  }
0x339: {  	v44 =	vld.idx.msk [tilespmem:v12+s17+$0x0], $0xffff;
	v5 =	vsel vm0, v42, v5;
	v39 =	vsel vm7, v47, v24;
	v6 =	vsel vm7, v50, v6  }
0x33a: {  	v63 =	vld.idx.msk [tilespmem:v15+s17+$0x0], $0xffff;
	v56 =	vsel vm15, v18, v10;
	vm9 =	vge.f32 v14, v2;
	vm13 =	vgt.f32 v58, v17  }
0x33b: {  	v49 =	vld.idx.msk [tilespmem:v53+s17+$0x0], $0xffff;
	v2 =	vsel vm9, v14, v2;
	v3 =	vsel vm9, v5, v3;
	vm14 =	vgt.f32 v60, v39  }
0x33c: {  	v47 =	vld.idx.msk [tilespmem:v55+s17+$0x0], $0xffff;
	vm10 =	vgt.f32 v41, v0;
	v52 =	vsel vm13, v58, v17;
	v57 =	vsel vm13, v32, v48  }
0x33d: {  	v54 =	vld.idx.msk [tilespmem:v16+s17+$0x0], $0xffff;
	v58 =	vsel vm15, v61, v45;
	v23 =	vsel vm14, v60, v39;
	v6 =	vsel vm14, v51, v6  }
0x33e: {  	vm11 =	vgt.f32 v44, v52;
	v59 =	vsel vm10, v25, v62;
	vm12 =	vgt.f32 v46, v58  }
0x33f: {  	v0 =	vsel vm10, v41, v0;
	vm3 =	vgt.f32 v63, v23;
	v11 =	vsel vm11, v44, v52  }
0x340: {  	v10 =	vsel vm11, v12, v57;
	v18 =	vsel vm12, v46, v58;
	v9 =	vsel vm12, v13, v56  }
0x341: {  	v23 =	vsel vm3, v63, v23;
	vm13 =	vgt.f32 v47, v7;
	vm14 =	vgt.f32 v49, v11  }
0x342: {  	vm15 =	vgt.f32 v54, v18;
	v6 =	vsel vm3, v15, v6;
	v7 =	vsel vm13, v47, v7  }
0x343: {  	v11 =	vsel vm14, v49, v11;
	v10 =	vsel vm14, v53, v10;
	v17 =	vsel vm15, v54, v18  }
0x344: {  	s0 =	sshll.u32 s30, $0x4;
	v8 =	vsel vm13, v55, v43;
	v9 =	vsel vm15, v16, v9;
	vm12 =	vge.f32 v23, v1  }
0x345: {  	s0 =	sand.u32 $0x3FFFFFF0, s0;
	vm10 =	vge.f32 v7, v17;
	vm11 =	vge.f32 v11, v0;
	v1 =	vsel vm12, v23, v1  }
0x346: {  	v62 =	vld [tilespmem:s0+$0x18080];
	v4 =	vsel vm12, v6, v4;
	v60 =	vsel vm10, v7, v17;
	v0 =	vsel vm11, v11, v0  }
0x347: {  	v61 =	vsel vm10, v8, v9;
	vm13 =	vge.f32 v2, v60;
	vm14 =	vge.f32 v0, v1  }
0x348: {  	v63 =	vsel vm11, v10, v59;
	v2 =	vsel vm13, v2, v60;
	v0 =	vsel vm14, v0, v1  }
0x349: {  	v1 =	vsel vm13, v3, v61;
	v3 =	vsel vm14, v63, v4;
	vm15 =	vge.f32 v2, v0  }
0x34a: {  	v0 =	vsel vm15, v1, v3  }
0x34b: {  	vm0 =	vne.s32 v62, v0;
	_ =	sdelay $0x1  }
0x34c: {  	s30 =	sadd.s32 $0x1, s30  }
0x34d: {  	p0 =	sne.s32 s30, $0x8  }
.Ltmp12:
0x34e: {  	_ = 	snop;
	(pc) =	sbr.rel @p0 .LBB2_23-.Ltmp12, $4  }
0x34f: {  	v1 =	vimm.f32 $0.0e+00  }
0x350: {  	v2 =	vimm.f32 $1.000000000e+00;
	[tilespmem:v62+s22+$0x0] =	vst.idx.msk vm0, v1  }
0x351: {  	[tilespmem:v0+s22+$0x0] =	vst.idx.msk $0xffff, v2  }
0x352: {  	[tilespmem:s0+$0x18080] =	vst v0  }
0x353: {  	[hbm4b:s15+s4] =	stream.linear.scatter [tilespmem:s22], [sflag:$0x5], $0x4000, $0x38;
	[tilespmem:$0x18180] =	vst v63  }
0x354: {  	_ =	swait.ge [sflag:s28], $0x4000  }
0x355: {  	[sflag:s28] =	ssyncset.done $0x0  }
0x356: {  	s29 =	sadd.s32 $0x1, s29;
	[sflag:s28] =	ssyncadd.s32 $0xFFFFC000  }
0x357: {  	p0 =	sne.s32 s29, s16;
	_ =	swait.ge [sflag:s25], $0x4000  }
.Ltmp13:
0x358: {  	[sflag:s25] =	ssyncset.done $0x0;
	(pc) =	sbr.rel @p0 .LBB2_1-.Ltmp13, $4  }
0x359: {  	[sflag:s25] =	ssyncadd.s32 $0xFFFFC000  }
0x35a: {  	_ =	swait.ge [sflag:s26], $0x4000  }
0x35b: {  	[sflag:s26] =	ssyncset.done $0x0  }
0x35c: {  	[sflag:s26] =	ssyncadd.s32 $0xFFFFC000  }
0x35d: {  	_ =	sfence.sel $0x180000  }
0x35e: {  	[bflag:$0x0] =	sbarrier.arrive $0xFFFF  }
0x35f: {  	_ =	strace $0x90000047  }
0x360: {  	s0 =	stileid.u32;
	[bflag:$0x2] =	sbarrier.arrive $0xFFFF  }
0x361: {  	p0 =	sne.s32 s0, $0x0;
	s0 =	rddreg [dreg:$0x2]  }
0x362: {  	s0 =	sadd.s32 @!p0 $0x100000, s0  }
0x363: {  	[sflag:s0] =	ssyncadd.tile.s32 @!p0 $0x1;
	_ =	shalt  }
.Lfunc_end2:
_tile_overlayer_lowered:
.L_overlay_start_2:
0x364: {  	(tag) =	ssettag $0x2  }
0x365: {  	s0 =	rddreg [dreg:$0x0];
	s2 =	stileid.u32  }
0x366: {  	s1 =	rddreg [dreg:$0x1];
	p0 =	sne.s32 s2, $0x0  }
0x367: {  	s3 =	rddreg [dreg:$0x2];
	[bflag:$0x3] =	sbarrier.arrive $0xFFFF;
	s2 =	simm.s32 @!p0 $0x1C07  }
0x368: {  	[timem:s3], [sflag:s2] =	dma.local @!p0 [hbm:s0], s1  }
0x369: {  	s0 =	simm.s32 @!p0 $0x7  }
0x36a: {  	_ =	swait.ge @!p0 [sflag:s0], s1  }
0x36b: {  	s1 =	ssub.s32 @!p0 $0x0, s1;
	[sflag:s0] =	ssyncset.done @!p0 $0x0  }
0x36c: {  	[sflag:s0] =	ssyncadd.s32 @!p0 s1  }
0x36d: {  	[bflag:$0x3] =	sbarrier.arrive $0xFFFF  }
0x36e: {  	_ =	shalt  }

</sc_bundles>
